<compile_context>
chip_gen: v7x
topology: tpu7x:2x2x1
jax: 0.10.2.dev20260603
libtpu: 0.0.44.dev20260713+nightly
codegen_flags: <defaults>
</compile_context>

<pallas_src>
import jax
import jax.numpy as jnp
from jax import lax
from jax.experimental import pallas as pl
from jax.experimental.pallas import tpu as pltpu
from jax.experimental.pallas import tpu_sc as plsc

_B = 16384
_D = 128
_MARGIN = 1.0
_NC = 2
_NS = 16
_NW = _NC * _NS
_SLICES = (8192, 8192)
_C = 64


def _gather6(gbase, bs, h_ids, r_ids, t_ids, ent_emb, rel_emb, ent_tr, rel_tr):
    bpw = bs // _NW
    nch = bpw // _C
    npair = nch // 2
    mesh = plsc.VectorSubcoreMesh(
        core_axis_name="c", subcore_axis_name="s",
        num_cores=_NC, num_subcores=_NS)
    row = jax.ShapeDtypeStruct((bs, _D), jnp.float32)

    def body(h_ref, r_ref, t_ref, ee_ref, re_ref, et_ref, rt_ref,
             oh, orl, ot, ohtr, ortr, ottr,
             hidx, ridx, tidx, bufs, gs0, gs1, ws0, ws1):
        wid = lax.axis_index("s") * _NC + lax.axis_index("c")
        base = wid * bpw
        pltpu.sync_copy(h_ref.at[pl.ds(gbase + base, bpw)], hidx)
        pltpu.sync_copy(r_ref.at[pl.ds(gbase + base, bpw)], ridx)
        pltpu.sync_copy(t_ref.at[pl.ds(gbase + base, bpw)], tidx)
        jobs = ((ee_ref, hidx, oh), (re_ref, ridx, orl), (ee_ref, tidx, ot),
                (et_ref, hidx, ohtr), (rt_ref, ridx, ortr), (et_ref, tidx, ottr))

        def g_desc(c, p, sem):
            off = c * _C
            return [pltpu.make_async_copy(tbl.at[idx.at[pl.ds(off, _C)]],
                                          bufs.at[p, j], sem)
                    for j, (tbl, idx, _) in enumerate(jobs)]

        def wb_desc(c, p, sem):
            off = c * _C
            return [pltpu.make_async_copy(bufs.at[p, j],
                                          out.at[pl.ds(base + off, _C)], sem)
                    for j, (_, _, out) in enumerate(jobs)]

        for dsc in g_desc(0, 0, gs0):
            dsc.start()

        def pair(k, carry):
            c0 = 2 * k
            c1 = c0 + 1
            for dsc in g_desc(c0, 0, gs0):
                dsc.wait()

            @pl.when(k > 0)
            def _():
                for dsc in wb_desc(c1 - 2, 1, ws1):
                    dsc.wait()

            for dsc in g_desc(c1, 1, gs1):
                dsc.start()
            for dsc in wb_desc(c0, 0, ws0):
                dsc.start()
            for dsc in g_desc(c1, 1, gs1):
                dsc.wait()

            @pl.when(k + 1 < npair)
            def _():
                for dsc in wb_desc(c0, 0, ws0):
                    dsc.wait()
                for dsc in g_desc(c0 + 2, 0, gs0):
                    dsc.start()

            for dsc in wb_desc(c1, 1, ws1):
                dsc.start()
            return carry

        lax.fori_loop(0, npair, pair, 0)
        for dsc in wb_desc(nch - 2, 0, ws0):
            dsc.wait()
        for dsc in wb_desc(nch - 1, 1, ws1):
            dsc.wait()

    fn = pl.kernel(
        body,
        out_type=(row,) * 6,
        mesh=mesh,
        scratch_types=[
            pltpu.VMEM((bpw,), jnp.int32),
            pltpu.VMEM((bpw,), jnp.int32),
            pltpu.VMEM((bpw,), jnp.int32),
            pltpu.VMEM((2, 6, _C, _D), jnp.float32),
            pltpu.SemaphoreType.DMA,
            pltpu.SemaphoreType.DMA,
            pltpu.SemaphoreType.DMA,
            pltpu.SemaphoreType.DMA,
        ],
    )
    return fn(h_ids, r_ids, t_ids, ent_emb, rel_emb, ent_tr, rel_tr)


def _l2n(x):
    n = jnp.sqrt(jnp.sum(x * x, axis=-1, keepdims=True))
    return x / jnp.maximum(n, 1e-12)


def _score_body(h_ref, r_ref, t_ref, htr_ref, rtr_ref, ttr_ref, o_ref):
    head = h_ref[...]
    rel = r_ref[...]
    tail = t_ref[...]
    h_tr = htr_ref[...]
    r_tr = rtr_ref[...]
    t_tr = ttr_ref[...]
    hh = _l2n(head + jnp.sum(head * h_tr, axis=-1, keepdims=True) * r_tr)
    tt = _l2n(tail + jnp.sum(tail * t_tr, axis=-1, keepdims=True) * r_tr)
    rr = _l2n(rel)
    o_ref[...] = _MARGIN - jnp.sum(jnp.abs(hh + rr - tt), axis=-1)


_ROWS_PER_BLOCK = 1024


def _score(bs, gh, gr, gt, ghtr, grtr, gttr):
    in_spec = pl.BlockSpec((_ROWS_PER_BLOCK, _D), lambda i: (i, 0))
    return pl.pallas_call(
        _score_body,
        grid=(bs // _ROWS_PER_BLOCK,),
        in_specs=[in_spec] * 6,
        out_specs=pl.BlockSpec((_ROWS_PER_BLOCK,), lambda i: (i,)),
        out_shape=jax.ShapeDtypeStruct((bs,), jnp.float32),
    )(gh, gr, gt, ghtr, grtr, gttr)


def kernel(sample, ent_embeddings, rel_embeddings, ent_transfer, rel_transfer):
    h_ids = sample[:, 0]
    r_ids = sample[:, 1]
    t_ids = sample[:, 2]
    scores = []
    gbase = 0
    for bs in _SLICES:
        g = _gather6(gbase, bs, h_ids, r_ids, t_ids,
                     ent_embeddings, rel_embeddings, ent_transfer, rel_transfer)
        scores.append(_score(bs, *g))
        gbase += bs
    return jnp.concatenate(scores)

# --- scband reference (transcript-rebuilt; emitter-appended) ---
"""Pipeline reference for scband-kgemodel-52364241273246 (READ-ONLY COPY).

The authoritative reference and input builder live on the scoring server;
editing this copy changes nothing except your own understanding.
"""

import jax, jax.numpy as jnp
import numpy as np

ENT_TOT = 100000
REL_TOT = 100000
DIM = 128
MARGIN = 1.0
EPSILON = 2.0
B = 16384


def _l2_normalize(x):
    n = jnp.sqrt(jnp.sum(x * x, axis=-1, keepdims=True))
    return x / jnp.maximum(n, 1e-12)


def setup_inputs(seed: int = 0) -> dict:
    key = jax.random.key(seed)
    k1, k2, k3, k4, k5 = jax.random.split(key, 5)
    rng = (MARGIN + EPSILON) / DIM
    sample = jax.random.randint(k1, (B, 3), 0, 100000, dtype=jnp.int32)
    ent_embeddings = jax.random.uniform(k2, (ENT_TOT, DIM), minval=-rng, maxval=rng, dtype=jnp.float32)
    rel_embeddings = jax.random.uniform(k3, (REL_TOT, DIM), minval=-rng, maxval=rng, dtype=jnp.float32)
    ent_transfer = jax.random.uniform(k4, (ENT_TOT, DIM), minval=-rng, maxval=rng, dtype=jnp.float32)
    rel_transfer = jax.random.uniform(k5, (REL_TOT, DIM), minval=-rng, maxval=rng, dtype=jnp.float32)
    return {
        'sample': sample,
        'ent_embeddings': ent_embeddings,
        'rel_embeddings': rel_embeddings,
        'ent_transfer': ent_transfer,
        'rel_transfer': rel_transfer,
    }


def reference(sample, ent_embeddings, rel_embeddings, ent_transfer, rel_transfer):
    # mode == 'normal'
    head = jnp.take(ent_embeddings, sample[:, 0], axis=0)[:, None, :]
    relation = jnp.take(rel_embeddings, sample[:, 1], axis=0)[:, None, :]
    tail = jnp.take(ent_embeddings, sample[:, 2], axis=0)[:, None, :]
    h_transfer = jnp.take(ent_transfer, sample[:, 0], axis=0)[:, None, :]
    r_transfer = jnp.take(rel_transfer, sample[:, 1], axis=0)[:, None, :]
    t_transfer = jnp.take(ent_transfer, sample[:, 2], axis=0)[:, None, :]

    def _transfer(e, e_tr, r_tr):
        # dim_e == dim_r so _resize is identity
        return _l2_normalize(e + jnp.sum(e * e_tr, axis=-1, keepdims=True) * r_tr)

    head = _transfer(head, h_transfer, r_transfer)
    tail = _transfer(tail, t_transfer, r_transfer)

    # _calc, norm_flag=True, p_norm=1, mode='normal'
    h = _l2_normalize(head)
    r = _l2_normalize(relation)
    t = _l2_normalize(tail)
    score = h + r - t
    score = jnp.sum(jnp.abs(score), axis=-1).reshape(-1)
    return MARGIN - score

if __name__ == "__main__":
    import jax
    _d = setup_inputs()
    print(jax.jit(kernel)(*tuple(_d.values())))

</pallas_src>

<mosaic_0001>
#map = affine_map<(d0, d1) -> (0)>
#map1 = affine_map<(d0, d1) -> (0, 0)>
module attributes {stable_mosaic.version = 14 : i64} {
  func.func @body(%arg0: i32, %arg1: i32, %arg2: memref<16384xi32, #tpu.memory_space<hbm>>, %arg3: memref<16384xi32, #tpu.memory_space<hbm>>, %arg4: memref<16384xi32, #tpu.memory_space<hbm>>, %arg5: memref<100000x128xf32, #tpu.memory_space<hbm>>, %arg6: memref<100000x128xf32, #tpu.memory_space<hbm>>, %arg7: memref<100000x128xf32, #tpu.memory_space<hbm>>, %arg8: memref<100000x128xf32, #tpu.memory_space<hbm>>, %arg9: memref<8192x128xf32, #tpu.memory_space<hbm>>, %arg10: memref<8192x128xf32, #tpu.memory_space<hbm>>, %arg11: memref<8192x128xf32, #tpu.memory_space<hbm>>, %arg12: memref<8192x128xf32, #tpu.memory_space<hbm>>, %arg13: memref<8192x128xf32, #tpu.memory_space<hbm>>, %arg14: memref<8192x128xf32, #tpu.memory_space<hbm>>, %arg15: memref<256xi32, #tpu.memory_space<vmem>>, %arg16: memref<256xi32, #tpu.memory_space<vmem>>, %arg17: memref<256xi32, #tpu.memory_space<vmem>>, %arg18: memref<2x6x64x128xf32, #tpu.memory_space<vmem>>, %arg19: memref<!tpu.dma_semaphore, #tpu.memory_space<semaphore_mem>>, %arg20: memref<!tpu.dma_semaphore, #tpu.memory_space<semaphore_mem>>, %arg21: memref<!tpu.dma_semaphore, #tpu.memory_space<semaphore_mem>>, %arg22: memref<!tpu.dma_semaphore, #tpu.memory_space<semaphore_mem>>) attributes {dimension_semantics = [#tpu.dimension_semantics<core_parallel>, #tpu.dimension_semantics<subcore_parallel>], iteration_bounds = array<i64: 2, 16>, scalar_prefetch = 0 : i64, scratch_operands = 8 : i64, tpu.core_type = #tpu.core_type<sc_vector_subcore>, window_params = [{transform_indices = #map}, {transform_indices = #map}, {transform_indices = #map}, {transform_indices = #map1}, {transform_indices = #map1}, {transform_indices = #map1}, {transform_indices = #map1}, {transform_indices = #map1}, {transform_indices = #map1}, {transform_indices = #map1}, {transform_indices = #map1}, {transform_indices = #map1}, {transform_indices = #map1}]} {
    %mul3A = arith.constant 2 : i32
    %mul3A_0 = arith.muli %arg1, %mul3A : i32
    %add3A = arith.addi %mul3A_0, %arg0 : i32
    %mul3A_1 = arith.constant 256 : i32
    %mul3A_2 = arith.muli %add3A, %mul3A_1 : i32
    %add3A_3 = arith.constant 0 : i32
    %add3A_4 = arith.addi %add3A_3, %mul3A_2 : i32
    "tpu.region"() ({
      %run_scoped3A = tpu.sem_alloc : memref<!tpu.dma_semaphore, #tpu.memory_space<semaphore_mem>>
      %dma_start3A_270 = tpu.memref_slice %arg2[%add3A_4] : memref<16384xi32, #tpu.memory_space<hbm>> -> memref<256xi32, #tpu.memory_space<hbm>>
      %dma_start3A_271 = tpu.memref_slice %arg2[%add3A_4] : memref<16384xi32, #tpu.memory_space<hbm>> -> memref<256xi32, #tpu.memory_space<hbm>>
      tpu.enqueue_dma source(%dma_start3A_271 : memref<256xi32, #tpu.memory_space<hbm>>) target(%arg15 : memref<256xi32, #tpu.memory_space<vmem>>) target_semaphore(%run_scoped3A : memref<!tpu.dma_semaphore, #tpu.memory_space<semaphore_mem>>)
      %dma_wait3A_272 = tpu.memref_slice %arg2[%add3A_4] : memref<16384xi32, #tpu.memory_space<hbm>> -> memref<256xi32, #tpu.memory_space<hbm>>
      %dma_wait3A_273 = tpu.memref_slice %arg2[%add3A_4] : memref<16384xi32, #tpu.memory_space<hbm>> -> memref<256xi32, #tpu.memory_space<hbm>>
      tpu.wait_dma2 semaphore(%run_scoped3A : memref<!tpu.dma_semaphore, #tpu.memory_space<semaphore_mem>>) src(%dma_wait3A_273 : memref<256xi32, #tpu.memory_space<hbm>>) dst(%arg15 : memref<256xi32, #tpu.memory_space<vmem>>)
      tpu.yield
    }) : () -> ()
    %add3A_5 = arith.constant 0 : i32
    %add3A_6 = arith.addi %add3A_5, %mul3A_2 : i32
    "tpu.region"() ({
      %run_scoped3A = tpu.sem_alloc : memref<!tpu.dma_semaphore, #tpu.memory_space<semaphore_mem>>
      %dma_start3A_270 = tpu.memref_slice %arg3[%add3A_6] : memref<16384xi32, #tpu.memory_space<hbm>> -> memref<256xi32, #tpu.memory_space<hbm>>
      %dma_start3A_271 = tpu.memref_slice %arg3[%add3A_6] : memref<16384xi32, #tpu.memory_space<hbm>> -> memref<256xi32, #tpu.memory_space<hbm>>
      tpu.enqueue_dma source(%dma_start3A_271 : memref<256xi32, #tpu.memory_space<hbm>>) target(%arg16 : memref<256xi32, #tpu.memory_space<vmem>>) target_semaphore(%run_scoped3A : memref<!tpu.dma_semaphore, #tpu.memory_space<semaphore_mem>>)
      %dma_wait3A_272 = tpu.memref_slice %arg3[%add3A_6] : memref<16384xi32, #tpu.memory_space<hbm>> -> memref<256xi32, #tpu.memory_space<hbm>>
      %dma_wait3A_273 = tpu.memref_slice %arg3[%add3A_6] : memref<16384xi32, #tpu.memory_space<hbm>> -> memref<256xi32, #tpu.memory_space<hbm>>
      tpu.wait_dma2 semaphore(%run_scoped3A : memref<!tpu.dma_semaphore, #tpu.memory_space<semaphore_mem>>) src(%dma_wait3A_273 : memref<256xi32, #tpu.memory_space<hbm>>) dst(%arg16 : memref<256xi32, #tpu.memory_space<vmem>>)
      tpu.yield
    }) : () -> ()
    %add3A_7 = arith.constant 0 : i32
    %add3A_8 = arith.addi %add3A_7, %mul3A_2 : i32
    "tpu.region"() ({
      %run_scoped3A = tpu.sem_alloc : memref<!tpu.dma_semaphore, #tpu.memory_space<semaphore_mem>>
      %dma_start3A_270 = tpu.memref_slice %arg4[%add3A_8] : memref<16384xi32, #tpu.memory_space<hbm>> -> memref<256xi32, #tpu.memory_space<hbm>>
      %dma_start3A_271 = tpu.memref_slice %arg4[%add3A_8] : memref<16384xi32, #tpu.memory_space<hbm>> -> memref<256xi32, #tpu.memory_space<hbm>>
      tpu.enqueue_dma source(%dma_start3A_271 : memref<256xi32, #tpu.memory_space<hbm>>) target(%arg17 : memref<256xi32, #tpu.memory_space<vmem>>) target_semaphore(%run_scoped3A : memref<!tpu.dma_semaphore, #tpu.memory_space<semaphore_mem>>)
      %dma_wait3A_272 = tpu.memref_slice %arg4[%add3A_8] : memref<16384xi32, #tpu.memory_space<hbm>> -> memref<256xi32, #tpu.memory_space<hbm>>
      %dma_wait3A_273 = tpu.memref_slice %arg4[%add3A_8] : memref<16384xi32, #tpu.memory_space<hbm>> -> memref<256xi32, #tpu.memory_space<hbm>>
      tpu.wait_dma2 semaphore(%run_scoped3A : memref<!tpu.dma_semaphore, #tpu.memory_space<semaphore_mem>>) src(%dma_wait3A_273 : memref<256xi32, #tpu.memory_space<hbm>>) dst(%arg17 : memref<256xi32, #tpu.memory_space<vmem>>)
      tpu.yield
    }) : () -> ()
    %dma_start3A = arith.constant 0 : i32
    %dma_start3A_9 = arith.constant 0 : i32
    %dma_start3A_10 = arith.constant 0 : i32
    %dma_start3A_11 = arith.constant 0 : i32
    %dma_start3A_12 = tpu.memref_slice %arg18[%dma_start3A, %dma_start3A_9, %dma_start3A_10, %dma_start3A_11] : memref<2x6x64x128xf32, #tpu.memory_space<vmem>> -> memref<1x1x64x128xf32, #tpu.memory_space<vmem>>
    %dma_start3A_13 = tpu.memref_squeeze %dma_start3A_12 : memref<1x1x64x128xf32, #tpu.memory_space<vmem>> -> memref<64x128xf32, #tpu.memory_space<vmem>>
    %dma_start3A_14 = arith.constant 0 : i32
    %dma_start3A_15 = tpu.memref_slice %arg15[%dma_start3A_14] : memref<256xi32, #tpu.memory_space<vmem>> -> memref<64xi32, #tpu.memory_space<vmem>>
    %dma_start3A_16 = arith.constant 0 : i32
    %dma_start3A_17 = arith.constant 0 : i32
    %dma_start3A_18 = tpu.memref_slice %arg5[%dma_start3A_16, %dma_start3A_17] : memref<100000x128xf32, #tpu.memory_space<hbm>> -> memref<100000x128xf32, #tpu.memory_space<hbm>>
    tpu.enqueue_indirect_dma source(%dma_start3A_18 : memref<100000x128xf32, #tpu.memory_space<hbm>>) target(%dma_start3A_13 : memref<64x128xf32, #tpu.memory_space<vmem>>) offsets(%dma_start3A_15 : memref<64xi32, #tpu.memory_space<vmem>>) semaphore(%arg19 : memref<!tpu.dma_semaphore, #tpu.memory_space<semaphore_mem>>)
    %dma_start3A_19 = arith.constant 0 : i32
    %dma_start3A_20 = arith.constant 1 : i32
    %dma_start3A_21 = arith.constant 0 : i32
    %dma_start3A_22 = arith.constant 0 : i32
    %dma_start3A_23 = tpu.memref_slice %arg18[%dma_start3A_19, %dma_start3A_20, %dma_start3A_21, %dma_start3A_22] : memref<2x6x64x128xf32, #tpu.memory_space<vmem>> -> memref<1x1x64x128xf32, #tpu.memory_space<vmem>>
    %dma_start3A_24 = tpu.memref_squeeze %dma_start3A_23 : memref<1x1x64x128xf32, #tpu.memory_space<vmem>> -> memref<64x128xf32, #tpu.memory_space<vmem>>
    %dma_start3A_25 = arith.constant 0 : i32
    %dma_start3A_26 = tpu.memref_slice %arg16[%dma_start3A_25] : memref<256xi32, #tpu.memory_space<vmem>> -> memref<64xi32, #tpu.memory_space<vmem>>
    %dma_start3A_27 = arith.constant 0 : i32
    %dma_start3A_28 = arith.constant 0 : i32
    %dma_start3A_29 = tpu.memref_slice %arg6[%dma_start3A_27, %dma_start3A_28] : memref<100000x128xf32, #tpu.memory_space<hbm>> -> memref<100000x128xf32, #tpu.memory_space<hbm>>
    tpu.enqueue_indirect_dma source(%dma_start3A_29 : memref<100000x128xf32, #tpu.memory_space<hbm>>) target(%dma_start3A_24 : memref<64x128xf32, #tpu.memory_space<vmem>>) offsets(%dma_start3A_26 : memref<64xi32, #tpu.memory_space<vmem>>) semaphore(%arg19 : memref<!tpu.dma_semaphore, #tpu.memory_space<semaphore_mem>>)
    %dma_start3A_30 = arith.constant 0 : i32
    %dma_start3A_31 = arith.constant 2 : i32
    %dma_start3A_32 = arith.constant 0 : i32
    %dma_start3A_33 = arith.constant 0 : i32
    %dma_start3A_34 = tpu.memref_slice %arg18[%dma_start3A_30, %dma_start3A_31, %dma_start3A_32, %dma_start3A_33] : memref<2x6x64x128xf32, #tpu.memory_space<vmem>> -> memref<1x1x64x128xf32, #tpu.memory_space<vmem>>
    %dma_start3A_35 = tpu.memref_squeeze %dma_start3A_34 : memref<1x1x64x128xf32, #tpu.memory_space<vmem>> -> memref<64x128xf32, #tpu.memory_space<vmem>>
    %dma_start3A_36 = arith.constant 0 : i32
    %dma_start3A_37 = tpu.memref_slice %arg17[%dma_start3A_36] : memref<256xi32, #tpu.memory_space<vmem>> -> memref<64xi32, #tpu.memory_space<vmem>>
    %dma_start3A_38 = arith.constant 0 : i32
    %dma_start3A_39 = arith.constant 0 : i32
    %dma_start3A_40 = tpu.memref_slice %arg5[%dma_start3A_38, %dma_start3A_39] : memref<100000x128xf32, #tpu.memory_space<hbm>> -> memref<100000x128xf32, #tpu.memory_space<hbm>>
    tpu.enqueue_indirect_dma source(%dma_start3A_40 : memref<100000x128xf32, #tpu.memory_space<hbm>>) target(%dma_start3A_35 : memref<64x128xf32, #tpu.memory_space<vmem>>) offsets(%dma_start3A_37 : memref<64xi32, #tpu.memory_space<vmem>>) semaphore(%arg19 : memref<!tpu.dma_semaphore, #tpu.memory_space<semaphore_mem>>)
    %dma_start3A_41 = arith.constant 0 : i32
    %dma_start3A_42 = arith.constant 3 : i32
    %dma_start3A_43 = arith.constant 0 : i32
    %dma_start3A_44 = arith.constant 0 : i32
    %dma_start3A_45 = tpu.memref_slice %arg18[%dma_start3A_41, %dma_start3A_42, %dma_start3A_43, %dma_start3A_44] : memref<2x6x64x128xf32, #tpu.memory_space<vmem>> -> memref<1x1x64x128xf32, #tpu.memory_space<vmem>>
    %dma_start3A_46 = tpu.memref_squeeze %dma_start3A_45 : memref<1x1x64x128xf32, #tpu.memory_space<vmem>> -> memref<64x128xf32, #tpu.memory_space<vmem>>
    %dma_start3A_47 = arith.constant 0 : i32
    %dma_start3A_48 = tpu.memref_slice %arg15[%dma_start3A_47] : memref<256xi32, #tpu.memory_space<vmem>> -> memref<64xi32, #tpu.memory_space<vmem>>
    %dma_start3A_49 = arith.constant 0 : i32
    %dma_start3A_50 = arith.constant 0 : i32
    %dma_start3A_51 = tpu.memref_slice %arg7[%dma_start3A_49, %dma_start3A_50] : memref<100000x128xf32, #tpu.memory_space<hbm>> -> memref<100000x128xf32, #tpu.memory_space<hbm>>
    tpu.enqueue_indirect_dma source(%dma_start3A_51 : memref<100000x128xf32, #tpu.memory_space<hbm>>) target(%dma_start3A_46 : memref<64x128xf32, #tpu.memory_space<vmem>>) offsets(%dma_start3A_48 : memref<64xi32, #tpu.memory_space<vmem>>) semaphore(%arg19 : memref<!tpu.dma_semaphore, #tpu.memory_space<semaphore_mem>>)
    %dma_start3A_52 = arith.constant 0 : i32
    %dma_start3A_53 = arith.constant 4 : i32
    %dma_start3A_54 = arith.constant 0 : i32
    %dma_start3A_55 = arith.constant 0 : i32
    %dma_start3A_56 = tpu.memref_slice %arg18[%dma_start3A_52, %dma_start3A_53, %dma_start3A_54, %dma_start3A_55] : memref<2x6x64x128xf32, #tpu.memory_space<vmem>> -> memref<1x1x64x128xf32, #tpu.memory_space<vmem>>
    %dma_start3A_57 = tpu.memref_squeeze %dma_start3A_56 : memref<1x1x64x128xf32, #tpu.memory_space<vmem>> -> memref<64x128xf32, #tpu.memory_space<vmem>>
    %dma_start3A_58 = arith.constant 0 : i32
    %dma_start3A_59 = tpu.memref_slice %arg16[%dma_start3A_58] : memref<256xi32, #tpu.memory_space<vmem>> -> memref<64xi32, #tpu.memory_space<vmem>>
    %dma_start3A_60 = arith.constant 0 : i32
    %dma_start3A_61 = arith.constant 0 : i32
    %dma_start3A_62 = tpu.memref_slice %arg8[%dma_start3A_60, %dma_start3A_61] : memref<100000x128xf32, #tpu.memory_space<hbm>> -> memref<100000x128xf32, #tpu.memory_space<hbm>>
    tpu.enqueue_indirect_dma source(%dma_start3A_62 : memref<100000x128xf32, #tpu.memory_space<hbm>>) target(%dma_start3A_57 : memref<64x128xf32, #tpu.memory_space<vmem>>) offsets(%dma_start3A_59 : memref<64xi32, #tpu.memory_space<vmem>>) semaphore(%arg19 : memref<!tpu.dma_semaphore, #tpu.memory_space<semaphore_mem>>)
    %dma_start3A_63 = arith.constant 0 : i32
    %dma_start3A_64 = arith.constant 5 : i32
    %dma_start3A_65 = arith.constant 0 : i32
    %dma_start3A_66 = arith.constant 0 : i32
    %dma_start3A_67 = tpu.memref_slice %arg18[%dma_start3A_63, %dma_start3A_64, %dma_start3A_65, %dma_start3A_66] : memref<2x6x64x128xf32, #tpu.memory_space<vmem>> -> memref<1x1x64x128xf32, #tpu.memory_space<vmem>>
    %dma_start3A_68 = tpu.memref_squeeze %dma_start3A_67 : memref<1x1x64x128xf32, #tpu.memory_space<vmem>> -> memref<64x128xf32, #tpu.memory_space<vmem>>
    %dma_start3A_69 = arith.constant 0 : i32
    %dma_start3A_70 = tpu.memref_slice %arg17[%dma_start3A_69] : memref<256xi32, #tpu.memory_space<vmem>> -> memref<64xi32, #tpu.memory_space<vmem>>
    %dma_start3A_71 = arith.constant 0 : i32
    %dma_start3A_72 = arith.constant 0 : i32
    %dma_start3A_73 = tpu.memref_slice %arg7[%dma_start3A_71, %dma_start3A_72] : memref<100000x128xf32, #tpu.memory_space<hbm>> -> memref<100000x128xf32, #tpu.memory_space<hbm>>
    tpu.enqueue_indirect_dma source(%dma_start3A_73 : memref<100000x128xf32, #tpu.memory_space<hbm>>) target(%dma_start3A_68 : memref<64x128xf32, #tpu.memory_space<vmem>>) offsets(%dma_start3A_70 : memref<64xi32, #tpu.memory_space<vmem>>) semaphore(%arg19 : memref<!tpu.dma_semaphore, #tpu.memory_space<semaphore_mem>>)
    %scan3A = arith.constant 0 : i32
    %scan3A_74 = arith.constant 0 : i32
    %scan3A_75 = arith.constant 2 : i32
    %scan3A_76 = arith.addi %scan3A_74, %scan3A_75 : i32
    %scan3A_77 = arith.constant 1 : i32
    scf.for %scan3A_270 = %scan3A_74 to %scan3A_76 step %scan3A_77  : i32 {
      %mul3A_271 = arith.constant 2 : i32
      %mul3A_272 = arith.muli %mul3A_271, %scan3A_270 : i32
      %add3A_273 = arith.constant 1 : i32
      %add3A_274 = arith.addi %mul3A_272, %add3A_273 : i32
      %mul3A_275 = arith.constant 64 : i32
      %mul3A_276 = arith.muli %mul3A_272, %mul3A_275 : i32
      %dma_wait3A_277 = arith.constant 0 : i32
      %dma_wait3A_278 = arith.constant 0 : i32
      %dma_wait3A_279 = arith.constant 0 : i32
      %dma_wait3A_280 = arith.constant 0 : i32
      %dma_wait3A_281 = tpu.memref_slice %arg18[%dma_wait3A_277, %dma_wait3A_278, %dma_wait3A_279, %dma_wait3A_280] : memref<2x6x64x128xf32, #tpu.memory_space<vmem>> -> memref<1x1x64x128xf32, #tpu.memory_space<vmem>>
      %dma_wait3A_282 = tpu.memref_squeeze %dma_wait3A_281 : memref<1x1x64x128xf32, #tpu.memory_space<vmem>> -> memref<64x128xf32, #tpu.memory_space<vmem>>
      %dma_wait3A_283 = tpu.memref_slice %arg15[%mul3A_276] : memref<256xi32, #tpu.memory_space<vmem>> -> memref<64xi32, #tpu.memory_space<vmem>>
      %dma_wait3A_284 = arith.constant 0 : i32
      %dma_wait3A_285 = arith.constant 0 : i32
      %dma_wait3A_286 = tpu.memref_slice %arg5[%dma_wait3A_284, %dma_wait3A_285] : memref<100000x128xf32, #tpu.memory_space<hbm>> -> memref<100000x128xf32, #tpu.memory_space<hbm>>
      tpu.wait_indirect_dma semaphore(%arg19 : memref<!tpu.dma_semaphore, #tpu.memory_space<semaphore_mem>>) src(%dma_wait3A_286 : memref<100000x128xf32, #tpu.memory_space<hbm>>) dst(%dma_wait3A_282 : memref<64x128xf32, #tpu.memory_space<vmem>>)
      %dma_wait3A_287 = arith.constant 0 : i32
      %dma_wait3A_288 = arith.constant 1 : i32
      %dma_wait3A_289 = arith.constant 0 : i32
      %dma_wait3A_290 = arith.constant 0 : i32
      %dma_wait3A_291 = tpu.memref_slice %arg18[%dma_wait3A_287, %dma_wait3A_288, %dma_wait3A_289, %dma_wait3A_290] : memref<2x6x64x128xf32, #tpu.memory_space<vmem>> -> memref<1x1x64x128xf32, #tpu.memory_space<vmem>>
      %dma_wait3A_292 = tpu.memref_squeeze %dma_wait3A_291 : memref<1x1x64x128xf32, #tpu.memory_space<vmem>> -> memref<64x128xf32, #tpu.memory_space<vmem>>
      %dma_wait3A_293 = tpu.memref_slice %arg16[%mul3A_276] : memref<256xi32, #tpu.memory_space<vmem>> -> memref<64xi32, #tpu.memory_space<vmem>>
      %dma_wait3A_294 = arith.constant 0 : i32
      %dma_wait3A_295 = arith.constant 0 : i32
      %dma_wait3A_296 = tpu.memref_slice %arg6[%dma_wait3A_294, %dma_wait3A_295] : memref<100000x128xf32, #tpu.memory_space<hbm>> -> memref<100000x128xf32, #tpu.memory_space<hbm>>
      tpu.wait_indirect_dma semaphore(%arg19 : memref<!tpu.dma_semaphore, #tpu.memory_space<semaphore_mem>>) src(%dma_wait3A_296 : memref<100000x128xf32, #tpu.memory_space<hbm>>) dst(%dma_wait3A_292 : memref<64x128xf32, #tpu.memory_space<vmem>>)
      %dma_wait3A_297 = arith.constant 0 : i32
      %dma_wait3A_298 = arith.constant 2 : i32
      %dma_wait3A_299 = arith.constant 0 : i32
      %dma_wait3A_300 = arith.constant 0 : i32
      %dma_wait3A_301 = tpu.memref_slice %arg18[%dma_wait3A_297, %dma_wait3A_298, %dma_wait3A_299, %dma_wait3A_300] : memref<2x6x64x128xf32, #tpu.memory_space<vmem>> -> memref<1x1x64x128xf32, #tpu.memory_space<vmem>>
      %dma_wait3A_302 = tpu.memref_squeeze %dma_wait3A_301 : memref<1x1x64x128xf32, #tpu.memory_space<vmem>> -> memref<64x128xf32, #tpu.memory_space<vmem>>
      %dma_wait3A_303 = tpu.memref_slice %arg17[%mul3A_276] : memref<256xi32, #tpu.memory_space<vmem>> -> memref<64xi32, #tpu.memory_space<vmem>>
      %dma_wait3A_304 = arith.constant 0 : i32
      %dma_wait3A_305 = arith.constant 0 : i32
      %dma_wait3A_306 = tpu.memref_slice %arg5[%dma_wait3A_304, %dma_wait3A_305] : memref<100000x128xf32, #tpu.memory_space<hbm>> -> memref<100000x128xf32, #tpu.memory_space<hbm>>
      tpu.wait_indirect_dma semaphore(%arg19 : memref<!tpu.dma_semaphore, #tpu.memory_space<semaphore_mem>>) src(%dma_wait3A_306 : memref<100000x128xf32, #tpu.memory_space<hbm>>) dst(%dma_wait3A_302 : memref<64x128xf32, #tpu.memory_space<vmem>>)
      %dma_wait3A_307 = arith.constant 0 : i32
      %dma_wait3A_308 = arith.constant 3 : i32
      %dma_wait3A_309 = arith.constant 0 : i32
      %dma_wait3A_310 = arith.constant 0 : i32
      %dma_wait3A_311 = tpu.memref_slice %arg18[%dma_wait3A_307, %dma_wait3A_308, %dma_wait3A_309, %dma_wait3A_310] : memref<2x6x64x128xf32, #tpu.memory_space<vmem>> -> memref<1x1x64x128xf32, #tpu.memory_space<vmem>>
      %dma_wait3A_312 = tpu.memref_squeeze %dma_wait3A_311 : memref<1x1x64x128xf32, #tpu.memory_space<vmem>> -> memref<64x128xf32, #tpu.memory_space<vmem>>
      %dma_wait3A_313 = tpu.memref_slice %arg15[%mul3A_276] : memref<256xi32, #tpu.memory_space<vmem>> -> memref<64xi32, #tpu.memory_space<vmem>>
      %dma_wait3A_314 = arith.constant 0 : i32
      %dma_wait3A_315 = arith.constant 0 : i32
      %dma_wait3A_316 = tpu.memref_slice %arg7[%dma_wait3A_314, %dma_wait3A_315] : memref<100000x128xf32, #tpu.memory_space<hbm>> -> memref<100000x128xf32, #tpu.memory_space<hbm>>
      tpu.wait_indirect_dma semaphore(%arg19 : memref<!tpu.dma_semaphore, #tpu.memory_space<semaphore_mem>>) src(%dma_wait3A_316 : memref<100000x128xf32, #tpu.memory_space<hbm>>) dst(%dma_wait3A_312 : memref<64x128xf32, #tpu.memory_space<vmem>>)
      %dma_wait3A_317 = arith.constant 0 : i32
      %dma_wait3A_318 = arith.constant 4 : i32
      %dma_wait3A_319 = arith.constant 0 : i32
      %dma_wait3A_320 = arith.constant 0 : i32
      %dma_wait3A_321 = tpu.memref_slice %arg18[%dma_wait3A_317, %dma_wait3A_318, %dma_wait3A_319, %dma_wait3A_320] : memref<2x6x64x128xf32, #tpu.memory_space<vmem>> -> memref<1x1x64x128xf32, #tpu.memory_space<vmem>>
      %dma_wait3A_322 = tpu.memref_squeeze %dma_wait3A_321 : memref<1x1x64x128xf32, #tpu.memory_space<vmem>> -> memref<64x128xf32, #tpu.memory_space<vmem>>
      %dma_wait3A_323 = tpu.memref_slice %arg16[%mul3A_276] : memref<256xi32, #tpu.memory_space<vmem>> -> memref<64xi32, #tpu.memory_space<vmem>>
      %dma_wait3A_324 = arith.constant 0 : i32
      %dma_wait3A_325 = arith.constant 0 : i32
      %dma_wait3A_326 = tpu.memref_slice %arg8[%dma_wait3A_324, %dma_wait3A_325] : memref<100000x128xf32, #tpu.memory_space<hbm>> -> memref<100000x128xf32, #tpu.memory_space<hbm>>
      tpu.wait_indirect_dma semaphore(%arg19 : memref<!tpu.dma_semaphore, #tpu.memory_space<semaphore_mem>>) src(%dma_wait3A_326 : memref<100000x128xf32, #tpu.memory_space<hbm>>) dst(%dma_wait3A_322 : memref<64x128xf32, #tpu.memory_space<vmem>>)
      %dma_wait3A_327 = arith.constant 0 : i32
      %dma_wait3A_328 = arith.constant 5 : i32
      %dma_wait3A_329 = arith.constant 0 : i32
      %dma_wait3A_330 = arith.constant 0 : i32
      %dma_wait3A_331 = tpu.memref_slice %arg18[%dma_wait3A_327, %dma_wait3A_328, %dma_wait3A_329, %dma_wait3A_330] : memref<2x6x64x128xf32, #tpu.memory_space<vmem>> -> memref<1x1x64x128xf32, #tpu.memory_space<vmem>>
      %dma_wait3A_332 = tpu.memref_squeeze %dma_wait3A_331 : memref<1x1x64x128xf32, #tpu.memory_space<vmem>> -> memref<64x128xf32, #tpu.memory_space<vmem>>
      %dma_wait3A_333 = tpu.memref_slice %arg17[%mul3A_276] : memref<256xi32, #tpu.memory_space<vmem>> -> memref<64xi32, #tpu.memory_space<vmem>>
      %dma_wait3A_334 = arith.constant 0 : i32
      %dma_wait3A_335 = arith.constant 0 : i32
      %dma_wait3A_336 = tpu.memref_slice %arg7[%dma_wait3A_334, %dma_wait3A_335] : memref<100000x128xf32, #tpu.memory_space<hbm>> -> memref<100000x128xf32, #tpu.memory_space<hbm>>
      tpu.wait_indirect_dma semaphore(%arg19 : memref<!tpu.dma_semaphore, #tpu.memory_space<semaphore_mem>>) src(%dma_wait3A_336 : memref<100000x128xf32, #tpu.memory_space<hbm>>) dst(%dma_wait3A_332 : memref<64x128xf32, #tpu.memory_space<vmem>>)
      %gt3A = arith.constant 0 : i32
      %gt3A_337 = arith.cmpi sgt, %scan3A_270, %gt3A : i32
      %convert_element_type3A = arith.extui %gt3A_337 : i1 to i32
      %cond3A = arith.constant 0 : i32
      %cond3A_338 = arith.cmpi ne, %convert_element_type3A, %cond3A : i32
      scf.if %cond3A_338 {
        %sub3A = arith.constant 2 : i32
        %sub3A_653 = arith.subi %add3A_274, %sub3A : i32
        %mul3A_654 = arith.constant 64 : i32
        %mul3A_655 = arith.muli %sub3A_653, %mul3A_654 : i32
        %add3A_656 = arith.addi %mul3A_2, %mul3A_655 : i32
        %add3A_657 = arith.addi %mul3A_2, %mul3A_655 : i32
        %add3A_658 = arith.addi %mul3A_2, %mul3A_655 : i32
        %add3A_659 = arith.addi %mul3A_2, %mul3A_655 : i32
        %add3A_660 = arith.addi %mul3A_2, %mul3A_655 : i32
        %add3A_661 = arith.addi %mul3A_2, %mul3A_655 : i32
        %dma_wait3A_662 = arith.constant 1 : i32
        %dma_wait3A_663 = arith.constant 0 : i32
        %dma_wait3A_664 = arith.constant 0 : i32
        %dma_wait3A_665 = arith.constant 0 : i32
        %dma_wait3A_666 = tpu.memref_slice %arg18[%dma_wait3A_662, %dma_wait3A_663, %dma_wait3A_664, %dma_wait3A_665] : memref<2x6x64x128xf32, #tpu.memory_space<vmem>> -> memref<1x1x64x128xf32, #tpu.memory_space<vmem>>
        %dma_wait3A_667 = tpu.memref_squeeze %dma_wait3A_666 : memref<1x1x64x128xf32, #tpu.memory_space<vmem>> -> memref<64x128xf32, #tpu.memory_space<vmem>>
        %dma_wait3A_668 = arith.constant 0 : i32
        %dma_wait3A_669 = tpu.memref_slice %arg9[%add3A_656, %dma_wait3A_668] : memref<8192x128xf32, #tpu.memory_space<hbm>> -> memref<64x128xf32, #tpu.memory_space<hbm>>
        %dma_wait3A_670 = arith.constant 0 : i32
        %dma_wait3A_671 = tpu.memref_slice %arg9[%add3A_656, %dma_wait3A_670] : memref<8192x128xf32, #tpu.memory_space<hbm>> -> memref<64x128xf32, #tpu.memory_space<hbm>>
        %dma_wait3A_672 = arith.constant 0 : i32
        %dma_wait3A_673 = arith.constant 0 : i32
        %dma_wait3A_674 = tpu.memref_slice %arg18[%dma_wait3A_662, %dma_wait3A_663, %dma_wait3A_672, %dma_wait3A_673] : memref<2x6x64x128xf32, #tpu.memory_space<vmem>> -> memref<1x1x64x128xf32, #tpu.memory_space<vmem>>
        %dma_wait3A_675 = tpu.memref_squeeze %dma_wait3A_674 : memref<1x1x64x128xf32, #tpu.memory_space<vmem>> -> memref<64x128xf32, #tpu.memory_space<vmem>>
        tpu.wait_dma2 semaphore(%arg22 : memref<!tpu.dma_semaphore, #tpu.memory_space<semaphore_mem>>) src(%dma_wait3A_675 : memref<64x128xf32, #tpu.memory_space<vmem>>) dst(%dma_wait3A_671 : memref<64x128xf32, #tpu.memory_space<hbm>>)
        %dma_wait3A_676 = arith.constant 1 : i32
        %dma_wait3A_677 = arith.constant 1 : i32
        %dma_wait3A_678 = arith.constant 0 : i32
        %dma_wait3A_679 = arith.constant 0 : i32
        %dma_wait3A_680 = tpu.memref_slice %arg18[%dma_wait3A_676, %dma_wait3A_677, %dma_wait3A_678, %dma_wait3A_679] : memref<2x6x64x128xf32, #tpu.memory_space<vmem>> -> memref<1x1x64x128xf32, #tpu.memory_space<vmem>>
        %dma_wait3A_681 = tpu.memref_squeeze %dma_wait3A_680 : memref<1x1x64x128xf32, #tpu.memory_space<vmem>> -> memref<64x128xf32, #tpu.memory_space<vmem>>
        %dma_wait3A_682 = arith.constant 0 : i32
        %dma_wait3A_683 = tpu.memref_slice %arg10[%add3A_657, %dma_wait3A_682] : memref<8192x128xf32, #tpu.memory_space<hbm>> -> memref<64x128xf32, #tpu.memory_space<hbm>>
        %dma_wait3A_684 = arith.constant 0 : i32
        %dma_wait3A_685 = tpu.memref_slice %arg10[%add3A_657, %dma_wait3A_684] : memref<8192x128xf32, #tpu.memory_space<hbm>> -> memref<64x128xf32, #tpu.memory_space<hbm>>
        %dma_wait3A_686 = arith.constant 0 : i32
        %dma_wait3A_687 = arith.constant 0 : i32
        %dma_wait3A_688 = tpu.memref_slice %arg18[%dma_wait3A_676, %dma_wait3A_677, %dma_wait3A_686, %dma_wait3A_687] : memref<2x6x64x128xf32, #tpu.memory_space<vmem>> -> memref<1x1x64x128xf32, #tpu.memory_space<vmem>>
        %dma_wait3A_689 = tpu.memref_squeeze %dma_wait3A_688 : memref<1x1x64x128xf32, #tpu.memory_space<vmem>> -> memref<64x128xf32, #tpu.memory_space<vmem>>
        tpu.wait_dma2 semaphore(%arg22 : memref<!tpu.dma_semaphore, #tpu.memory_space<semaphore_mem>>) src(%dma_wait3A_689 : memref<64x128xf32, #tpu.memory_space<vmem>>) dst(%dma_wait3A_685 : memref<64x128xf32, #tpu.memory_space<hbm>>)
        %dma_wait3A_690 = arith.constant 1 : i32
        %dma_wait3A_691 = arith.constant 2 : i32
        %dma_wait3A_692 = arith.constant 0 : i32
        %dma_wait3A_693 = arith.constant 0 : i32
        %dma_wait3A_694 = tpu.memref_slice %arg18[%dma_wait3A_690, %dma_wait3A_691, %dma_wait3A_692, %dma_wait3A_693] : memref<2x6x64x128xf32, #tpu.memory_space<vmem>> -> memref<1x1x64x128xf32, #tpu.memory_space<vmem>>
        %dma_wait3A_695 = tpu.memref_squeeze %dma_wait3A_694 : memref<1x1x64x128xf32, #tpu.memory_space<vmem>> -> memref<64x128xf32, #tpu.memory_space<vmem>>
        %dma_wait3A_696 = arith.constant 0 : i32
        %dma_wait3A_697 = tpu.memref_slice %arg11[%add3A_658, %dma_wait3A_696] : memref<8192x128xf32, #tpu.memory_space<hbm>> -> memref<64x128xf32, #tpu.memory_space<hbm>>
        %dma_wait3A_698 = arith.constant 0 : i32
        %dma_wait3A_699 = tpu.memref_slice %arg11[%add3A_658, %dma_wait3A_698] : memref<8192x128xf32, #tpu.memory_space<hbm>> -> memref<64x128xf32, #tpu.memory_space<hbm>>
        %dma_wait3A_700 = arith.constant 0 : i32
        %dma_wait3A_701 = arith.constant 0 : i32
        %dma_wait3A_702 = tpu.memref_slice %arg18[%dma_wait3A_690, %dma_wait3A_691, %dma_wait3A_700, %dma_wait3A_701] : memref<2x6x64x128xf32, #tpu.memory_space<vmem>> -> memref<1x1x64x128xf32, #tpu.memory_space<vmem>>
        %dma_wait3A_703 = tpu.memref_squeeze %dma_wait3A_702 : memref<1x1x64x128xf32, #tpu.memory_space<vmem>> -> memref<64x128xf32, #tpu.memory_space<vmem>>
        tpu.wait_dma2 semaphore(%arg22 : memref<!tpu.dma_semaphore, #tpu.memory_space<semaphore_mem>>) src(%dma_wait3A_703 : memref<64x128xf32, #tpu.memory_space<vmem>>) dst(%dma_wait3A_699 : memref<64x128xf32, #tpu.memory_space<hbm>>)
        %dma_wait3A_704 = arith.constant 1 : i32
        %dma_wait3A_705 = arith.constant 3 : i32
        %dma_wait3A_706 = arith.constant 0 : i32
        %dma_wait3A_707 = arith.constant 0 : i32
        %dma_wait3A_708 = tpu.memref_slice %arg18[%dma_wait3A_704, %dma_wait3A_705, %dma_wait3A_706, %dma_wait3A_707] : memref<2x6x64x128xf32, #tpu.memory_space<vmem>> -> memref<1x1x64x128xf32, #tpu.memory_space<vmem>>
        %dma_wait3A_709 = tpu.memref_squeeze %dma_wait3A_708 : memref<1x1x64x128xf32, #tpu.memory_space<vmem>> -> memref<64x128xf32, #tpu.memory_space<vmem>>
        %dma_wait3A_710 = arith.constant 0 : i32
        %dma_wait3A_711 = tpu.memref_slice %arg12[%add3A_659, %dma_wait3A_710] : memref<8192x128xf32, #tpu.memory_space<hbm>> -> memref<64x128xf32, #tpu.memory_space<hbm>>
        %dma_wait3A_712 = arith.constant 0 : i32
        %dma_wait3A_713 = tpu.memref_slice %arg12[%add3A_659, %dma_wait3A_712] : memref<8192x128xf32, #tpu.memory_space<hbm>> -> memref<64x128xf32, #tpu.memory_space<hbm>>
        %dma_wait3A_714 = arith.constant 0 : i32
        %dma_wait3A_715 = arith.constant 0 : i32
        %dma_wait3A_716 = tpu.memref_slice %arg18[%dma_wait3A_704, %dma_wait3A_705, %dma_wait3A_714, %dma_wait3A_715] : memref<2x6x64x128xf32, #tpu.memory_space<vmem>> -> memref<1x1x64x128xf32, #tpu.memory_space<vmem>>
        %dma_wait3A_717 = tpu.memref_squeeze %dma_wait3A_716 : memref<1x1x64x128xf32, #tpu.memory_space<vmem>> -> memref<64x128xf32, #tpu.memory_space<vmem>>
        tpu.wait_dma2 semaphore(%arg22 : memref<!tpu.dma_semaphore, #tpu.memory_space<semaphore_mem>>) src(%dma_wait3A_717 : memref<64x128xf32, #tpu.memory_space<vmem>>) dst(%dma_wait3A_713 : memref<64x128xf32, #tpu.memory_space<hbm>>)
        %dma_wait3A_718 = arith.constant 1 : i32
        %dma_wait3A_719 = arith.constant 4 : i32
        %dma_wait3A_720 = arith.constant 0 : i32
        %dma_wait3A_721 = arith.constant 0 : i32
        %dma_wait3A_722 = tpu.memref_slice %arg18[%dma_wait3A_718, %dma_wait3A_719, %dma_wait3A_720, %dma_wait3A_721] : memref<2x6x64x128xf32, #tpu.memory_space<vmem>> -> memref<1x1x64x128xf32, #tpu.memory_space<vmem>>
        %dma_wait3A_723 = tpu.memref_squeeze %dma_wait3A_722 : memref<1x1x64x128xf32, #tpu.memory_space<vmem>> -> memref<64x128xf32, #tpu.memory_space<vmem>>
        %dma_wait3A_724 = arith.constant 0 : i32
        %dma_wait3A_725 = tpu.memref_slice %arg13[%add3A_660, %dma_wait3A_724] : memref<8192x128xf32, #tpu.memory_space<hbm>> -> memref<64x128xf32, #tpu.memory_space<hbm>>
        %dma_wait3A_726 = arith.constant 0 : i32
        %dma_wait3A_727 = tpu.memref_slice %arg13[%add3A_660, %dma_wait3A_726] : memref<8192x128xf32, #tpu.memory_space<hbm>> -> memref<64x128xf32, #tpu.memory_space<hbm>>
        %dma_wait3A_728 = arith.constant 0 : i32
        %dma_wait3A_729 = arith.constant 0 : i32
        %dma_wait3A_730 = tpu.memref_slice %arg18[%dma_wait3A_718, %dma_wait3A_719, %dma_wait3A_728, %dma_wait3A_729] : memref<2x6x64x128xf32, #tpu.memory_space<vmem>> -> memref<1x1x64x128xf32, #tpu.memory_space<vmem>>
        %dma_wait3A_731 = tpu.memref_squeeze %dma_wait3A_730 : memref<1x1x64x128xf32, #tpu.memory_space<vmem>> -> memref<64x128xf32, #tpu.memory_space<vmem>>
        tpu.wait_dma2 semaphore(%arg22 : memref<!tpu.dma_semaphore, #tpu.memory_space<semaphore_mem>>) src(%dma_wait3A_731 : memref<64x128xf32, #tpu.memory_space<vmem>>) dst(%dma_wait3A_727 : memref<64x128xf32, #tpu.memory_space<hbm>>)
        %dma_wait3A_732 = arith.constant 1 : i32
        %dma_wait3A_733 = arith.constant 5 : i32
        %dma_wait3A_734 = arith.constant 0 : i32
        %dma_wait3A_735 = arith.constant 0 : i32
        %dma_wait3A_736 = tpu.memref_slice %arg18[%dma_wait3A_732, %dma_wait3A_733, %dma_wait3A_734, %dma_wait3A_735] : memref<2x6x64x128xf32, #tpu.memory_space<vmem>> -> memref<1x1x64x128xf32, #tpu.memory_space<vmem>>
        %dma_wait3A_737 = tpu.memref_squeeze %dma_wait3A_736 : memref<1x1x64x128xf32, #tpu.memory_space<vmem>> -> memref<64x128xf32, #tpu.memory_space<vmem>>
        %dma_wait3A_738 = arith.constant 0 : i32
        %dma_wait3A_739 = tpu.memref_slice %arg14[%add3A_661, %dma_wait3A_738] : memref<8192x128xf32, #tpu.memory_space<hbm>> -> memref<64x128xf32, #tpu.memory_space<hbm>>
        %dma_wait3A_740 = arith.constant 0 : i32
        %dma_wait3A_741 = tpu.memref_slice %arg14[%add3A_661, %dma_wait3A_740] : memref<8192x128xf32, #tpu.memory_space<hbm>> -> memref<64x128xf32, #tpu.memory_space<hbm>>
        %dma_wait3A_742 = arith.constant 0 : i32
        %dma_wait3A_743 = arith.constant 0 : i32
        %dma_wait3A_744 = tpu.memref_slice %arg18[%dma_wait3A_732, %dma_wait3A_733, %dma_wait3A_742, %dma_wait3A_743] : memref<2x6x64x128xf32, #tpu.memory_space<vmem>> -> memref<1x1x64x128xf32, #tpu.memory_space<vmem>>
        %dma_wait3A_745 = tpu.memref_squeeze %dma_wait3A_744 : memref<1x1x64x128xf32, #tpu.memory_space<vmem>> -> memref<64x128xf32, #tpu.memory_space<vmem>>
        tpu.wait_dma2 semaphore(%arg22 : memref<!tpu.dma_semaphore, #tpu.memory_space<semaphore_mem>>) src(%dma_wait3A_745 : memref<64x128xf32, #tpu.memory_space<vmem>>) dst(%dma_wait3A_741 : memref<64x128xf32, #tpu.memory_space<hbm>>)
      } else {
      }
      %mul3A_339 = arith.constant 64 : i32
      %mul3A_340 = arith.muli %add3A_274, %mul3A_339 : i32
      %dma_start3A_341 = arith.constant 1 : i32
      %dma_start3A_342 = arith.constant 0 : i32
      %dma_start3A_343 = arith.constant 0 : i32
      %dma_start3A_344 = arith.constant 0 : i32
      %dma_start3A_345 = tpu.memref_slice %arg18[%dma_start3A_341, %dma_start3A_342, %dma_start3A_343, %dma_start3A_344] : memref<2x6x64x128xf32, #tpu.memory_space<vmem>> -> memref<1x1x64x128xf32, #tpu.memory_space<vmem>>
      %dma_start3A_346 = tpu.memref_squeeze %dma_start3A_345 : memref<1x1x64x128xf32, #tpu.memory_space<vmem>> -> memref<64x128xf32, #tpu.memory_space<vmem>>
      %dma_start3A_347 = tpu.memref_slice %arg15[%mul3A_340] : memref<256xi32, #tpu.memory_space<vmem>> -> memref<64xi32, #tpu.memory_space<vmem>>
      %dma_start3A_348 = arith.constant 0 : i32
      %dma_start3A_349 = arith.constant 0 : i32
      %dma_start3A_350 = tpu.memref_slice %arg5[%dma_start3A_348, %dma_start3A_349] : memref<100000x128xf32, #tpu.memory_space<hbm>> -> memref<100000x128xf32, #tpu.memory_space<hbm>>
      tpu.enqueue_indirect_dma source(%dma_start3A_350 : memref<100000x128xf32, #tpu.memory_space<hbm>>) target(%dma_start3A_346 : memref<64x128xf32, #tpu.memory_space<vmem>>) offsets(%dma_start3A_347 : memref<64xi32, #tpu.memory_space<vmem>>) semaphore(%arg20 : memref<!tpu.dma_semaphore, #tpu.memory_space<semaphore_mem>>)
      %dma_start3A_351 = arith.constant 1 : i32
      %dma_start3A_352 = arith.constant 1 : i32
      %dma_start3A_353 = arith.constant 0 : i32
      %dma_start3A_354 = arith.constant 0 : i32
      %dma_start3A_355 = tpu.memref_slice %arg18[%dma_start3A_351, %dma_start3A_352, %dma_start3A_353, %dma_start3A_354] : memref<2x6x64x128xf32, #tpu.memory_space<vmem>> -> memref<1x1x64x128xf32, #tpu.memory_space<vmem>>
      %dma_start3A_356 = tpu.memref_squeeze %dma_start3A_355 : memref<1x1x64x128xf32, #tpu.memory_space<vmem>> -> memref<64x128xf32, #tpu.memory_space<vmem>>
      %dma_start3A_357 = tpu.memref_slice %arg16[%mul3A_340] : memref<256xi32, #tpu.memory_space<vmem>> -> memref<64xi32, #tpu.memory_space<vmem>>
      %dma_start3A_358 = arith.constant 0 : i32
      %dma_start3A_359 = arith.constant 0 : i32
      %dma_start3A_360 = tpu.memref_slice %arg6[%dma_start3A_358, %dma_start3A_359] : memref<100000x128xf32, #tpu.memory_space<hbm>> -> memref<100000x128xf32, #tpu.memory_space<hbm>>
      tpu.enqueue_indirect_dma source(%dma_start3A_360 : memref<100000x128xf32, #tpu.memory_space<hbm>>) target(%dma_start3A_356 : memref<64x128xf32, #tpu.memory_space<vmem>>) offsets(%dma_start3A_357 : memref<64xi32, #tpu.memory_space<vmem>>) semaphore(%arg20 : memref<!tpu.dma_semaphore, #tpu.memory_space<semaphore_mem>>)
      %dma_start3A_361 = arith.constant 1 : i32
      %dma_start3A_362 = arith.constant 2 : i32
      %dma_start3A_363 = arith.constant 0 : i32
      %dma_start3A_364 = arith.constant 0 : i32
      %dma_start3A_365 = tpu.memref_slice %arg18[%dma_start3A_361, %dma_start3A_362, %dma_start3A_363, %dma_start3A_364] : memref<2x6x64x128xf32, #tpu.memory_space<vmem>> -> memref<1x1x64x128xf32, #tpu.memory_space<vmem>>
      %dma_start3A_366 = tpu.memref_squeeze %dma_start3A_365 : memref<1x1x64x128xf32, #tpu.memory_space<vmem>> -> memref<64x128xf32, #tpu.memory_space<vmem>>
      %dma_start3A_367 = tpu.memref_slice %arg17[%mul3A_340] : memref<256xi32, #tpu.memory_space<vmem>> -> memref<64xi32, #tpu.memory_space<vmem>>
      %dma_start3A_368 = arith.constant 0 : i32
      %dma_start3A_369 = arith.constant 0 : i32
      %dma_start3A_370 = tpu.memref_slice %arg5[%dma_start3A_368, %dma_start3A_369] : memref<100000x128xf32, #tpu.memory_space<hbm>> -> memref<100000x128xf32, #tpu.memory_space<hbm>>
      tpu.enqueue_indirect_dma source(%dma_start3A_370 : memref<100000x128xf32, #tpu.memory_space<hbm>>) target(%dma_start3A_366 : memref<64x128xf32, #tpu.memory_space<vmem>>) offsets(%dma_start3A_367 : memref<64xi32, #tpu.memory_space<vmem>>) semaphore(%arg20 : memref<!tpu.dma_semaphore, #tpu.memory_space<semaphore_mem>>)
      %dma_start3A_371 = arith.constant 1 : i32
      %dma_start3A_372 = arith.constant 3 : i32
      %dma_start3A_373 = arith.constant 0 : i32
      %dma_start3A_374 = arith.constant 0 : i32
      %dma_start3A_375 = tpu.memref_slice %arg18[%dma_start3A_371, %dma_start3A_372, %dma_start3A_373, %dma_start3A_374] : memref<2x6x64x128xf32, #tpu.memory_space<vmem>> -> memref<1x1x64x128xf32, #tpu.memory_space<vmem>>
      %dma_start3A_376 = tpu.memref_squeeze %dma_start3A_375 : memref<1x1x64x128xf32, #tpu.memory_space<vmem>> -> memref<64x128xf32, #tpu.memory_space<vmem>>
      %dma_start3A_377 = tpu.memref_slice %arg15[%mul3A_340] : memref<256xi32, #tpu.memory_space<vmem>> -> memref<64xi32, #tpu.memory_space<vmem>>
      %dma_start3A_378 = arith.constant 0 : i32
      %dma_start3A_379 = arith.constant 0 : i32
      %dma_start3A_380 = tpu.memref_slice %arg7[%dma_start3A_378, %dma_start3A_379] : memref<100000x128xf32, #tpu.memory_space<hbm>> -> memref<100000x128xf32, #tpu.memory_space<hbm>>
      tpu.enqueue_indirect_dma source(%dma_start3A_380 : memref<100000x128xf32, #tpu.memory_space<hbm>>) target(%dma_start3A_376 : memref<64x128xf32, #tpu.memory_space<vmem>>) offsets(%dma_start3A_377 : memref<64xi32, #tpu.memory_space<vmem>>) semaphore(%arg20 : memref<!tpu.dma_semaphore, #tpu.memory_space<semaphore_mem>>)
      %dma_start3A_381 = arith.constant 1 : i32
      %dma_start3A_382 = arith.constant 4 : i32
      %dma_start3A_383 = arith.constant 0 : i32
      %dma_start3A_384 = arith.constant 0 : i32
      %dma_start3A_385 = tpu.memref_slice %arg18[%dma_start3A_381, %dma_start3A_382, %dma_start3A_383, %dma_start3A_384] : memref<2x6x64x128xf32, #tpu.memory_space<vmem>> -> memref<1x1x64x128xf32, #tpu.memory_space<vmem>>
      %dma_start3A_386 = tpu.memref_squeeze %dma_start3A_385 : memref<1x1x64x128xf32, #tpu.memory_space<vmem>> -> memref<64x128xf32, #tpu.memory_space<vmem>>
      %dma_start3A_387 = tpu.memref_slice %arg16[%mul3A_340] : memref<256xi32, #tpu.memory_space<vmem>> -> memref<64xi32, #tpu.memory_space<vmem>>
      %dma_start3A_388 = arith.constant 0 : i32
      %dma_start3A_389 = arith.constant 0 : i32
      %dma_start3A_390 = tpu.memref_slice %arg8[%dma_start3A_388, %dma_start3A_389] : memref<100000x128xf32, #tpu.memory_space<hbm>> -> memref<100000x128xf32, #tpu.memory_space<hbm>>
      tpu.enqueue_indirect_dma source(%dma_start3A_390 : memref<100000x128xf32, #tpu.memory_space<hbm>>) target(%dma_start3A_386 : memref<64x128xf32, #tpu.memory_space<vmem>>) offsets(%dma_start3A_387 : memref<64xi32, #tpu.memory_space<vmem>>) semaphore(%arg20 : memref<!tpu.dma_semaphore, #tpu.memory_space<semaphore_mem>>)
      %dma_start3A_391 = arith.constant 1 : i32
      %dma_start3A_392 = arith.constant 5 : i32
      %dma_start3A_393 = arith.constant 0 : i32
      %dma_start3A_394 = arith.constant 0 : i32
      %dma_start3A_395 = tpu.memref_slice %arg18[%dma_start3A_391, %dma_start3A_392, %dma_start3A_393, %dma_start3A_394] : memref<2x6x64x128xf32, #tpu.memory_space<vmem>> -> memref<1x1x64x128xf32, #tpu.memory_space<vmem>>
      %dma_start3A_396 = tpu.memref_squeeze %dma_start3A_395 : memref<1x1x64x128xf32, #tpu.memory_space<vmem>> -> memref<64x128xf32, #tpu.memory_space<vmem>>
      %dma_start3A_397 = tpu.memref_slice %arg17[%mul3A_340] : memref<256xi32, #tpu.memory_space<vmem>> -> memref<64xi32, #tpu.memory_space<vmem>>
      %dma_start3A_398 = arith.constant 0 : i32
      %dma_start3A_399 = arith.constant 0 : i32
      %dma_start3A_400 = tpu.memref_slice %arg7[%dma_start3A_398, %dma_start3A_399] : memref<100000x128xf32, #tpu.memory_space<hbm>> -> memref<100000x128xf32, #tpu.memory_space<hbm>>
      tpu.enqueue_indirect_dma source(%dma_start3A_400 : memref<100000x128xf32, #tpu.memory_space<hbm>>) target(%dma_start3A_396 : memref<64x128xf32, #tpu.memory_space<vmem>>) offsets(%dma_start3A_397 : memref<64xi32, #tpu.memory_space<vmem>>) semaphore(%arg20 : memref<!tpu.dma_semaphore, #tpu.memory_space<semaphore_mem>>)
      %mul3A_401 = arith.constant 64 : i32
      %mul3A_402 = arith.muli %mul3A_272, %mul3A_401 : i32
      %add3A_403 = arith.addi %mul3A_2, %mul3A_402 : i32
      %add3A_404 = arith.addi %mul3A_2, %mul3A_402 : i32
      %add3A_405 = arith.addi %mul3A_2, %mul3A_402 : i32
      %add3A_406 = arith.addi %mul3A_2, %mul3A_402 : i32
      %add3A_407 = arith.addi %mul3A_2, %mul3A_402 : i32
      %add3A_408 = arith.addi %mul3A_2, %mul3A_402 : i32
      %dma_start3A_409 = arith.constant 0 : i32
      %dma_start3A_410 = arith.constant 0 : i32
      %dma_start3A_411 = arith.constant 0 : i32
      %dma_start3A_412 = arith.constant 0 : i32
      %dma_start3A_413 = tpu.memref_slice %arg18[%dma_start3A_409, %dma_start3A_410, %dma_start3A_411, %dma_start3A_412] : memref<2x6x64x128xf32, #tpu.memory_space<vmem>> -> memref<1x1x64x128xf32, #tpu.memory_space<vmem>>
      %dma_start3A_414 = tpu.memref_squeeze %dma_start3A_413 : memref<1x1x64x128xf32, #tpu.memory_space<vmem>> -> memref<64x128xf32, #tpu.memory_space<vmem>>
      %dma_start3A_415 = arith.constant 0 : i32
      %dma_start3A_416 = tpu.memref_slice %arg9[%add3A_403, %dma_start3A_415] : memref<8192x128xf32, #tpu.memory_space<hbm>> -> memref<64x128xf32, #tpu.memory_space<hbm>>
      %dma_start3A_417 = arith.constant 0 : i32
      %dma_start3A_418 = tpu.memref_slice %arg9[%add3A_403, %dma_start3A_417] : memref<8192x128xf32, #tpu.memory_space<hbm>> -> memref<64x128xf32, #tpu.memory_space<hbm>>
      %dma_start3A_419 = arith.constant 0 : i32
      %dma_start3A_420 = arith.constant 0 : i32
      %dma_start3A_421 = tpu.memref_slice %arg18[%dma_start3A_409, %dma_start3A_410, %dma_start3A_419, %dma_start3A_420] : memref<2x6x64x128xf32, #tpu.memory_space<vmem>> -> memref<1x1x64x128xf32, #tpu.memory_space<vmem>>
      %dma_start3A_422 = tpu.memref_squeeze %dma_start3A_421 : memref<1x1x64x128xf32, #tpu.memory_space<vmem>> -> memref<64x128xf32, #tpu.memory_space<vmem>>
      tpu.enqueue_dma source(%dma_start3A_422 : memref<64x128xf32, #tpu.memory_space<vmem>>) target(%dma_start3A_418 : memref<64x128xf32, #tpu.memory_space<hbm>>) target_semaphore(%arg21 : memref<!tpu.dma_semaphore, #tpu.memory_space<semaphore_mem>>)
      %dma_start3A_423 = arith.constant 0 : i32
      %dma_start3A_424 = arith.constant 1 : i32
      %dma_start3A_425 = arith.constant 0 : i32
      %dma_start3A_426 = arith.constant 0 : i32
      %dma_start3A_427 = tpu.memref_slice %arg18[%dma_start3A_423, %dma_start3A_424, %dma_start3A_425, %dma_start3A_426] : memref<2x6x64x128xf32, #tpu.memory_space<vmem>> -> memref<1x1x64x128xf32, #tpu.memory_space<vmem>>
      %dma_start3A_428 = tpu.memref_squeeze %dma_start3A_427 : memref<1x1x64x128xf32, #tpu.memory_space<vmem>> -> memref<64x128xf32, #tpu.memory_space<vmem>>
      %dma_start3A_429 = arith.constant 0 : i32
      %dma_start3A_430 = tpu.memref_slice %arg10[%add3A_404, %dma_start3A_429] : memref<8192x128xf32, #tpu.memory_space<hbm>> -> memref<64x128xf32, #tpu.memory_space<hbm>>
      %dma_start3A_431 = arith.constant 0 : i32
      %dma_start3A_432 = tpu.memref_slice %arg10[%add3A_404, %dma_start3A_431] : memref<8192x128xf32, #tpu.memory_space<hbm>> -> memref<64x128xf32, #tpu.memory_space<hbm>>
      %dma_start3A_433 = arith.constant 0 : i32
      %dma_start3A_434 = arith.constant 0 : i32
      %dma_start3A_435 = tpu.memref_slice %arg18[%dma_start3A_423, %dma_start3A_424, %dma_start3A_433, %dma_start3A_434] : memref<2x6x64x128xf32, #tpu.memory_space<vmem>> -> memref<1x1x64x128xf32, #tpu.memory_space<vmem>>
      %dma_start3A_436 = tpu.memref_squeeze %dma_start3A_435 : memref<1x1x64x128xf32, #tpu.memory_space<vmem>> -> memref<64x128xf32, #tpu.memory_space<vmem>>
      tpu.enqueue_dma source(%dma_start3A_436 : memref<64x128xf32, #tpu.memory_space<vmem>>) target(%dma_start3A_432 : memref<64x128xf32, #tpu.memory_space<hbm>>) target_semaphore(%arg21 : memref<!tpu.dma_semaphore, #tpu.memory_space<semaphore_mem>>)
      %dma_start3A_437 = arith.constant 0 : i32
      %dma_start3A_438 = arith.constant 2 : i32
      %dma_start3A_439 = arith.constant 0 : i32
      %dma_start3A_440 = arith.constant 0 : i32
      %dma_start3A_441 = tpu.memref_slice %arg18[%dma_start3A_437, %dma_start3A_438, %dma_start3A_439, %dma_start3A_440] : memref<2x6x64x128xf32, #tpu.memory_space<vmem>> -> memref<1x1x64x128xf32, #tpu.memory_space<vmem>>
      %dma_start3A_442 = tpu.memref_squeeze %dma_start3A_441 : memref<1x1x64x128xf32, #tpu.memory_space<vmem>> -> memref<64x128xf32, #tpu.memory_space<vmem>>
      %dma_start3A_443 = arith.constant 0 : i32
      %dma_start3A_444 = tpu.memref_slice %arg11[%add3A_405, %dma_start3A_443] : memref<8192x128xf32, #tpu.memory_space<hbm>> -> memref<64x128xf32, #tpu.memory_space<hbm>>
      %dma_start3A_445 = arith.constant 0 : i32
      %dma_start3A_446 = tpu.memref_slice %arg11[%add3A_405, %dma_start3A_445] : memref<8192x128xf32, #tpu.memory_space<hbm>> -> memref<64x128xf32, #tpu.memory_space<hbm>>
      %dma_start3A_447 = arith.constant 0 : i32
      %dma_start3A_448 = arith.constant 0 : i32
      %dma_start3A_449 = tpu.memref_slice %arg18[%dma_start3A_437, %dma_start3A_438, %dma_start3A_447, %dma_start3A_448] : memref<2x6x64x128xf32, #tpu.memory_space<vmem>> -> memref<1x1x64x128xf32, #tpu.memory_space<vmem>>
      %dma_start3A_450 = tpu.memref_squeeze %dma_start3A_449 : memref<1x1x64x128xf32, #tpu.memory_space<vmem>> -> memref<64x128xf32, #tpu.memory_space<vmem>>
      tpu.enqueue_dma source(%dma_start3A_450 : memref<64x128xf32, #tpu.memory_space<vmem>>) target(%dma_start3A_446 : memref<64x128xf32, #tpu.memory_space<hbm>>) target_semaphore(%arg21 : memref<!tpu.dma_semaphore, #tpu.memory_space<semaphore_mem>>)
      %dma_start3A_451 = arith.constant 0 : i32
      %dma_start3A_452 = arith.constant 3 : i32
      %dma_start3A_453 = arith.constant 0 : i32
      %dma_start3A_454 = arith.constant 0 : i32
      %dma_start3A_455 = tpu.memref_slice %arg18[%dma_start3A_451, %dma_start3A_452, %dma_start3A_453, %dma_start3A_454] : memref<2x6x64x128xf32, #tpu.memory_space<vmem>> -> memref<1x1x64x128xf32, #tpu.memory_space<vmem>>
      %dma_start3A_456 = tpu.memref_squeeze %dma_start3A_455 : memref<1x1x64x128xf32, #tpu.memory_space<vmem>> -> memref<64x128xf32, #tpu.memory_space<vmem>>
      %dma_start3A_457 = arith.constant 0 : i32
      %dma_start3A_458 = tpu.memref_slice %arg12[%add3A_406, %dma_start3A_457] : memref<8192x128xf32, #tpu.memory_space<hbm>> -> memref<64x128xf32, #tpu.memory_space<hbm>>
      %dma_start3A_459 = arith.constant 0 : i32
      %dma_start3A_460 = tpu.memref_slice %arg12[%add3A_406, %dma_start3A_459] : memref<8192x128xf32, #tpu.memory_space<hbm>> -> memref<64x128xf32, #tpu.memory_space<hbm>>
      %dma_start3A_461 = arith.constant 0 : i32
      %dma_start3A_462 = arith.constant 0 : i32
      %dma_start3A_463 = tpu.memref_slice %arg18[%dma_start3A_451, %dma_start3A_452, %dma_start3A_461, %dma_start3A_462] : memref<2x6x64x128xf32, #tpu.memory_space<vmem>> -> memref<1x1x64x128xf32, #tpu.memory_space<vmem>>
      %dma_start3A_464 = tpu.memref_squeeze %dma_start3A_463 : memref<1x1x64x128xf32, #tpu.memory_space<vmem>> -> memref<64x128xf32, #tpu.memory_space<vmem>>
      tpu.enqueue_dma source(%dma_start3A_464 : memref<64x128xf32, #tpu.memory_space<vmem>>) target(%dma_start3A_460 : memref<64x128xf32, #tpu.memory_space<hbm>>) target_semaphore(%arg21 : memref<!tpu.dma_semaphore, #tpu.memory_space<semaphore_mem>>)
      %dma_start3A_465 = arith.constant 0 : i32
      %dma_start3A_466 = arith.constant 4 : i32
      %dma_start3A_467 = arith.constant 0 : i32
      %dma_start3A_468 = arith.constant 0 : i32
      %dma_start3A_469 = tpu.memref_slice %arg18[%dma_start3A_465, %dma_start3A_466, %dma_start3A_467, %dma_start3A_468] : memref<2x6x64x128xf32, #tpu.memory_space<vmem>> -> memref<1x1x64x128xf32, #tpu.memory_space<vmem>>
      %dma_start3A_470 = tpu.memref_squeeze %dma_start3A_469 : memref<1x1x64x128xf32, #tpu.memory_space<vmem>> -> memref<64x128xf32, #tpu.memory_space<vmem>>
      %dma_start3A_471 = arith.constant 0 : i32
      %dma_start3A_472 = tpu.memref_slice %arg13[%add3A_407, %dma_start3A_471] : memref<8192x128xf32, #tpu.memory_space<hbm>> -> memref<64x128xf32, #tpu.memory_space<hbm>>
      %dma_start3A_473 = arith.constant 0 : i32
      %dma_start3A_474 = tpu.memref_slice %arg13[%add3A_407, %dma_start3A_473] : memref<8192x128xf32, #tpu.memory_space<hbm>> -> memref<64x128xf32, #tpu.memory_space<hbm>>
      %dma_start3A_475 = arith.constant 0 : i32
      %dma_start3A_476 = arith.constant 0 : i32
      %dma_start3A_477 = tpu.memref_slice %arg18[%dma_start3A_465, %dma_start3A_466, %dma_start3A_475, %dma_start3A_476] : memref<2x6x64x128xf32, #tpu.memory_space<vmem>> -> memref<1x1x64x128xf32, #tpu.memory_space<vmem>>
      %dma_start3A_478 = tpu.memref_squeeze %dma_start3A_477 : memref<1x1x64x128xf32, #tpu.memory_space<vmem>> -> memref<64x128xf32, #tpu.memory_space<vmem>>
      tpu.enqueue_dma source(%dma_start3A_478 : memref<64x128xf32, #tpu.memory_space<vmem>>) target(%dma_start3A_474 : memref<64x128xf32, #tpu.memory_space<hbm>>) target_semaphore(%arg21 : memref<!tpu.dma_semaphore, #tpu.memory_space<semaphore_mem>>)
      %dma_start3A_479 = arith.constant 0 : i32
      %dma_start3A_480 = arith.constant 5 : i32
      %dma_start3A_481 = arith.constant 0 : i32
      %dma_start3A_482 = arith.constant 0 : i32
      %dma_start3A_483 = tpu.memref_slice %arg18[%dma_start3A_479, %dma_start3A_480, %dma_start3A_481, %dma_start3A_482] : memref<2x6x64x128xf32, #tpu.memory_space<vmem>> -> memref<1x1x64x128xf32, #tpu.memory_space<vmem>>
      %dma_start3A_484 = tpu.memref_squeeze %dma_start3A_483 : memref<1x1x64x128xf32, #tpu.memory_space<vmem>> -> memref<64x128xf32, #tpu.memory_space<vmem>>
      %dma_start3A_485 = arith.constant 0 : i32
      %dma_start3A_486 = tpu.memref_slice %arg14[%add3A_408, %dma_start3A_485] : memref<8192x128xf32, #tpu.memory_space<hbm>> -> memref<64x128xf32, #tpu.memory_space<hbm>>
      %dma_start3A_487 = arith.constant 0 : i32
      %dma_start3A_488 = tpu.memref_slice %arg14[%add3A_408, %dma_start3A_487] : memref<8192x128xf32, #tpu.memory_space<hbm>> -> memref<64x128xf32, #tpu.memory_space<hbm>>
      %dma_start3A_489 = arith.constant 0 : i32
      %dma_start3A_490 = arith.constant 0 : i32
      %dma_start3A_491 = tpu.memref_slice %arg18[%dma_start3A_479, %dma_start3A_480, %dma_start3A_489, %dma_start3A_490] : memref<2x6x64x128xf32, #tpu.memory_space<vmem>> -> memref<1x1x64x128xf32, #tpu.memory_space<vmem>>
      %dma_start3A_492 = tpu.memref_squeeze %dma_start3A_491 : memref<1x1x64x128xf32, #tpu.memory_space<vmem>> -> memref<64x128xf32, #tpu.memory_space<vmem>>
      tpu.enqueue_dma source(%dma_start3A_492 : memref<64x128xf32, #tpu.memory_space<vmem>>) target(%dma_start3A_488 : memref<64x128xf32, #tpu.memory_space<hbm>>) target_semaphore(%arg21 : memref<!tpu.dma_semaphore, #tpu.memory_space<semaphore_mem>>)
      %mul3A_493 = arith.constant 64 : i32
      %mul3A_494 = arith.muli %add3A_274, %mul3A_493 : i32
      %dma_wait3A_495 = arith.constant 1 : i32
      %dma_wait3A_496 = arith.constant 0 : i32
      %dma_wait3A_497 = arith.constant 0 : i32
      %dma_wait3A_498 = arith.constant 0 : i32
      %dma_wait3A_499 = tpu.memref_slice %arg18[%dma_wait3A_495, %dma_wait3A_496, %dma_wait3A_497, %dma_wait3A_498] : memref<2x6x64x128xf32, #tpu.memory_space<vmem>> -> memref<1x1x64x128xf32, #tpu.memory_space<vmem>>
      %dma_wait3A_500 = tpu.memref_squeeze %dma_wait3A_499 : memref<1x1x64x128xf32, #tpu.memory_space<vmem>> -> memref<64x128xf32, #tpu.memory_space<vmem>>
      %dma_wait3A_501 = tpu.memref_slice %arg15[%mul3A_494] : memref<256xi32, #tpu.memory_space<vmem>> -> memref<64xi32, #tpu.memory_space<vmem>>
      %dma_wait3A_502 = arith.constant 0 : i32
      %dma_wait3A_503 = arith.constant 0 : i32
      %dma_wait3A_504 = tpu.memref_slice %arg5[%dma_wait3A_502, %dma_wait3A_503] : memref<100000x128xf32, #tpu.memory_space<hbm>> -> memref<100000x128xf32, #tpu.memory_space<hbm>>
      tpu.wait_indirect_dma semaphore(%arg20 : memref<!tpu.dma_semaphore, #tpu.memory_space<semaphore_mem>>) src(%dma_wait3A_504 : memref<100000x128xf32, #tpu.memory_space<hbm>>) dst(%dma_wait3A_500 : memref<64x128xf32, #tpu.memory_space<vmem>>)
      %dma_wait3A_505 = arith.constant 1 : i32
      %dma_wait3A_506 = arith.constant 1 : i32
      %dma_wait3A_507 = arith.constant 0 : i32
      %dma_wait3A_508 = arith.constant 0 : i32
      %dma_wait3A_509 = tpu.memref_slice %arg18[%dma_wait3A_505, %dma_wait3A_506, %dma_wait3A_507, %dma_wait3A_508] : memref<2x6x64x128xf32, #tpu.memory_space<vmem>> -> memref<1x1x64x128xf32, #tpu.memory_space<vmem>>
      %dma_wait3A_510 = tpu.memref_squeeze %dma_wait3A_509 : memref<1x1x64x128xf32, #tpu.memory_space<vmem>> -> memref<64x128xf32, #tpu.memory_space<vmem>>
      %dma_wait3A_511 = tpu.memref_slice %arg16[%mul3A_494] : memref<256xi32, #tpu.memory_space<vmem>> -> memref<64xi32, #tpu.memory_space<vmem>>
      %dma_wait3A_512 = arith.constant 0 : i32
      %dma_wait3A_513 = arith.constant 0 : i32
      %dma_wait3A_514 = tpu.memref_slice %arg6[%dma_wait3A_512, %dma_wait3A_513] : memref<100000x128xf32, #tpu.memory_space<hbm>> -> memref<100000x128xf32, #tpu.memory_space<hbm>>
      tpu.wait_indirect_dma semaphore(%arg20 : memref<!tpu.dma_semaphore, #tpu.memory_space<semaphore_mem>>) src(%dma_wait3A_514 : memref<100000x128xf32, #tpu.memory_space<hbm>>) dst(%dma_wait3A_510 : memref<64x128xf32, #tpu.memory_space<vmem>>)
      %dma_wait3A_515 = arith.constant 1 : i32
      %dma_wait3A_516 = arith.constant 2 : i32
      %dma_wait3A_517 = arith.constant 0 : i32
      %dma_wait3A_518 = arith.constant 0 : i32
      %dma_wait3A_519 = tpu.memref_slice %arg18[%dma_wait3A_515, %dma_wait3A_516, %dma_wait3A_517, %dma_wait3A_518] : memref<2x6x64x128xf32, #tpu.memory_space<vmem>> -> memref<1x1x64x128xf32, #tpu.memory_space<vmem>>
      %dma_wait3A_520 = tpu.memref_squeeze %dma_wait3A_519 : memref<1x1x64x128xf32, #tpu.memory_space<vmem>> -> memref<64x128xf32, #tpu.memory_space<vmem>>
      %dma_wait3A_521 = tpu.memref_slice %arg17[%mul3A_494] : memref<256xi32, #tpu.memory_space<vmem>> -> memref<64xi32, #tpu.memory_space<vmem>>
      %dma_wait3A_522 = arith.constant 0 : i32
      %dma_wait3A_523 = arith.constant 0 : i32
      %dma_wait3A_524 = tpu.memref_slice %arg5[%dma_wait3A_522, %dma_wait3A_523] : memref<100000x128xf32, #tpu.memory_space<hbm>> -> memref<100000x128xf32, #tpu.memory_space<hbm>>
      tpu.wait_indirect_dma semaphore(%arg20 : memref<!tpu.dma_semaphore, #tpu.memory_space<semaphore_mem>>) src(%dma_wait3A_524 : memref<100000x128xf32, #tpu.memory_space<hbm>>) dst(%dma_wait3A_520 : memref<64x128xf32, #tpu.memory_space<vmem>>)
      %dma_wait3A_525 = arith.constant 1 : i32
      %dma_wait3A_526 = arith.constant 3 : i32
      %dma_wait3A_527 = arith.constant 0 : i32
      %dma_wait3A_528 = arith.constant 0 : i32
      %dma_wait3A_529 = tpu.memref_slice %arg18[%dma_wait3A_525, %dma_wait3A_526, %dma_wait3A_527, %dma_wait3A_528] : memref<2x6x64x128xf32, #tpu.memory_space<vmem>> -> memref<1x1x64x128xf32, #tpu.memory_space<vmem>>
      %dma_wait3A_530 = tpu.memref_squeeze %dma_wait3A_529 : memref<1x1x64x128xf32, #tpu.memory_space<vmem>> -> memref<64x128xf32, #tpu.memory_space<vmem>>
      %dma_wait3A_531 = tpu.memref_slice %arg15[%mul3A_494] : memref<256xi32, #tpu.memory_space<vmem>> -> memref<64xi32, #tpu.memory_space<vmem>>
      %dma_wait3A_532 = arith.constant 0 : i32
      %dma_wait3A_533 = arith.constant 0 : i32
      %dma_wait3A_534 = tpu.memref_slice %arg7[%dma_wait3A_532, %dma_wait3A_533] : memref<100000x128xf32, #tpu.memory_space<hbm>> -> memref<100000x128xf32, #tpu.memory_space<hbm>>
      tpu.wait_indirect_dma semaphore(%arg20 : memref<!tpu.dma_semaphore, #tpu.memory_space<semaphore_mem>>) src(%dma_wait3A_534 : memref<100000x128xf32, #tpu.memory_space<hbm>>) dst(%dma_wait3A_530 : memref<64x128xf32, #tpu.memory_space<vmem>>)
      %dma_wait3A_535 = arith.constant 1 : i32
      %dma_wait3A_536 = arith.constant 4 : i32
      %dma_wait3A_537 = arith.constant 0 : i32
      %dma_wait3A_538 = arith.constant 0 : i32
      %dma_wait3A_539 = tpu.memref_slice %arg18[%dma_wait3A_535, %dma_wait3A_536, %dma_wait3A_537, %dma_wait3A_538] : memref<2x6x64x128xf32, #tpu.memory_space<vmem>> -> memref<1x1x64x128xf32, #tpu.memory_space<vmem>>
      %dma_wait3A_540 = tpu.memref_squeeze %dma_wait3A_539 : memref<1x1x64x128xf32, #tpu.memory_space<vmem>> -> memref<64x128xf32, #tpu.memory_space<vmem>>
      %dma_wait3A_541 = tpu.memref_slice %arg16[%mul3A_494] : memref<256xi32, #tpu.memory_space<vmem>> -> memref<64xi32, #tpu.memory_space<vmem>>
      %dma_wait3A_542 = arith.constant 0 : i32
      %dma_wait3A_543 = arith.constant 0 : i32
      %dma_wait3A_544 = tpu.memref_slice %arg8[%dma_wait3A_542, %dma_wait3A_543] : memref<100000x128xf32, #tpu.memory_space<hbm>> -> memref<100000x128xf32, #tpu.memory_space<hbm>>
      tpu.wait_indirect_dma semaphore(%arg20 : memref<!tpu.dma_semaphore, #tpu.memory_space<semaphore_mem>>) src(%dma_wait3A_544 : memref<100000x128xf32, #tpu.memory_space<hbm>>) dst(%dma_wait3A_540 : memref<64x128xf32, #tpu.memory_space<vmem>>)
      %dma_wait3A_545 = arith.constant 1 : i32
      %dma_wait3A_546 = arith.constant 5 : i32
      %dma_wait3A_547 = arith.constant 0 : i32
      %dma_wait3A_548 = arith.constant 0 : i32
      %dma_wait3A_549 = tpu.memref_slice %arg18[%dma_wait3A_545, %dma_wait3A_546, %dma_wait3A_547, %dma_wait3A_548] : memref<2x6x64x128xf32, #tpu.memory_space<vmem>> -> memref<1x1x64x128xf32, #tpu.memory_space<vmem>>
      %dma_wait3A_550 = tpu.memref_squeeze %dma_wait3A_549 : memref<1x1x64x128xf32, #tpu.memory_space<vmem>> -> memref<64x128xf32, #tpu.memory_space<vmem>>
      %dma_wait3A_551 = tpu.memref_slice %arg17[%mul3A_494] : memref<256xi32, #tpu.memory_space<vmem>> -> memref<64xi32, #tpu.memory_space<vmem>>
      %dma_wait3A_552 = arith.constant 0 : i32
      %dma_wait3A_553 = arith.constant 0 : i32
      %dma_wait3A_554 = tpu.memref_slice %arg7[%dma_wait3A_552, %dma_wait3A_553] : memref<100000x128xf32, #tpu.memory_space<hbm>> -> memref<100000x128xf32, #tpu.memory_space<hbm>>
      tpu.wait_indirect_dma semaphore(%arg20 : memref<!tpu.dma_semaphore, #tpu.memory_space<semaphore_mem>>) src(%dma_wait3A_554 : memref<100000x128xf32, #tpu.memory_space<hbm>>) dst(%dma_wait3A_550 : memref<64x128xf32, #tpu.memory_space<vmem>>)
      %add3A_555 = arith.constant 1 : i32
      %add3A_556 = arith.addi %scan3A_270, %add3A_555 : i32
      %lt3A = arith.constant 2 : i32
      %lt3A_557 = arith.cmpi slt, %add3A_556, %lt3A : i32
      %convert_element_type3A_558 = arith.extui %lt3A_557 : i1 to i32
      %cond3A_559 = arith.constant 0 : i32
      %cond3A_560 = arith.cmpi ne, %convert_element_type3A_558, %cond3A_559 : i32
      scf.if %cond3A_560 {
        %mul3A_653 = arith.constant 64 : i32
        %mul3A_654 = arith.muli %mul3A_272, %mul3A_653 : i32
        %add3A_655 = arith.addi %mul3A_2, %mul3A_654 : i32
        %add3A_656 = arith.addi %mul3A_2, %mul3A_654 : i32
        %add3A_657 = arith.addi %mul3A_2, %mul3A_654 : i32
        %add3A_658 = arith.addi %mul3A_2, %mul3A_654 : i32
        %add3A_659 = arith.addi %mul3A_2, %mul3A_654 : i32
        %add3A_660 = arith.addi %mul3A_2, %mul3A_654 : i32
        %dma_wait3A_661 = arith.constant 0 : i32
        %dma_wait3A_662 = arith.constant 0 : i32
        %dma_wait3A_663 = arith.constant 0 : i32
        %dma_wait3A_664 = arith.constant 0 : i32
        %dma_wait3A_665 = tpu.memref_slice %arg18[%dma_wait3A_661, %dma_wait3A_662, %dma_wait3A_663, %dma_wait3A_664] : memref<2x6x64x128xf32, #tpu.memory_space<vmem>> -> memref<1x1x64x128xf32, #tpu.memory_space<vmem>>
        %dma_wait3A_666 = tpu.memref_squeeze %dma_wait3A_665 : memref<1x1x64x128xf32, #tpu.memory_space<vmem>> -> memref<64x128xf32, #tpu.memory_space<vmem>>
        %dma_wait3A_667 = arith.constant 0 : i32
        %dma_wait3A_668 = tpu.memref_slice %arg9[%add3A_655, %dma_wait3A_667] : memref<8192x128xf32, #tpu.memory_space<hbm>> -> memref<64x128xf32, #tpu.memory_space<hbm>>
        %dma_wait3A_669 = arith.constant 0 : i32
        %dma_wait3A_670 = tpu.memref_slice %arg9[%add3A_655, %dma_wait3A_669] : memref<8192x128xf32, #tpu.memory_space<hbm>> -> memref<64x128xf32, #tpu.memory_space<hbm>>
        %dma_wait3A_671 = arith.constant 0 : i32
        %dma_wait3A_672 = arith.constant 0 : i32
        %dma_wait3A_673 = tpu.memref_slice %arg18[%dma_wait3A_661, %dma_wait3A_662, %dma_wait3A_671, %dma_wait3A_672] : memref<2x6x64x128xf32, #tpu.memory_space<vmem>> -> memref<1x1x64x128xf32, #tpu.memory_space<vmem>>
        %dma_wait3A_674 = tpu.memref_squeeze %dma_wait3A_673 : memref<1x1x64x128xf32, #tpu.memory_space<vmem>> -> memref<64x128xf32, #tpu.memory_space<vmem>>
        tpu.wait_dma2 semaphore(%arg21 : memref<!tpu.dma_semaphore, #tpu.memory_space<semaphore_mem>>) src(%dma_wait3A_674 : memref<64x128xf32, #tpu.memory_space<vmem>>) dst(%dma_wait3A_670 : memref<64x128xf32, #tpu.memory_space<hbm>>)
        %dma_wait3A_675 = arith.constant 0 : i32
        %dma_wait3A_676 = arith.constant 1 : i32
        %dma_wait3A_677 = arith.constant 0 : i32
        %dma_wait3A_678 = arith.constant 0 : i32
        %dma_wait3A_679 = tpu.memref_slice %arg18[%dma_wait3A_675, %dma_wait3A_676, %dma_wait3A_677, %dma_wait3A_678] : memref<2x6x64x128xf32, #tpu.memory_space<vmem>> -> memref<1x1x64x128xf32, #tpu.memory_space<vmem>>
        %dma_wait3A_680 = tpu.memref_squeeze %dma_wait3A_679 : memref<1x1x64x128xf32, #tpu.memory_space<vmem>> -> memref<64x128xf32, #tpu.memory_space<vmem>>
        %dma_wait3A_681 = arith.constant 0 : i32
        %dma_wait3A_682 = tpu.memref_slice %arg10[%add3A_656, %dma_wait3A_681] : memref<8192x128xf32, #tpu.memory_space<hbm>> -> memref<64x128xf32, #tpu.memory_space<hbm>>
        %dma_wait3A_683 = arith.constant 0 : i32
        %dma_wait3A_684 = tpu.memref_slice %arg10[%add3A_656, %dma_wait3A_683] : memref<8192x128xf32, #tpu.memory_space<hbm>> -> memref<64x128xf32, #tpu.memory_space<hbm>>
        %dma_wait3A_685 = arith.constant 0 : i32
        %dma_wait3A_686 = arith.constant 0 : i32
        %dma_wait3A_687 = tpu.memref_slice %arg18[%dma_wait3A_675, %dma_wait3A_676, %dma_wait3A_685, %dma_wait3A_686] : memref<2x6x64x128xf32, #tpu.memory_space<vmem>> -> memref<1x1x64x128xf32, #tpu.memory_space<vmem>>
        %dma_wait3A_688 = tpu.memref_squeeze %dma_wait3A_687 : memref<1x1x64x128xf32, #tpu.memory_space<vmem>> -> memref<64x128xf32, #tpu.memory_space<vmem>>
        tpu.wait_dma2 semaphore(%arg21 : memref<!tpu.dma_semaphore, #tpu.memory_space<semaphore_mem>>) src(%dma_wait3A_688 : memref<64x128xf32, #tpu.memory_space<vmem>>) dst(%dma_wait3A_684 : memref<64x128xf32, #tpu.memory_space<hbm>>)
        %dma_wait3A_689 = arith.constant 0 : i32
        %dma_wait3A_690 = arith.constant 2 : i32
        %dma_wait3A_691 = arith.constant 0 : i32
        %dma_wait3A_692 = arith.constant 0 : i32
        %dma_wait3A_693 = tpu.memref_slice %arg18[%dma_wait3A_689, %dma_wait3A_690, %dma_wait3A_691, %dma_wait3A_692] : memref<2x6x64x128xf32, #tpu.memory_space<vmem>> -> memref<1x1x64x128xf32, #tpu.memory_space<vmem>>
        %dma_wait3A_694 = tpu.memref_squeeze %dma_wait3A_693 : memref<1x1x64x128xf32, #tpu.memory_space<vmem>> -> memref<64x128xf32, #tpu.memory_space<vmem>>
        %dma_wait3A_695 = arith.constant 0 : i32
        %dma_wait3A_696 = tpu.memref_slice %arg11[%add3A_657, %dma_wait3A_695] : memref<8192x128xf32, #tpu.memory_space<hbm>> -> memref<64x128xf32, #tpu.memory_space<hbm>>
        %dma_wait3A_697 = arith.constant 0 : i32
        %dma_wait3A_698 = tpu.memref_slice %arg11[%add3A_657, %dma_wait3A_697] : memref<8192x128xf32, #tpu.memory_space<hbm>> -> memref<64x128xf32, #tpu.memory_space<hbm>>
        %dma_wait3A_699 = arith.constant 0 : i32
        %dma_wait3A_700 = arith.constant 0 : i32
        %dma_wait3A_701 = tpu.memref_slice %arg18[%dma_wait3A_689, %dma_wait3A_690, %dma_wait3A_699, %dma_wait3A_700] : memref<2x6x64x128xf32, #tpu.memory_space<vmem>> -> memref<1x1x64x128xf32, #tpu.memory_space<vmem>>
        %dma_wait3A_702 = tpu.memref_squeeze %dma_wait3A_701 : memref<1x1x64x128xf32, #tpu.memory_space<vmem>> -> memref<64x128xf32, #tpu.memory_space<vmem>>
        tpu.wait_dma2 semaphore(%arg21 : memref<!tpu.dma_semaphore, #tpu.memory_space<semaphore_mem>>) src(%dma_wait3A_702 : memref<64x128xf32, #tpu.memory_space<vmem>>) dst(%dma_wait3A_698 : memref<64x128xf32, #tpu.memory_space<hbm>>)
        %dma_wait3A_703 = arith.constant 0 : i32
        %dma_wait3A_704 = arith.constant 3 : i32
        %dma_wait3A_705 = arith.constant 0 : i32
        %dma_wait3A_706 = arith.constant 0 : i32
        %dma_wait3A_707 = tpu.memref_slice %arg18[%dma_wait3A_703, %dma_wait3A_704, %dma_wait3A_705, %dma_wait3A_706] : memref<2x6x64x128xf32, #tpu.memory_space<vmem>> -> memref<1x1x64x128xf32, #tpu.memory_space<vmem>>
        %dma_wait3A_708 = tpu.memref_squeeze %dma_wait3A_707 : memref<1x1x64x128xf32, #tpu.memory_space<vmem>> -> memref<64x128xf32, #tpu.memory_space<vmem>>
        %dma_wait3A_709 = arith.constant 0 : i32
        %dma_wait3A_710 = tpu.memref_slice %arg12[%add3A_658, %dma_wait3A_709] : memref<8192x128xf32, #tpu.memory_space<hbm>> -> memref<64x128xf32, #tpu.memory_space<hbm>>
        %dma_wait3A_711 = arith.constant 0 : i32
        %dma_wait3A_712 = tpu.memref_slice %arg12[%add3A_658, %dma_wait3A_711] : memref<8192x128xf32, #tpu.memory_space<hbm>> -> memref<64x128xf32, #tpu.memory_space<hbm>>
        %dma_wait3A_713 = arith.constant 0 : i32
        %dma_wait3A_714 = arith.constant 0 : i32
        %dma_wait3A_715 = tpu.memref_slice %arg18[%dma_wait3A_703, %dma_wait3A_704, %dma_wait3A_713, %dma_wait3A_714] : memref<2x6x64x128xf32, #tpu.memory_space<vmem>> -> memref<1x1x64x128xf32, #tpu.memory_space<vmem>>
        %dma_wait3A_716 = tpu.memref_squeeze %dma_wait3A_715 : memref<1x1x64x128xf32, #tpu.memory_space<vmem>> -> memref<64x128xf32, #tpu.memory_space<vmem>>
        tpu.wait_dma2 semaphore(%arg21 : memref<!tpu.dma_semaphore, #tpu.memory_space<semaphore_mem>>) src(%dma_wait3A_716 : memref<64x128xf32, #tpu.memory_space<vmem>>) dst(%dma_wait3A_712 : memref<64x128xf32, #tpu.memory_space<hbm>>)
        %dma_wait3A_717 = arith.constant 0 : i32
        %dma_wait3A_718 = arith.constant 4 : i32
        %dma_wait3A_719 = arith.constant 0 : i32
        %dma_wait3A_720 = arith.constant 0 : i32
        %dma_wait3A_721 = tpu.memref_slice %arg18[%dma_wait3A_717, %dma_wait3A_718, %dma_wait3A_719, %dma_wait3A_720] : memref<2x6x64x128xf32, #tpu.memory_space<vmem>> -> memref<1x1x64x128xf32, #tpu.memory_space<vmem>>
        %dma_wait3A_722 = tpu.memref_squeeze %dma_wait3A_721 : memref<1x1x64x128xf32, #tpu.memory_space<vmem>> -> memref<64x128xf32, #tpu.memory_space<vmem>>
        %dma_wait3A_723 = arith.constant 0 : i32
        %dma_wait3A_724 = tpu.memref_slice %arg13[%add3A_659, %dma_wait3A_723] : memref<8192x128xf32, #tpu.memory_space<hbm>> -> memref<64x128xf32, #tpu.memory_space<hbm>>
        %dma_wait3A_725 = arith.constant 0 : i32
        %dma_wait3A_726 = tpu.memref_slice %arg13[%add3A_659, %dma_wait3A_725] : memref<8192x128xf32, #tpu.memory_space<hbm>> -> memref<64x128xf32, #tpu.memory_space<hbm>>
        %dma_wait3A_727 = arith.constant 0 : i32
        %dma_wait3A_728 = arith.constant 0 : i32
        %dma_wait3A_729 = tpu.memref_slice %arg18[%dma_wait3A_717, %dma_wait3A_718, %dma_wait3A_727, %dma_wait3A_728] : memref<2x6x64x128xf32, #tpu.memory_space<vmem>> -> memref<1x1x64x128xf32, #tpu.memory_space<vmem>>
        %dma_wait3A_730 = tpu.memref_squeeze %dma_wait3A_729 : memref<1x1x64x128xf32, #tpu.memory_space<vmem>> -> memref<64x128xf32, #tpu.memory_space<vmem>>
        tpu.wait_dma2 semaphore(%arg21 : memref<!tpu.dma_semaphore, #tpu.memory_space<semaphore_mem>>) src(%dma_wait3A_730 : memref<64x128xf32, #tpu.memory_space<vmem>>) dst(%dma_wait3A_726 : memref<64x128xf32, #tpu.memory_space<hbm>>)
        %dma_wait3A_731 = arith.constant 0 : i32
        %dma_wait3A_732 = arith.constant 5 : i32
        %dma_wait3A_733 = arith.constant 0 : i32
        %dma_wait3A_734 = arith.constant 0 : i32
        %dma_wait3A_735 = tpu.memref_slice %arg18[%dma_wait3A_731, %dma_wait3A_732, %dma_wait3A_733, %dma_wait3A_734] : memref<2x6x64x128xf32, #tpu.memory_space<vmem>> -> memref<1x1x64x128xf32, #tpu.memory_space<vmem>>
        %dma_wait3A_736 = tpu.memref_squeeze %dma_wait3A_735 : memref<1x1x64x128xf32, #tpu.memory_space<vmem>> -> memref<64x128xf32, #tpu.memory_space<vmem>>
        %dma_wait3A_737 = arith.constant 0 : i32
        %dma_wait3A_738 = tpu.memref_slice %arg14[%add3A_660, %dma_wait3A_737] : memref<8192x128xf32, #tpu.memory_space<hbm>> -> memref<64x128xf32, #tpu.memory_space<hbm>>
        %dma_wait3A_739 = arith.constant 0 : i32
        %dma_wait3A_740 = tpu.memref_slice %arg14[%add3A_660, %dma_wait3A_739] : memref<8192x128xf32, #tpu.memory_space<hbm>> -> memref<64x128xf32, #tpu.memory_space<hbm>>
        %dma_wait3A_741 = arith.constant 0 : i32
        %dma_wait3A_742 = arith.constant 0 : i32
        %dma_wait3A_743 = tpu.memref_slice %arg18[%dma_wait3A_731, %dma_wait3A_732, %dma_wait3A_741, %dma_wait3A_742] : memref<2x6x64x128xf32, #tpu.memory_space<vmem>> -> memref<1x1x64x128xf32, #tpu.memory_space<vmem>>
        %dma_wait3A_744 = tpu.memref_squeeze %dma_wait3A_743 : memref<1x1x64x128xf32, #tpu.memory_space<vmem>> -> memref<64x128xf32, #tpu.memory_space<vmem>>
        tpu.wait_dma2 semaphore(%arg21 : memref<!tpu.dma_semaphore, #tpu.memory_space<semaphore_mem>>) src(%dma_wait3A_744 : memref<64x128xf32, #tpu.memory_space<vmem>>) dst(%dma_wait3A_740 : memref<64x128xf32, #tpu.memory_space<hbm>>)
        %add3A_745 = arith.constant 2 : i32
        %add3A_746 = arith.addi %mul3A_272, %add3A_745 : i32
        %mul3A_747 = arith.constant 64 : i32
        %mul3A_748 = arith.muli %add3A_746, %mul3A_747 : i32
        %dma_start3A_749 = arith.constant 0 : i32
        %dma_start3A_750 = arith.constant 0 : i32
        %dma_start3A_751 = arith.constant 0 : i32
        %dma_start3A_752 = arith.constant 0 : i32
        %dma_start3A_753 = tpu.memref_slice %arg18[%dma_start3A_749, %dma_start3A_750, %dma_start3A_751, %dma_start3A_752] : memref<2x6x64x128xf32, #tpu.memory_space<vmem>> -> memref<1x1x64x128xf32, #tpu.memory_space<vmem>>
        %dma_start3A_754 = tpu.memref_squeeze %dma_start3A_753 : memref<1x1x64x128xf32, #tpu.memory_space<vmem>> -> memref<64x128xf32, #tpu.memory_space<vmem>>
        %dma_start3A_755 = tpu.memref_slice %arg15[%mul3A_748] : memref<256xi32, #tpu.memory_space<vmem>> -> memref<64xi32, #tpu.memory_space<vmem>>
        %dma_start3A_756 = arith.constant 0 : i32
        %dma_start3A_757 = arith.constant 0 : i32
        %dma_start3A_758 = tpu.memref_slice %arg5[%dma_start3A_756, %dma_start3A_757] : memref<100000x128xf32, #tpu.memory_space<hbm>> -> memref<100000x128xf32, #tpu.memory_space<hbm>>
        tpu.enqueue_indirect_dma source(%dma_start3A_758 : memref<100000x128xf32, #tpu.memory_space<hbm>>) target(%dma_start3A_754 : memref<64x128xf32, #tpu.memory_space<vmem>>) offsets(%dma_start3A_755 : memref<64xi32, #tpu.memory_space<vmem>>) semaphore(%arg19 : memref<!tpu.dma_semaphore, #tpu.memory_space<semaphore_mem>>)
        %dma_start3A_759 = arith.constant 0 : i32
        %dma_start3A_760 = arith.constant 1 : i32
        %dma_start3A_761 = arith.constant 0 : i32
        %dma_start3A_762 = arith.constant 0 : i32
        %dma_start3A_763 = tpu.memref_slice %arg18[%dma_start3A_759, %dma_start3A_760, %dma_start3A_761, %dma_start3A_762] : memref<2x6x64x128xf32, #tpu.memory_space<vmem>> -> memref<1x1x64x128xf32, #tpu.memory_space<vmem>>
        %dma_start3A_764 = tpu.memref_squeeze %dma_start3A_763 : memref<1x1x64x128xf32, #tpu.memory_space<vmem>> -> memref<64x128xf32, #tpu.memory_space<vmem>>
        %dma_start3A_765 = tpu.memref_slice %arg16[%mul3A_748] : memref<256xi32, #tpu.memory_space<vmem>> -> memref<64xi32, #tpu.memory_space<vmem>>
        %dma_start3A_766 = arith.constant 0 : i32
        %dma_start3A_767 = arith.constant 0 : i32
        %dma_start3A_768 = tpu.memref_slice %arg6[%dma_start3A_766, %dma_start3A_767] : memref<100000x128xf32, #tpu.memory_space<hbm>> -> memref<100000x128xf32, #tpu.memory_space<hbm>>
        tpu.enqueue_indirect_dma source(%dma_start3A_768 : memref<100000x128xf32, #tpu.memory_space<hbm>>) target(%dma_start3A_764 : memref<64x128xf32, #tpu.memory_space<vmem>>) offsets(%dma_start3A_765 : memref<64xi32, #tpu.memory_space<vmem>>) semaphore(%arg19 : memref<!tpu.dma_semaphore, #tpu.memory_space<semaphore_mem>>)
        %dma_start3A_769 = arith.constant 0 : i32
        %dma_start3A_770 = arith.constant 2 : i32
        %dma_start3A_771 = arith.constant 0 : i32
        %dma_start3A_772 = arith.constant 0 : i32
        %dma_start3A_773 = tpu.memref_slice %arg18[%dma_start3A_769, %dma_start3A_770, %dma_start3A_771, %dma_start3A_772] : memref<2x6x64x128xf32, #tpu.memory_space<vmem>> -> memref<1x1x64x128xf32, #tpu.memory_space<vmem>>
        %dma_start3A_774 = tpu.memref_squeeze %dma_start3A_773 : memref<1x1x64x128xf32, #tpu.memory_space<vmem>> -> memref<64x128xf32, #tpu.memory_space<vmem>>
        %dma_start3A_775 = tpu.memref_slice %arg17[%mul3A_748] : memref<256xi32, #tpu.memory_space<vmem>> -> memref<64xi32, #tpu.memory_space<vmem>>
        %dma_start3A_776 = arith.constant 0 : i32
        %dma_start3A_777 = arith.constant 0 : i32
        %dma_start3A_778 = tpu.memref_slice %arg5[%dma_start3A_776, %dma_start3A_777] : memref<100000x128xf32, #tpu.memory_space<hbm>> -> memref<100000x128xf32, #tpu.memory_space<hbm>>
        tpu.enqueue_indirect_dma source(%dma_start3A_778 : memref<100000x128xf32, #tpu.memory_space<hbm>>) target(%dma_start3A_774 : memref<64x128xf32, #tpu.memory_space<vmem>>) offsets(%dma_start3A_775 : memref<64xi32, #tpu.memory_space<vmem>>) semaphore(%arg19 : memref<!tpu.dma_semaphore, #tpu.memory_space<semaphore_mem>>)
        %dma_start3A_779 = arith.constant 0 : i32
        %dma_start3A_780 = arith.constant 3 : i32
        %dma_start3A_781 = arith.constant 0 : i32
        %dma_start3A_782 = arith.constant 0 : i32
        %dma_start3A_783 = tpu.memref_slice %arg18[%dma_start3A_779, %dma_start3A_780, %dma_start3A_781, %dma_start3A_782] : memref<2x6x64x128xf32, #tpu.memory_space<vmem>> -> memref<1x1x64x128xf32, #tpu.memory_space<vmem>>
        %dma_start3A_784 = tpu.memref_squeeze %dma_start3A_783 : memref<1x1x64x128xf32, #tpu.memory_space<vmem>> -> memref<64x128xf32, #tpu.memory_space<vmem>>
        %dma_start3A_785 = tpu.memref_slice %arg15[%mul3A_748] : memref<256xi32, #tpu.memory_space<vmem>> -> memref<64xi32, #tpu.memory_space<vmem>>
        %dma_start3A_786 = arith.constant 0 : i32
        %dma_start3A_787 = arith.constant 0 : i32
        %dma_start3A_788 = tpu.memref_slice %arg7[%dma_start3A_786, %dma_start3A_787] : memref<100000x128xf32, #tpu.memory_space<hbm>> -> memref<100000x128xf32, #tpu.memory_space<hbm>>
        tpu.enqueue_indirect_dma source(%dma_start3A_788 : memref<100000x128xf32, #tpu.memory_space<hbm>>) target(%dma_start3A_784 : memref<64x128xf32, #tpu.memory_space<vmem>>) offsets(%dma_start3A_785 : memref<64xi32, #tpu.memory_space<vmem>>) semaphore(%arg19 : memref<!tpu.dma_semaphore, #tpu.memory_space<semaphore_mem>>)
        %dma_start3A_789 = arith.constant 0 : i32
        %dma_start3A_790 = arith.constant 4 : i32
        %dma_start3A_791 = arith.constant 0 : i32
        %dma_start3A_792 = arith.constant 0 : i32
        %dma_start3A_793 = tpu.memref_slice %arg18[%dma_start3A_789, %dma_start3A_790, %dma_start3A_791, %dma_start3A_792] : memref<2x6x64x128xf32, #tpu.memory_space<vmem>> -> memref<1x1x64x128xf32, #tpu.memory_space<vmem>>
        %dma_start3A_794 = tpu.memref_squeeze %dma_start3A_793 : memref<1x1x64x128xf32, #tpu.memory_space<vmem>> -> memref<64x128xf32, #tpu.memory_space<vmem>>
        %dma_start3A_795 = tpu.memref_slice %arg16[%mul3A_748] : memref<256xi32, #tpu.memory_space<vmem>> -> memref<64xi32, #tpu.memory_space<vmem>>
        %dma_start3A_796 = arith.constant 0 : i32
        %dma_start3A_797 = arith.constant 0 : i32
        %dma_start3A_798 = tpu.memref_slice %arg8[%dma_start3A_796, %dma_start3A_797] : memref<100000x128xf32, #tpu.memory_space<hbm>> -> memref<100000x128xf32, #tpu.memory_space<hbm>>
        tpu.enqueue_indirect_dma source(%dma_start3A_798 : memref<100000x128xf32, #tpu.memory_space<hbm>>) target(%dma_start3A_794 : memref<64x128xf32, #tpu.memory_space<vmem>>) offsets(%dma_start3A_795 : memref<64xi32, #tpu.memory_space<vmem>>) semaphore(%arg19 : memref<!tpu.dma_semaphore, #tpu.memory_space<semaphore_mem>>)
        %dma_start3A_799 = arith.constant 0 : i32
        %dma_start3A_800 = arith.constant 5 : i32
        %dma_start3A_801 = arith.constant 0 : i32
        %dma_start3A_802 = arith.constant 0 : i32
        %dma_start3A_803 = tpu.memref_slice %arg18[%dma_start3A_799, %dma_start3A_800, %dma_start3A_801, %dma_start3A_802] : memref<2x6x64x128xf32, #tpu.memory_space<vmem>> -> memref<1x1x64x128xf32, #tpu.memory_space<vmem>>
        %dma_start3A_804 = tpu.memref_squeeze %dma_start3A_803 : memref<1x1x64x128xf32, #tpu.memory_space<vmem>> -> memref<64x128xf32, #tpu.memory_space<vmem>>
        %dma_start3A_805 = tpu.memref_slice %arg17[%mul3A_748] : memref<256xi32, #tpu.memory_space<vmem>> -> memref<64xi32, #tpu.memory_space<vmem>>
        %dma_start3A_806 = arith.constant 0 : i32
        %dma_start3A_807 = arith.constant 0 : i32
        %dma_start3A_808 = tpu.memref_slice %arg7[%dma_start3A_806, %dma_start3A_807] : memref<100000x128xf32, #tpu.memory_space<hbm>> -> memref<100000x128xf32, #tpu.memory_space<hbm>>
        tpu.enqueue_indirect_dma source(%dma_start3A_808 : memref<100000x128xf32, #tpu.memory_space<hbm>>) target(%dma_start3A_804 : memref<64x128xf32, #tpu.memory_space<vmem>>) offsets(%dma_start3A_805 : memref<64xi32, #tpu.memory_space<vmem>>) semaphore(%arg19 : memref<!tpu.dma_semaphore, #tpu.memory_space<semaphore_mem>>)
      } else {
      }
      %mul3A_561 = arith.constant 64 : i32
      %mul3A_562 = arith.muli %add3A_274, %mul3A_561 : i32
      %add3A_563 = arith.addi %mul3A_2, %mul3A_562 : i32
      %add3A_564 = arith.addi %mul3A_2, %mul3A_562 : i32
      %add3A_565 = arith.addi %mul3A_2, %mul3A_562 : i32
      %add3A_566 = arith.addi %mul3A_2, %mul3A_562 : i32
      %add3A_567 = arith.addi %mul3A_2, %mul3A_562 : i32
      %add3A_568 = arith.addi %mul3A_2, %mul3A_562 : i32
      %dma_start3A_569 = arith.constant 1 : i32
      %dma_start3A_570 = arith.constant 0 : i32
      %dma_start3A_571 = arith.constant 0 : i32
      %dma_start3A_572 = arith.constant 0 : i32
      %dma_start3A_573 = tpu.memref_slice %arg18[%dma_start3A_569, %dma_start3A_570, %dma_start3A_571, %dma_start3A_572] : memref<2x6x64x128xf32, #tpu.memory_space<vmem>> -> memref<1x1x64x128xf32, #tpu.memory_space<vmem>>
      %dma_start3A_574 = tpu.memref_squeeze %dma_start3A_573 : memref<1x1x64x128xf32, #tpu.memory_space<vmem>> -> memref<64x128xf32, #tpu.memory_space<vmem>>
      %dma_start3A_575 = arith.constant 0 : i32
      %dma_start3A_576 = tpu.memref_slice %arg9[%add3A_563, %dma_start3A_575] : memref<8192x128xf32, #tpu.memory_space<hbm>> -> memref<64x128xf32, #tpu.memory_space<hbm>>
      %dma_start3A_577 = arith.constant 0 : i32
      %dma_start3A_578 = tpu.memref_slice %arg9[%add3A_563, %dma_start3A_577] : memref<8192x128xf32, #tpu.memory_space<hbm>> -> memref<64x128xf32, #tpu.memory_space<hbm>>
      %dma_start3A_579 = arith.constant 0 : i32
      %dma_start3A_580 = arith.constant 0 : i32
      %dma_start3A_581 = tpu.memref_slice %arg18[%dma_start3A_569, %dma_start3A_570, %dma_start3A_579, %dma_start3A_580] : memref<2x6x64x128xf32, #tpu.memory_space<vmem>> -> memref<1x1x64x128xf32, #tpu.memory_space<vmem>>
      %dma_start3A_582 = tpu.memref_squeeze %dma_start3A_581 : memref<1x1x64x128xf32, #tpu.memory_space<vmem>> -> memref<64x128xf32, #tpu.memory_space<vmem>>
      tpu.enqueue_dma source(%dma_start3A_582 : memref<64x128xf32, #tpu.memory_space<vmem>>) target(%dma_start3A_578 : memref<64x128xf32, #tpu.memory_space<hbm>>) target_semaphore(%arg22 : memref<!tpu.dma_semaphore, #tpu.memory_space<semaphore_mem>>)
      %dma_start3A_583 = arith.constant 1 : i32
      %dma_start3A_584 = arith.constant 1 : i32
      %dma_start3A_585 = arith.constant 0 : i32
      %dma_start3A_586 = arith.constant 0 : i32
      %dma_start3A_587 = tpu.memref_slice %arg18[%dma_start3A_583, %dma_start3A_584, %dma_start3A_585, %dma_start3A_586] : memref<2x6x64x128xf32, #tpu.memory_space<vmem>> -> memref<1x1x64x128xf32, #tpu.memory_space<vmem>>
      %dma_start3A_588 = tpu.memref_squeeze %dma_start3A_587 : memref<1x1x64x128xf32, #tpu.memory_space<vmem>> -> memref<64x128xf32, #tpu.memory_space<vmem>>
      %dma_start3A_589 = arith.constant 0 : i32
      %dma_start3A_590 = tpu.memref_slice %arg10[%add3A_564, %dma_start3A_589] : memref<8192x128xf32, #tpu.memory_space<hbm>> -> memref<64x128xf32, #tpu.memory_space<hbm>>
      %dma_start3A_591 = arith.constant 0 : i32
      %dma_start3A_592 = tpu.memref_slice %arg10[%add3A_564, %dma_start3A_591] : memref<8192x128xf32, #tpu.memory_space<hbm>> -> memref<64x128xf32, #tpu.memory_space<hbm>>
      %dma_start3A_593 = arith.constant 0 : i32
      %dma_start3A_594 = arith.constant 0 : i32
      %dma_start3A_595 = tpu.memref_slice %arg18[%dma_start3A_583, %dma_start3A_584, %dma_start3A_593, %dma_start3A_594] : memref<2x6x64x128xf32, #tpu.memory_space<vmem>> -> memref<1x1x64x128xf32, #tpu.memory_space<vmem>>
      %dma_start3A_596 = tpu.memref_squeeze %dma_start3A_595 : memref<1x1x64x128xf32, #tpu.memory_space<vmem>> -> memref<64x128xf32, #tpu.memory_space<vmem>>
      tpu.enqueue_dma source(%dma_start3A_596 : memref<64x128xf32, #tpu.memory_space<vmem>>) target(%dma_start3A_592 : memref<64x128xf32, #tpu.memory_space<hbm>>) target_semaphore(%arg22 : memref<!tpu.dma_semaphore, #tpu.memory_space<semaphore_mem>>)
      %dma_start3A_597 = arith.constant 1 : i32
      %dma_start3A_598 = arith.constant 2 : i32
      %dma_start3A_599 = arith.constant 0 : i32
      %dma_start3A_600 = arith.constant 0 : i32
      %dma_start3A_601 = tpu.memref_slice %arg18[%dma_start3A_597, %dma_start3A_598, %dma_start3A_599, %dma_start3A_600] : memref<2x6x64x128xf32, #tpu.memory_space<vmem>> -> memref<1x1x64x128xf32, #tpu.memory_space<vmem>>
      %dma_start3A_602 = tpu.memref_squeeze %dma_start3A_601 : memref<1x1x64x128xf32, #tpu.memory_space<vmem>> -> memref<64x128xf32, #tpu.memory_space<vmem>>
      %dma_start3A_603 = arith.constant 0 : i32
      %dma_start3A_604 = tpu.memref_slice %arg11[%add3A_565, %dma_start3A_603] : memref<8192x128xf32, #tpu.memory_space<hbm>> -> memref<64x128xf32, #tpu.memory_space<hbm>>
      %dma_start3A_605 = arith.constant 0 : i32
      %dma_start3A_606 = tpu.memref_slice %arg11[%add3A_565, %dma_start3A_605] : memref<8192x128xf32, #tpu.memory_space<hbm>> -> memref<64x128xf32, #tpu.memory_space<hbm>>
      %dma_start3A_607 = arith.constant 0 : i32
      %dma_start3A_608 = arith.constant 0 : i32
      %dma_start3A_609 = tpu.memref_slice %arg18[%dma_start3A_597, %dma_start3A_598, %dma_start3A_607, %dma_start3A_608] : memref<2x6x64x128xf32, #tpu.memory_space<vmem>> -> memref<1x1x64x128xf32, #tpu.memory_space<vmem>>
      %dma_start3A_610 = tpu.memref_squeeze %dma_start3A_609 : memref<1x1x64x128xf32, #tpu.memory_space<vmem>> -> memref<64x128xf32, #tpu.memory_space<vmem>>
      tpu.enqueue_dma source(%dma_start3A_610 : memref<64x128xf32, #tpu.memory_space<vmem>>) target(%dma_start3A_606 : memref<64x128xf32, #tpu.memory_space<hbm>>) target_semaphore(%arg22 : memref<!tpu.dma_semaphore, #tpu.memory_space<semaphore_mem>>)
      %dma_start3A_611 = arith.constant 1 : i32
      %dma_start3A_612 = arith.constant 3 : i32
      %dma_start3A_613 = arith.constant 0 : i32
      %dma_start3A_614 = arith.constant 0 : i32
      %dma_start3A_615 = tpu.memref_slice %arg18[%dma_start3A_611, %dma_start3A_612, %dma_start3A_613, %dma_start3A_614] : memref<2x6x64x128xf32, #tpu.memory_space<vmem>> -> memref<1x1x64x128xf32, #tpu.memory_space<vmem>>
      %dma_start3A_616 = tpu.memref_squeeze %dma_start3A_615 : memref<1x1x64x128xf32, #tpu.memory_space<vmem>> -> memref<64x128xf32, #tpu.memory_space<vmem>>
      %dma_start3A_617 = arith.constant 0 : i32
      %dma_start3A_618 = tpu.memref_slice %arg12[%add3A_566, %dma_start3A_617] : memref<8192x128xf32, #tpu.memory_space<hbm>> -> memref<64x128xf32, #tpu.memory_space<hbm>>
      %dma_start3A_619 = arith.constant 0 : i32
      %dma_start3A_620 = tpu.memref_slice %arg12[%add3A_566, %dma_start3A_619] : memref<8192x128xf32, #tpu.memory_space<hbm>> -> memref<64x128xf32, #tpu.memory_space<hbm>>
      %dma_start3A_621 = arith.constant 0 : i32
      %dma_start3A_622 = arith.constant 0 : i32
      %dma_start3A_623 = tpu.memref_slice %arg18[%dma_start3A_611, %dma_start3A_612, %dma_start3A_621, %dma_start3A_622] : memref<2x6x64x128xf32, #tpu.memory_space<vmem>> -> memref<1x1x64x128xf32, #tpu.memory_space<vmem>>
      %dma_start3A_624 = tpu.memref_squeeze %dma_start3A_623 : memref<1x1x64x128xf32, #tpu.memory_space<vmem>> -> memref<64x128xf32, #tpu.memory_space<vmem>>
      tpu.enqueue_dma source(%dma_start3A_624 : memref<64x128xf32, #tpu.memory_space<vmem>>) target(%dma_start3A_620 : memref<64x128xf32, #tpu.memory_space<hbm>>) target_semaphore(%arg22 : memref<!tpu.dma_semaphore, #tpu.memory_space<semaphore_mem>>)
      %dma_start3A_625 = arith.constant 1 : i32
      %dma_start3A_626 = arith.constant 4 : i32
      %dma_start3A_627 = arith.constant 0 : i32
      %dma_start3A_628 = arith.constant 0 : i32
      %dma_start3A_629 = tpu.memref_slice %arg18[%dma_start3A_625, %dma_start3A_626, %dma_start3A_627, %dma_start3A_628] : memref<2x6x64x128xf32, #tpu.memory_space<vmem>> -> memref<1x1x64x128xf32, #tpu.memory_space<vmem>>
      %dma_start3A_630 = tpu.memref_squeeze %dma_start3A_629 : memref<1x1x64x128xf32, #tpu.memory_space<vmem>> -> memref<64x128xf32, #tpu.memory_space<vmem>>
      %dma_start3A_631 = arith.constant 0 : i32
      %dma_start3A_632 = tpu.memref_slice %arg13[%add3A_567, %dma_start3A_631] : memref<8192x128xf32, #tpu.memory_space<hbm>> -> memref<64x128xf32, #tpu.memory_space<hbm>>
      %dma_start3A_633 = arith.constant 0 : i32
      %dma_start3A_634 = tpu.memref_slice %arg13[%add3A_567, %dma_start3A_633] : memref<8192x128xf32, #tpu.memory_space<hbm>> -> memref<64x128xf32, #tpu.memory_space<hbm>>
      %dma_start3A_635 = arith.constant 0 : i32
      %dma_start3A_636 = arith.constant 0 : i32
      %dma_start3A_637 = tpu.memref_slice %arg18[%dma_start3A_625, %dma_start3A_626, %dma_start3A_635, %dma_start3A_636] : memref<2x6x64x128xf32, #tpu.memory_space<vmem>> -> memref<1x1x64x128xf32, #tpu.memory_space<vmem>>
      %dma_start3A_638 = tpu.memref_squeeze %dma_start3A_637 : memref<1x1x64x128xf32, #tpu.memory_space<vmem>> -> memref<64x128xf32, #tpu.memory_space<vmem>>
      tpu.enqueue_dma source(%dma_start3A_638 : memref<64x128xf32, #tpu.memory_space<vmem>>) target(%dma_start3A_634 : memref<64x128xf32, #tpu.memory_space<hbm>>) target_semaphore(%arg22 : memref<!tpu.dma_semaphore, #tpu.memory_space<semaphore_mem>>)
      %dma_start3A_639 = arith.constant 1 : i32
      %dma_start3A_640 = arith.constant 5 : i32
      %dma_start3A_641 = arith.constant 0 : i32
      %dma_start3A_642 = arith.constant 0 : i32
      %dma_start3A_643 = tpu.memref_slice %arg18[%dma_start3A_639, %dma_start3A_640, %dma_start3A_641, %dma_start3A_642] : memref<2x6x64x128xf32, #tpu.memory_space<vmem>> -> memref<1x1x64x128xf32, #tpu.memory_space<vmem>>
      %dma_start3A_644 = tpu.memref_squeeze %dma_start3A_643 : memref<1x1x64x128xf32, #tpu.memory_space<vmem>> -> memref<64x128xf32, #tpu.memory_space<vmem>>
      %dma_start3A_645 = arith.constant 0 : i32
      %dma_start3A_646 = tpu.memref_slice %arg14[%add3A_568, %dma_start3A_645] : memref<8192x128xf32, #tpu.memory_space<hbm>> -> memref<64x128xf32, #tpu.memory_space<hbm>>
      %dma_start3A_647 = arith.constant 0 : i32
      %dma_start3A_648 = tpu.memref_slice %arg14[%add3A_568, %dma_start3A_647] : memref<8192x128xf32, #tpu.memory_space<hbm>> -> memref<64x128xf32, #tpu.memory_space<hbm>>
      %dma_start3A_649 = arith.constant 0 : i32
      %dma_start3A_650 = arith.constant 0 : i32
      %dma_start3A_651 = tpu.memref_slice %arg18[%dma_start3A_639, %dma_start3A_640, %dma_start3A_649, %dma_start3A_650] : memref<2x6x64x128xf32, #tpu.memory_space<vmem>> -> memref<1x1x64x128xf32, #tpu.memory_space<vmem>>
      %dma_start3A_652 = tpu.memref_squeeze %dma_start3A_651 : memref<1x1x64x128xf32, #tpu.memory_space<vmem>> -> memref<64x128xf32, #tpu.memory_space<vmem>>
      tpu.enqueue_dma source(%dma_start3A_652 : memref<64x128xf32, #tpu.memory_space<vmem>>) target(%dma_start3A_648 : memref<64x128xf32, #tpu.memory_space<hbm>>) target_semaphore(%arg22 : memref<!tpu.dma_semaphore, #tpu.memory_space<semaphore_mem>>)
    }
    %scan3A_78 = arith.constant 2 : i32
    %add3A_79 = arith.constant 128 : i32
    %add3A_80 = arith.addi %mul3A_2, %add3A_79 : i32
    %add3A_81 = arith.constant 128 : i32
    %add3A_82 = arith.addi %mul3A_2, %add3A_81 : i32
    %add3A_83 = arith.constant 128 : i32
    %add3A_84 = arith.addi %mul3A_2, %add3A_83 : i32
    %add3A_85 = arith.constant 128 : i32
    %add3A_86 = arith.addi %mul3A_2, %add3A_85 : i32
    %add3A_87 = arith.constant 128 : i32
    %add3A_88 = arith.addi %mul3A_2, %add3A_87 : i32
    %add3A_89 = arith.constant 128 : i32
    %add3A_90 = arith.addi %mul3A_2, %add3A_89 : i32
    %dma_wait3A = arith.constant 0 : i32
    %dma_wait3A_91 = arith.constant 0 : i32
    %dma_wait3A_92 = arith.constant 0 : i32
    %dma_wait3A_93 = arith.constant 0 : i32
    %dma_wait3A_94 = tpu.memref_slice %arg18[%dma_wait3A, %dma_wait3A_91, %dma_wait3A_92, %dma_wait3A_93] : memref<2x6x64x128xf32, #tpu.memory_space<vmem>> -> memref<1x1x64x128xf32, #tpu.memory_space<vmem>>
    %dma_wait3A_95 = tpu.memref_squeeze %dma_wait3A_94 : memref<1x1x64x128xf32, #tpu.memory_space<vmem>> -> memref<64x128xf32, #tpu.memory_space<vmem>>
    %dma_wait3A_96 = arith.constant 0 : i32
    %dma_wait3A_97 = tpu.memref_slice %arg9[%add3A_80, %dma_wait3A_96] : memref<8192x128xf32, #tpu.memory_space<hbm>> -> memref<64x128xf32, #tpu.memory_space<hbm>>
    %dma_wait3A_98 = arith.constant 0 : i32
    %dma_wait3A_99 = tpu.memref_slice %arg9[%add3A_80, %dma_wait3A_98] : memref<8192x128xf32, #tpu.memory_space<hbm>> -> memref<64x128xf32, #tpu.memory_space<hbm>>
    %dma_wait3A_100 = arith.constant 0 : i32
    %dma_wait3A_101 = arith.constant 0 : i32
    %dma_wait3A_102 = tpu.memref_slice %arg18[%dma_wait3A, %dma_wait3A_91, %dma_wait3A_100, %dma_wait3A_101] : memref<2x6x64x128xf32, #tpu.memory_space<vmem>> -> memref<1x1x64x128xf32, #tpu.memory_space<vmem>>
    %dma_wait3A_103 = tpu.memref_squeeze %dma_wait3A_102 : memref<1x1x64x128xf32, #tpu.memory_space<vmem>> -> memref<64x128xf32, #tpu.memory_space<vmem>>
    tpu.wait_dma2 semaphore(%arg21 : memref<!tpu.dma_semaphore, #tpu.memory_space<semaphore_mem>>) src(%dma_wait3A_103 : memref<64x128xf32, #tpu.memory_space<vmem>>) dst(%dma_wait3A_99 : memref<64x128xf32, #tpu.memory_space<hbm>>)
    %dma_wait3A_104 = arith.constant 0 : i32
    %dma_wait3A_105 = arith.constant 1 : i32
    %dma_wait3A_106 = arith.constant 0 : i32
    %dma_wait3A_107 = arith.constant 0 : i32
    %dma_wait3A_108 = tpu.memref_slice %arg18[%dma_wait3A_104, %dma_wait3A_105, %dma_wait3A_106, %dma_wait3A_107] : memref<2x6x64x128xf32, #tpu.memory_space<vmem>> -> memref<1x1x64x128xf32, #tpu.memory_space<vmem>>
    %dma_wait3A_109 = tpu.memref_squeeze %dma_wait3A_108 : memref<1x1x64x128xf32, #tpu.memory_space<vmem>> -> memref<64x128xf32, #tpu.memory_space<vmem>>
    %dma_wait3A_110 = arith.constant 0 : i32
    %dma_wait3A_111 = tpu.memref_slice %arg10[%add3A_82, %dma_wait3A_110] : memref<8192x128xf32, #tpu.memory_space<hbm>> -> memref<64x128xf32, #tpu.memory_space<hbm>>
    %dma_wait3A_112 = arith.constant 0 : i32
    %dma_wait3A_113 = tpu.memref_slice %arg10[%add3A_82, %dma_wait3A_112] : memref<8192x128xf32, #tpu.memory_space<hbm>> -> memref<64x128xf32, #tpu.memory_space<hbm>>
    %dma_wait3A_114 = arith.constant 0 : i32
    %dma_wait3A_115 = arith.constant 0 : i32
    %dma_wait3A_116 = tpu.memref_slice %arg18[%dma_wait3A_104, %dma_wait3A_105, %dma_wait3A_114, %dma_wait3A_115] : memref<2x6x64x128xf32, #tpu.memory_space<vmem>> -> memref<1x1x64x128xf32, #tpu.memory_space<vmem>>
    %dma_wait3A_117 = tpu.memref_squeeze %dma_wait3A_116 : memref<1x1x64x128xf32, #tpu.memory_space<vmem>> -> memref<64x128xf32, #tpu.memory_space<vmem>>
    tpu.wait_dma2 semaphore(%arg21 : memref<!tpu.dma_semaphore, #tpu.memory_space<semaphore_mem>>) src(%dma_wait3A_117 : memref<64x128xf32, #tpu.memory_space<vmem>>) dst(%dma_wait3A_113 : memref<64x128xf32, #tpu.memory_space<hbm>>)
    %dma_wait3A_118 = arith.constant 0 : i32
    %dma_wait3A_119 = arith.constant 2 : i32
    %dma_wait3A_120 = arith.constant 0 : i32
    %dma_wait3A_121 = arith.constant 0 : i32
    %dma_wait3A_122 = tpu.memref_slice %arg18[%dma_wait3A_118, %dma_wait3A_119, %dma_wait3A_120, %dma_wait3A_121] : memref<2x6x64x128xf32, #tpu.memory_space<vmem>> -> memref<1x1x64x128xf32, #tpu.memory_space<vmem>>
    %dma_wait3A_123 = tpu.memref_squeeze %dma_wait3A_122 : memref<1x1x64x128xf32, #tpu.memory_space<vmem>> -> memref<64x128xf32, #tpu.memory_space<vmem>>
    %dma_wait3A_124 = arith.constant 0 : i32
    %dma_wait3A_125 = tpu.memref_slice %arg11[%add3A_84, %dma_wait3A_124] : memref<8192x128xf32, #tpu.memory_space<hbm>> -> memref<64x128xf32, #tpu.memory_space<hbm>>
    %dma_wait3A_126 = arith.constant 0 : i32
    %dma_wait3A_127 = tpu.memref_slice %arg11[%add3A_84, %dma_wait3A_126] : memref<8192x128xf32, #tpu.memory_space<hbm>> -> memref<64x128xf32, #tpu.memory_space<hbm>>
    %dma_wait3A_128 = arith.constant 0 : i32
    %dma_wait3A_129 = arith.constant 0 : i32
    %dma_wait3A_130 = tpu.memref_slice %arg18[%dma_wait3A_118, %dma_wait3A_119, %dma_wait3A_128, %dma_wait3A_129] : memref<2x6x64x128xf32, #tpu.memory_space<vmem>> -> memref<1x1x64x128xf32, #tpu.memory_space<vmem>>
    %dma_wait3A_131 = tpu.memref_squeeze %dma_wait3A_130 : memref<1x1x64x128xf32, #tpu.memory_space<vmem>> -> memref<64x128xf32, #tpu.memory_space<vmem>>
    tpu.wait_dma2 semaphore(%arg21 : memref<!tpu.dma_semaphore, #tpu.memory_space<semaphore_mem>>) src(%dma_wait3A_131 : memref<64x128xf32, #tpu.memory_space<vmem>>) dst(%dma_wait3A_127 : memref<64x128xf32, #tpu.memory_space<hbm>>)
    %dma_wait3A_132 = arith.constant 0 : i32
    %dma_wait3A_133 = arith.constant 3 : i32
    %dma_wait3A_134 = arith.constant 0 : i32
    %dma_wait3A_135 = arith.constant 0 : i32
    %dma_wait3A_136 = tpu.memref_slice %arg18[%dma_wait3A_132, %dma_wait3A_133, %dma_wait3A_134, %dma_wait3A_135] : memref<2x6x64x128xf32, #tpu.memory_space<vmem>> -> memref<1x1x64x128xf32, #tpu.memory_space<vmem>>
    %dma_wait3A_137 = tpu.memref_squeeze %dma_wait3A_136 : memref<1x1x64x128xf32, #tpu.memory_space<vmem>> -> memref<64x128xf32, #tpu.memory_space<vmem>>
    %dma_wait3A_138 = arith.constant 0 : i32
    %dma_wait3A_139 = tpu.memref_slice %arg12[%add3A_86, %dma_wait3A_138] : memref<8192x128xf32, #tpu.memory_space<hbm>> -> memref<64x128xf32, #tpu.memory_space<hbm>>
    %dma_wait3A_140 = arith.constant 0 : i32
    %dma_wait3A_141 = tpu.memref_slice %arg12[%add3A_86, %dma_wait3A_140] : memref<8192x128xf32, #tpu.memory_space<hbm>> -> memref<64x128xf32, #tpu.memory_space<hbm>>
    %dma_wait3A_142 = arith.constant 0 : i32
    %dma_wait3A_143 = arith.constant 0 : i32
    %dma_wait3A_144 = tpu.memref_slice %arg18[%dma_wait3A_132, %dma_wait3A_133, %dma_wait3A_142, %dma_wait3A_143] : memref<2x6x64x128xf32, #tpu.memory_space<vmem>> -> memref<1x1x64x128xf32, #tpu.memory_space<vmem>>
    %dma_wait3A_145 = tpu.memref_squeeze %dma_wait3A_144 : memref<1x1x64x128xf32, #tpu.memory_space<vmem>> -> memref<64x128xf32, #tpu.memory_space<vmem>>
    tpu.wait_dma2 semaphore(%arg21 : memref<!tpu.dma_semaphore, #tpu.memory_space<semaphore_mem>>) src(%dma_wait3A_145 : memref<64x128xf32, #tpu.memory_space<vmem>>) dst(%dma_wait3A_141 : memref<64x128xf32, #tpu.memory_space<hbm>>)
    %dma_wait3A_146 = arith.constant 0 : i32
    %dma_wait3A_147 = arith.constant 4 : i32
    %dma_wait3A_148 = arith.constant 0 : i32
    %dma_wait3A_149 = arith.constant 0 : i32
    %dma_wait3A_150 = tpu.memref_slice %arg18[%dma_wait3A_146, %dma_wait3A_147, %dma_wait3A_148, %dma_wait3A_149] : memref<2x6x64x128xf32, #tpu.memory_space<vmem>> -> memref<1x1x64x128xf32, #tpu.memory_space<vmem>>
    %dma_wait3A_151 = tpu.memref_squeeze %dma_wait3A_150 : memref<1x1x64x128xf32, #tpu.memory_space<vmem>> -> memref<64x128xf32, #tpu.memory_space<vmem>>
    %dma_wait3A_152 = arith.constant 0 : i32
    %dma_wait3A_153 = tpu.memref_slice %arg13[%add3A_88, %dma_wait3A_152] : memref<8192x128xf32, #tpu.memory_space<hbm>> -> memref<64x128xf32, #tpu.memory_space<hbm>>
    %dma_wait3A_154 = arith.constant 0 : i32
    %dma_wait3A_155 = tpu.memref_slice %arg13[%add3A_88, %dma_wait3A_154] : memref<8192x128xf32, #tpu.memory_space<hbm>> -> memref<64x128xf32, #tpu.memory_space<hbm>>
    %dma_wait3A_156 = arith.constant 0 : i32
    %dma_wait3A_157 = arith.constant 0 : i32
    %dma_wait3A_158 = tpu.memref_slice %arg18[%dma_wait3A_146, %dma_wait3A_147, %dma_wait3A_156, %dma_wait3A_157] : memref<2x6x64x128xf32, #tpu.memory_space<vmem>> -> memref<1x1x64x128xf32, #tpu.memory_space<vmem>>
    %dma_wait3A_159 = tpu.memref_squeeze %dma_wait3A_158 : memref<1x1x64x128xf32, #tpu.memory_space<vmem>> -> memref<64x128xf32, #tpu.memory_space<vmem>>
    tpu.wait_dma2 semaphore(%arg21 : memref<!tpu.dma_semaphore, #tpu.memory_space<semaphore_mem>>) src(%dma_wait3A_159 : memref<64x128xf32, #tpu.memory_space<vmem>>) dst(%dma_wait3A_155 : memref<64x128xf32, #tpu.memory_space<hbm>>)
    %dma_wait3A_160 = arith.constant 0 : i32
    %dma_wait3A_161 = arith.constant 5 : i32
    %dma_wait3A_162 = arith.constant 0 : i32
    %dma_wait3A_163 = arith.constant 0 : i32
    %dma_wait3A_164 = tpu.memref_slice %arg18[%dma_wait3A_160, %dma_wait3A_161, %dma_wait3A_162, %dma_wait3A_163] : memref<2x6x64x128xf32, #tpu.memory_space<vmem>> -> memref<1x1x64x128xf32, #tpu.memory_space<vmem>>
    %dma_wait3A_165 = tpu.memref_squeeze %dma_wait3A_164 : memref<1x1x64x128xf32, #tpu.memory_space<vmem>> -> memref<64x128xf32, #tpu.memory_space<vmem>>
    %dma_wait3A_166 = arith.constant 0 : i32
    %dma_wait3A_167 = tpu.memref_slice %arg14[%add3A_90, %dma_wait3A_166] : memref<8192x128xf32, #tpu.memory_space<hbm>> -> memref<64x128xf32, #tpu.memory_space<hbm>>
    %dma_wait3A_168 = arith.constant 0 : i32
    %dma_wait3A_169 = tpu.memref_slice %arg14[%add3A_90, %dma_wait3A_168] : memref<8192x128xf32, #tpu.memory_space<hbm>> -> memref<64x128xf32, #tpu.memory_space<hbm>>
    %dma_wait3A_170 = arith.constant 0 : i32
    %dma_wait3A_171 = arith.constant 0 : i32
    %dma_wait3A_172 = tpu.memref_slice %arg18[%dma_wait3A_160, %dma_wait3A_161, %dma_wait3A_170, %dma_wait3A_171] : memref<2x6x64x128xf32, #tpu.memory_space<vmem>> -> memref<1x1x64x128xf32, #tpu.memory_space<vmem>>
    %dma_wait3A_173 = tpu.memref_squeeze %dma_wait3A_172 : memref<1x1x64x128xf32, #tpu.memory_space<vmem>> -> memref<64x128xf32, #tpu.memory_space<vmem>>
    tpu.wait_dma2 semaphore(%arg21 : memref<!tpu.dma_semaphore, #tpu.memory_space<semaphore_mem>>) src(%dma_wait3A_173 : memref<64x128xf32, #tpu.memory_space<vmem>>) dst(%dma_wait3A_169 : memref<64x128xf32, #tpu.memory_space<hbm>>)
    %add3A_174 = arith.constant 192 : i32
    %add3A_175 = arith.addi %mul3A_2, %add3A_174 : i32
    %add3A_176 = arith.constant 192 : i32
    %add3A_177 = arith.addi %mul3A_2, %add3A_176 : i32
    %add3A_178 = arith.constant 192 : i32
    %add3A_179 = arith.addi %mul3A_2, %add3A_178 : i32
    %add3A_180 = arith.constant 192 : i32
    %add3A_181 = arith.addi %mul3A_2, %add3A_180 : i32
    %add3A_182 = arith.constant 192 : i32
    %add3A_183 = arith.addi %mul3A_2, %add3A_182 : i32
    %add3A_184 = arith.constant 192 : i32
    %add3A_185 = arith.addi %mul3A_2, %add3A_184 : i32
    %dma_wait3A_186 = arith.constant 1 : i32
    %dma_wait3A_187 = arith.constant 0 : i32
    %dma_wait3A_188 = arith.constant 0 : i32
    %dma_wait3A_189 = arith.constant 0 : i32
    %dma_wait3A_190 = tpu.memref_slice %arg18[%dma_wait3A_186, %dma_wait3A_187, %dma_wait3A_188, %dma_wait3A_189] : memref<2x6x64x128xf32, #tpu.memory_space<vmem>> -> memref<1x1x64x128xf32, #tpu.memory_space<vmem>>
    %dma_wait3A_191 = tpu.memref_squeeze %dma_wait3A_190 : memref<1x1x64x128xf32, #tpu.memory_space<vmem>> -> memref<64x128xf32, #tpu.memory_space<vmem>>
    %dma_wait3A_192 = arith.constant 0 : i32
    %dma_wait3A_193 = tpu.memref_slice %arg9[%add3A_175, %dma_wait3A_192] : memref<8192x128xf32, #tpu.memory_space<hbm>> -> memref<64x128xf32, #tpu.memory_space<hbm>>
    %dma_wait3A_194 = arith.constant 0 : i32
    %dma_wait3A_195 = tpu.memref_slice %arg9[%add3A_175, %dma_wait3A_194] : memref<8192x128xf32, #tpu.memory_space<hbm>> -> memref<64x128xf32, #tpu.memory_space<hbm>>
    %dma_wait3A_196 = arith.constant 0 : i32
    %dma_wait3A_197 = arith.constant 0 : i32
    %dma_wait3A_198 = tpu.memref_slice %arg18[%dma_wait3A_186, %dma_wait3A_187, %dma_wait3A_196, %dma_wait3A_197] : memref<2x6x64x128xf32, #tpu.memory_space<vmem>> -> memref<1x1x64x128xf32, #tpu.memory_space<vmem>>
    %dma_wait3A_199 = tpu.memref_squeeze %dma_wait3A_198 : memref<1x1x64x128xf32, #tpu.memory_space<vmem>> -> memref<64x128xf32, #tpu.memory_space<vmem>>
    tpu.wait_dma2 semaphore(%arg22 : memref<!tpu.dma_semaphore, #tpu.memory_space<semaphore_mem>>) src(%dma_wait3A_199 : memref<64x128xf32, #tpu.memory_space<vmem>>) dst(%dma_wait3A_195 : memref<64x128xf32, #tpu.memory_space<hbm>>)
    %dma_wait3A_200 = arith.constant 1 : i32
    %dma_wait3A_201 = arith.constant 1 : i32
    %dma_wait3A_202 = arith.constant 0 : i32
    %dma_wait3A_203 = arith.constant 0 : i32
    %dma_wait3A_204 = tpu.memref_slice %arg18[%dma_wait3A_200, %dma_wait3A_201, %dma_wait3A_202, %dma_wait3A_203] : memref<2x6x64x128xf32, #tpu.memory_space<vmem>> -> memref<1x1x64x128xf32, #tpu.memory_space<vmem>>
    %dma_wait3A_205 = tpu.memref_squeeze %dma_wait3A_204 : memref<1x1x64x128xf32, #tpu.memory_space<vmem>> -> memref<64x128xf32, #tpu.memory_space<vmem>>
    %dma_wait3A_206 = arith.constant 0 : i32
    %dma_wait3A_207 = tpu.memref_slice %arg10[%add3A_177, %dma_wait3A_206] : memref<8192x128xf32, #tpu.memory_space<hbm>> -> memref<64x128xf32, #tpu.memory_space<hbm>>
    %dma_wait3A_208 = arith.constant 0 : i32
    %dma_wait3A_209 = tpu.memref_slice %arg10[%add3A_177, %dma_wait3A_208] : memref<8192x128xf32, #tpu.memory_space<hbm>> -> memref<64x128xf32, #tpu.memory_space<hbm>>
    %dma_wait3A_210 = arith.constant 0 : i32
    %dma_wait3A_211 = arith.constant 0 : i32
    %dma_wait3A_212 = tpu.memref_slice %arg18[%dma_wait3A_200, %dma_wait3A_201, %dma_wait3A_210, %dma_wait3A_211] : memref<2x6x64x128xf32, #tpu.memory_space<vmem>> -> memref<1x1x64x128xf32, #tpu.memory_space<vmem>>
    %dma_wait3A_213 = tpu.memref_squeeze %dma_wait3A_212 : memref<1x1x64x128xf32, #tpu.memory_space<vmem>> -> memref<64x128xf32, #tpu.memory_space<vmem>>
    tpu.wait_dma2 semaphore(%arg22 : memref<!tpu.dma_semaphore, #tpu.memory_space<semaphore_mem>>) src(%dma_wait3A_213 : memref<64x128xf32, #tpu.memory_space<vmem>>) dst(%dma_wait3A_209 : memref<64x128xf32, #tpu.memory_space<hbm>>)
    %dma_wait3A_214 = arith.constant 1 : i32
    %dma_wait3A_215 = arith.constant 2 : i32
    %dma_wait3A_216 = arith.constant 0 : i32
    %dma_wait3A_217 = arith.constant 0 : i32
    %dma_wait3A_218 = tpu.memref_slice %arg18[%dma_wait3A_214, %dma_wait3A_215, %dma_wait3A_216, %dma_wait3A_217] : memref<2x6x64x128xf32, #tpu.memory_space<vmem>> -> memref<1x1x64x128xf32, #tpu.memory_space<vmem>>
    %dma_wait3A_219 = tpu.memref_squeeze %dma_wait3A_218 : memref<1x1x64x128xf32, #tpu.memory_space<vmem>> -> memref<64x128xf32, #tpu.memory_space<vmem>>
    %dma_wait3A_220 = arith.constant 0 : i32
    %dma_wait3A_221 = tpu.memref_slice %arg11[%add3A_179, %dma_wait3A_220] : memref<8192x128xf32, #tpu.memory_space<hbm>> -> memref<64x128xf32, #tpu.memory_space<hbm>>
    %dma_wait3A_222 = arith.constant 0 : i32
    %dma_wait3A_223 = tpu.memref_slice %arg11[%add3A_179, %dma_wait3A_222] : memref<8192x128xf32, #tpu.memory_space<hbm>> -> memref<64x128xf32, #tpu.memory_space<hbm>>
    %dma_wait3A_224 = arith.constant 0 : i32
    %dma_wait3A_225 = arith.constant 0 : i32
    %dma_wait3A_226 = tpu.memref_slice %arg18[%dma_wait3A_214, %dma_wait3A_215, %dma_wait3A_224, %dma_wait3A_225] : memref<2x6x64x128xf32, #tpu.memory_space<vmem>> -> memref<1x1x64x128xf32, #tpu.memory_space<vmem>>
    %dma_wait3A_227 = tpu.memref_squeeze %dma_wait3A_226 : memref<1x1x64x128xf32, #tpu.memory_space<vmem>> -> memref<64x128xf32, #tpu.memory_space<vmem>>
    tpu.wait_dma2 semaphore(%arg22 : memref<!tpu.dma_semaphore, #tpu.memory_space<semaphore_mem>>) src(%dma_wait3A_227 : memref<64x128xf32, #tpu.memory_space<vmem>>) dst(%dma_wait3A_223 : memref<64x128xf32, #tpu.memory_space<hbm>>)
    %dma_wait3A_228 = arith.constant 1 : i32
    %dma_wait3A_229 = arith.constant 3 : i32
    %dma_wait3A_230 = arith.constant 0 : i32
    %dma_wait3A_231 = arith.constant 0 : i32
    %dma_wait3A_232 = tpu.memref_slice %arg18[%dma_wait3A_228, %dma_wait3A_229, %dma_wait3A_230, %dma_wait3A_231] : memref<2x6x64x128xf32, #tpu.memory_space<vmem>> -> memref<1x1x64x128xf32, #tpu.memory_space<vmem>>
    %dma_wait3A_233 = tpu.memref_squeeze %dma_wait3A_232 : memref<1x1x64x128xf32, #tpu.memory_space<vmem>> -> memref<64x128xf32, #tpu.memory_space<vmem>>
    %dma_wait3A_234 = arith.constant 0 : i32
    %dma_wait3A_235 = tpu.memref_slice %arg12[%add3A_181, %dma_wait3A_234] : memref<8192x128xf32, #tpu.memory_space<hbm>> -> memref<64x128xf32, #tpu.memory_space<hbm>>
    %dma_wait3A_236 = arith.constant 0 : i32
    %dma_wait3A_237 = tpu.memref_slice %arg12[%add3A_181, %dma_wait3A_236] : memref<8192x128xf32, #tpu.memory_space<hbm>> -> memref<64x128xf32, #tpu.memory_space<hbm>>
    %dma_wait3A_238 = arith.constant 0 : i32
    %dma_wait3A_239 = arith.constant 0 : i32
    %dma_wait3A_240 = tpu.memref_slice %arg18[%dma_wait3A_228, %dma_wait3A_229, %dma_wait3A_238, %dma_wait3A_239] : memref<2x6x64x128xf32, #tpu.memory_space<vmem>> -> memref<1x1x64x128xf32, #tpu.memory_space<vmem>>
    %dma_wait3A_241 = tpu.memref_squeeze %dma_wait3A_240 : memref<1x1x64x128xf32, #tpu.memory_space<vmem>> -> memref<64x128xf32, #tpu.memory_space<vmem>>
    tpu.wait_dma2 semaphore(%arg22 : memref<!tpu.dma_semaphore, #tpu.memory_space<semaphore_mem>>) src(%dma_wait3A_241 : memref<64x128xf32, #tpu.memory_space<vmem>>) dst(%dma_wait3A_237 : memref<64x128xf32, #tpu.memory_space<hbm>>)
    %dma_wait3A_242 = arith.constant 1 : i32
    %dma_wait3A_243 = arith.constant 4 : i32
    %dma_wait3A_244 = arith.constant 0 : i32
    %dma_wait3A_245 = arith.constant 0 : i32
    %dma_wait3A_246 = tpu.memref_slice %arg18[%dma_wait3A_242, %dma_wait3A_243, %dma_wait3A_244, %dma_wait3A_245] : memref<2x6x64x128xf32, #tpu.memory_space<vmem>> -> memref<1x1x64x128xf32, #tpu.memory_space<vmem>>
    %dma_wait3A_247 = tpu.memref_squeeze %dma_wait3A_246 : memref<1x1x64x128xf32, #tpu.memory_space<vmem>> -> memref<64x128xf32, #tpu.memory_space<vmem>>
    %dma_wait3A_248 = arith.constant 0 : i32
    %dma_wait3A_249 = tpu.memref_slice %arg13[%add3A_183, %dma_wait3A_248] : memref<8192x128xf32, #tpu.memory_space<hbm>> -> memref<64x128xf32, #tpu.memory_space<hbm>>
    %dma_wait3A_250 = arith.constant 0 : i32
    %dma_wait3A_251 = tpu.memref_slice %arg13[%add3A_183, %dma_wait3A_250] : memref<8192x128xf32, #tpu.memory_space<hbm>> -> memref<64x128xf32, #tpu.memory_space<hbm>>
    %dma_wait3A_252 = arith.constant 0 : i32
    %dma_wait3A_253 = arith.constant 0 : i32
    %dma_wait3A_254 = tpu.memref_slice %arg18[%dma_wait3A_242, %dma_wait3A_243, %dma_wait3A_252, %dma_wait3A_253] : memref<2x6x64x128xf32, #tpu.memory_space<vmem>> -> memref<1x1x64x128xf32, #tpu.memory_space<vmem>>
    %dma_wait3A_255 = tpu.memref_squeeze %dma_wait3A_254 : memref<1x1x64x128xf32, #tpu.memory_space<vmem>> -> memref<64x128xf32, #tpu.memory_space<vmem>>
    tpu.wait_dma2 semaphore(%arg22 : memref<!tpu.dma_semaphore, #tpu.memory_space<semaphore_mem>>) src(%dma_wait3A_255 : memref<64x128xf32, #tpu.memory_space<vmem>>) dst(%dma_wait3A_251 : memref<64x128xf32, #tpu.memory_space<hbm>>)
    %dma_wait3A_256 = arith.constant 1 : i32
    %dma_wait3A_257 = arith.constant 5 : i32
    %dma_wait3A_258 = arith.constant 0 : i32
    %dma_wait3A_259 = arith.constant 0 : i32
    %dma_wait3A_260 = tpu.memref_slice %arg18[%dma_wait3A_256, %dma_wait3A_257, %dma_wait3A_258, %dma_wait3A_259] : memref<2x6x64x128xf32, #tpu.memory_space<vmem>> -> memref<1x1x64x128xf32, #tpu.memory_space<vmem>>
    %dma_wait3A_261 = tpu.memref_squeeze %dma_wait3A_260 : memref<1x1x64x128xf32, #tpu.memory_space<vmem>> -> memref<64x128xf32, #tpu.memory_space<vmem>>
    %dma_wait3A_262 = arith.constant 0 : i32
    %dma_wait3A_263 = tpu.memref_slice %arg14[%add3A_185, %dma_wait3A_262] : memref<8192x128xf32, #tpu.memory_space<hbm>> -> memref<64x128xf32, #tpu.memory_space<hbm>>
    %dma_wait3A_264 = arith.constant 0 : i32
    %dma_wait3A_265 = tpu.memref_slice %arg14[%add3A_185, %dma_wait3A_264] : memref<8192x128xf32, #tpu.memory_space<hbm>> -> memref<64x128xf32, #tpu.memory_space<hbm>>
    %dma_wait3A_266 = arith.constant 0 : i32
    %dma_wait3A_267 = arith.constant 0 : i32
    %dma_wait3A_268 = tpu.memref_slice %arg18[%dma_wait3A_256, %dma_wait3A_257, %dma_wait3A_266, %dma_wait3A_267] : memref<2x6x64x128xf32, #tpu.memory_space<vmem>> -> memref<1x1x64x128xf32, #tpu.memory_space<vmem>>
    %dma_wait3A_269 = tpu.memref_squeeze %dma_wait3A_268 : memref<1x1x64x128xf32, #tpu.memory_space<vmem>> -> memref<64x128xf32, #tpu.memory_space<vmem>>
    tpu.wait_dma2 semaphore(%arg22 : memref<!tpu.dma_semaphore, #tpu.memory_space<semaphore_mem>>) src(%dma_wait3A_269 : memref<64x128xf32, #tpu.memory_space<vmem>>) dst(%dma_wait3A_265 : memref<64x128xf32, #tpu.memory_space<hbm>>)
    return
  }
}

#map = affine_map<(d0, d1) -> (0)>
#map1 = affine_map<(d0, d1) -> (0, 0)>
module attributes {stable_mosaic.version = 14 : i64} {
  func.func @body(%arg0: i32, %arg1: i32, %arg2: memref<16384xi32, #tpu.memory_space<hbm>>, %arg3: memref<16384xi32, #tpu.memory_space<hbm>>, %arg4: memref<16384xi32, #tpu.memory_space<hbm>>, %arg5: memref<100000x128xf32, #tpu.memory_space<hbm>>, %arg6: memref<100000x128xf32, #tpu.memory_space<hbm>>, %arg7: memref<100000x128xf32, #tpu.memory_space<hbm>>, %arg8: memref<100000x128xf32, #tpu.memory_space<hbm>>, %arg9: memref<8192x128xf32, #tpu.memory_space<hbm>>, %arg10: memref<8192x128xf32, #tpu.memory_space<hbm>>, %arg11: memref<8192x128xf32, #tpu.memory_space<hbm>>, %arg12: memref<8192x128xf32, #tpu.memory_space<hbm>>, %arg13: memref<8192x128xf32, #tpu.memory_space<hbm>>, %arg14: memref<8192x128xf32, #tpu.memory_space<hbm>>, %arg15: memref<256xi32, #tpu.memory_space<vmem>>, %arg16: memref<256xi32, #tpu.memory_space<vmem>>, %arg17: memref<256xi32, #tpu.memory_space<vmem>>, %arg18: memref<2x6x64x128xf32, #tpu.memory_space<vmem>>, %arg19: memref<!tpu.dma_semaphore, #tpu.memory_space<semaphore_mem>>, %arg20: memref<!tpu.dma_semaphore, #tpu.memory_space<semaphore_mem>>, %arg21: memref<!tpu.dma_semaphore, #tpu.memory_space<semaphore_mem>>, %arg22: memref<!tpu.dma_semaphore, #tpu.memory_space<semaphore_mem>>) attributes {dimension_semantics = [#tpu.dimension_semantics<core_parallel>, #tpu.dimension_semantics<subcore_parallel>], iteration_bounds = array<i64: 2, 16>, scalar_prefetch = 0 : i64, scratch_operands = 8 : i64, tpu.core_type = #tpu.core_type<sc_vector_subcore>, window_params = [{transform_indices = #map}, {transform_indices = #map}, {transform_indices = #map}, {transform_indices = #map1}, {transform_indices = #map1}, {transform_indices = #map1}, {transform_indices = #map1}, {transform_indices = #map1}, {transform_indices = #map1}, {transform_indices = #map1}, {transform_indices = #map1}, {transform_indices = #map1}, {transform_indices = #map1}]} {
    %mul3A = arith.constant 2 : i32
    %mul3A_0 = arith.muli %arg1, %mul3A : i32
    %add3A = arith.addi %mul3A_0, %arg0 : i32
    %mul3A_1 = arith.constant 256 : i32
    %mul3A_2 = arith.muli %add3A, %mul3A_1 : i32
    %add3A_3 = arith.constant 8192 : i32
    %add3A_4 = arith.addi %add3A_3, %mul3A_2 : i32
    "tpu.region"() ({
      %run_scoped3A = tpu.sem_alloc : memref<!tpu.dma_semaphore, #tpu.memory_space<semaphore_mem>>
      %dma_start3A_270 = tpu.memref_slice %arg2[%add3A_4] : memref<16384xi32, #tpu.memory_space<hbm>> -> memref<256xi32, #tpu.memory_space<hbm>>
      %dma_start3A_271 = tpu.memref_slice %arg2[%add3A_4] : memref<16384xi32, #tpu.memory_space<hbm>> -> memref<256xi32, #tpu.memory_space<hbm>>
      tpu.enqueue_dma source(%dma_start3A_271 : memref<256xi32, #tpu.memory_space<hbm>>) target(%arg15 : memref<256xi32, #tpu.memory_space<vmem>>) target_semaphore(%run_scoped3A : memref<!tpu.dma_semaphore, #tpu.memory_space<semaphore_mem>>)
      %dma_wait3A_272 = tpu.memref_slice %arg2[%add3A_4] : memref<16384xi32, #tpu.memory_space<hbm>> -> memref<256xi32, #tpu.memory_space<hbm>>
      %dma_wait3A_273 = tpu.memref_slice %arg2[%add3A_4] : memref<16384xi32, #tpu.memory_space<hbm>> -> memref<256xi32, #tpu.memory_space<hbm>>
      tpu.wait_dma2 semaphore(%run_scoped3A : memref<!tpu.dma_semaphore, #tpu.memory_space<semaphore_mem>>) src(%dma_wait3A_273 : memref<256xi32, #tpu.memory_space<hbm>>) dst(%arg15 : memref<256xi32, #tpu.memory_space<vmem>>)
      tpu.yield
    }) : () -> ()
    %add3A_5 = arith.constant 8192 : i32
    %add3A_6 = arith.addi %add3A_5, %mul3A_2 : i32
    "tpu.region"() ({
      %run_scoped3A = tpu.sem_alloc : memref<!tpu.dma_semaphore, #tpu.memory_space<semaphore_mem>>
      %dma_start3A_270 = tpu.memref_slice %arg3[%add3A_6] : memref<16384xi32, #tpu.memory_space<hbm>> -> memref<256xi32, #tpu.memory_space<hbm>>
      %dma_start3A_271 = tpu.memref_slice %arg3[%add3A_6] : memref<16384xi32, #tpu.memory_space<hbm>> -> memref<256xi32, #tpu.memory_space<hbm>>
      tpu.enqueue_dma source(%dma_start3A_271 : memref<256xi32, #tpu.memory_space<hbm>>) target(%arg16 : memref<256xi32, #tpu.memory_space<vmem>>) target_semaphore(%run_scoped3A : memref<!tpu.dma_semaphore, #tpu.memory_space<semaphore_mem>>)
      %dma_wait3A_272 = tpu.memref_slice %arg3[%add3A_6] : memref<16384xi32, #tpu.memory_space<hbm>> -> memref<256xi32, #tpu.memory_space<hbm>>
      %dma_wait3A_273 = tpu.memref_slice %arg3[%add3A_6] : memref<16384xi32, #tpu.memory_space<hbm>> -> memref<256xi32, #tpu.memory_space<hbm>>
      tpu.wait_dma2 semaphore(%run_scoped3A : memref<!tpu.dma_semaphore, #tpu.memory_space<semaphore_mem>>) src(%dma_wait3A_273 : memref<256xi32, #tpu.memory_space<hbm>>) dst(%arg16 : memref<256xi32, #tpu.memory_space<vmem>>)
      tpu.yield
    }) : () -> ()
    %add3A_7 = arith.constant 8192 : i32
    %add3A_8 = arith.addi %add3A_7, %mul3A_2 : i32
    "tpu.region"() ({
      %run_scoped3A = tpu.sem_alloc : memref<!tpu.dma_semaphore, #tpu.memory_space<semaphore_mem>>
      %dma_start3A_270 = tpu.memref_slice %arg4[%add3A_8] : memref<16384xi32, #tpu.memory_space<hbm>> -> memref<256xi32, #tpu.memory_space<hbm>>
      %dma_start3A_271 = tpu.memref_slice %arg4[%add3A_8] : memref<16384xi32, #tpu.memory_space<hbm>> -> memref<256xi32, #tpu.memory_space<hbm>>
      tpu.enqueue_dma source(%dma_start3A_271 : memref<256xi32, #tpu.memory_space<hbm>>) target(%arg17 : memref<256xi32, #tpu.memory_space<vmem>>) target_semaphore(%run_scoped3A : memref<!tpu.dma_semaphore, #tpu.memory_space<semaphore_mem>>)
      %dma_wait3A_272 = tpu.memref_slice %arg4[%add3A_8] : memref<16384xi32, #tpu.memory_space<hbm>> -> memref<256xi32, #tpu.memory_space<hbm>>
      %dma_wait3A_273 = tpu.memref_slice %arg4[%add3A_8] : memref<16384xi32, #tpu.memory_space<hbm>> -> memref<256xi32, #tpu.memory_space<hbm>>
      tpu.wait_dma2 semaphore(%run_scoped3A : memref<!tpu.dma_semaphore, #tpu.memory_space<semaphore_mem>>) src(%dma_wait3A_273 : memref<256xi32, #tpu.memory_space<hbm>>) dst(%arg17 : memref<256xi32, #tpu.memory_space<vmem>>)
      tpu.yield
    }) : () -> ()
    %dma_start3A = arith.constant 0 : i32
    %dma_start3A_9 = arith.constant 0 : i32
    %dma_start3A_10 = arith.constant 0 : i32
    %dma_start3A_11 = arith.constant 0 : i32
    %dma_start3A_12 = tpu.memref_slice %arg18[%dma_start3A, %dma_start3A_9, %dma_start3A_10, %dma_start3A_11] : memref<2x6x64x128xf32, #tpu.memory_space<vmem>> -> memref<1x1x64x128xf32, #tpu.memory_space<vmem>>
    %dma_start3A_13 = tpu.memref_squeeze %dma_start3A_12 : memref<1x1x64x128xf32, #tpu.memory_space<vmem>> -> memref<64x128xf32, #tpu.memory_space<vmem>>
    %dma_start3A_14 = arith.constant 0 : i32
    %dma_start3A_15 = tpu.memref_slice %arg15[%dma_start3A_14] : memref<256xi32, #tpu.memory_space<vmem>> -> memref<64xi32, #tpu.memory_space<vmem>>
    %dma_start3A_16 = arith.constant 0 : i32
    %dma_start3A_17 = arith.constant 0 : i32
    %dma_start3A_18 = tpu.memref_slice %arg5[%dma_start3A_16, %dma_start3A_17] : memref<100000x128xf32, #tpu.memory_space<hbm>> -> memref<100000x128xf32, #tpu.memory_space<hbm>>
    tpu.enqueue_indirect_dma source(%dma_start3A_18 : memref<100000x128xf32, #tpu.memory_space<hbm>>) target(%dma_start3A_13 : memref<64x128xf32, #tpu.memory_space<vmem>>) offsets(%dma_start3A_15 : memref<64xi32, #tpu.memory_space<vmem>>) semaphore(%arg19 : memref<!tpu.dma_semaphore, #tpu.memory_space<semaphore_mem>>)
    %dma_start3A_19 = arith.constant 0 : i32
    %dma_start3A_20 = arith.constant 1 : i32
    %dma_start3A_21 = arith.constant 0 : i32
    %dma_start3A_22 = arith.constant 0 : i32
    %dma_start3A_23 = tpu.memref_slice %arg18[%dma_start3A_19, %dma_start3A_20, %dma_start3A_21, %dma_start3A_22] : memref<2x6x64x128xf32, #tpu.memory_space<vmem>> -> memref<1x1x64x128xf32, #tpu.memory_space<vmem>>
    %dma_start3A_24 = tpu.memref_squeeze %dma_start3A_23 : memref<1x1x64x128xf32, #tpu.memory_space<vmem>> -> memref<64x128xf32, #tpu.memory_space<vmem>>
    %dma_start3A_25 = arith.constant 0 : i32
    %dma_start3A_26 = tpu.memref_slice %arg16[%dma_start3A_25] : memref<256xi32, #tpu.memory_space<vmem>> -> memref<64xi32, #tpu.memory_space<vmem>>
    %dma_start3A_27 = arith.constant 0 : i32
    %dma_start3A_28 = arith.constant 0 : i32
    %dma_start3A_29 = tpu.memref_slice %arg6[%dma_start3A_27, %dma_start3A_28] : memref<100000x128xf32, #tpu.memory_space<hbm>> -> memref<100000x128xf32, #tpu.memory_space<hbm>>
    tpu.enqueue_indirect_dma source(%dma_start3A_29 : memref<100000x128xf32, #tpu.memory_space<hbm>>) target(%dma_start3A_24 : memref<64x128xf32, #tpu.memory_space<vmem>>) offsets(%dma_start3A_26 : memref<64xi32, #tpu.memory_space<vmem>>) semaphore(%arg19 : memref<!tpu.dma_semaphore, #tpu.memory_space<semaphore_mem>>)
    %dma_start3A_30 = arith.constant 0 : i32
    %dma_start3A_31 = arith.constant 2 : i32
    %dma_start3A_32 = arith.constant 0 : i32
    %dma_start3A_33 = arith.constant 0 : i32
    %dma_start3A_34 = tpu.memref_slice %arg18[%dma_start3A_30, %dma_start3A_31, %dma_start3A_32, %dma_start3A_33] : memref<2x6x64x128xf32, #tpu.memory_space<vmem>> -> memref<1x1x64x128xf32, #tpu.memory_space<vmem>>
    %dma_start3A_35 = tpu.memref_squeeze %dma_start3A_34 : memref<1x1x64x128xf32, #tpu.memory_space<vmem>> -> memref<64x128xf32, #tpu.memory_space<vmem>>
    %dma_start3A_36 = arith.constant 0 : i32
    %dma_start3A_37 = tpu.memref_slice %arg17[%dma_start3A_36] : memref<256xi32, #tpu.memory_space<vmem>> -> memref<64xi32, #tpu.memory_space<vmem>>
    %dma_start3A_38 = arith.constant 0 : i32
    %dma_start3A_39 = arith.constant 0 : i32
    %dma_start3A_40 = tpu.memref_slice %arg5[%dma_start3A_38, %dma_start3A_39] : memref<100000x128xf32, #tpu.memory_space<hbm>> -> memref<100000x128xf32, #tpu.memory_space<hbm>>
    tpu.enqueue_indirect_dma source(%dma_start3A_40 : memref<100000x128xf32, #tpu.memory_space<hbm>>) target(%dma_start3A_35 : memref<64x128xf32, #tpu.memory_space<vmem>>) offsets(%dma_start3A_37 : memref<64xi32, #tpu.memory_space<vmem>>) semaphore(%arg19 : memref<!tpu.dma_semaphore, #tpu.memory_space<semaphore_mem>>)
    %dma_start3A_41 = arith.constant 0 : i32
    %dma_start3A_42 = arith.constant 3 : i32
    %dma_start3A_43 = arith.constant 0 : i32
    %dma_start3A_44 = arith.constant 0 : i32
    %dma_start3A_45 = tpu.memref_slice %arg18[%dma_start3A_41, %dma_start3A_42, %dma_start3A_43, %dma_start3A_44] : memref<2x6x64x128xf32, #tpu.memory_space<vmem>> -> memref<1x1x64x128xf32, #tpu.memory_space<vmem>>
    %dma_start3A_46 = tpu.memref_squeeze %dma_start3A_45 : memref<1x1x64x128xf32, #tpu.memory_space<vmem>> -> memref<64x128xf32, #tpu.memory_space<vmem>>
    %dma_start3A_47 = arith.constant 0 : i32
    %dma_start3A_48 = tpu.memref_slice %arg15[%dma_start3A_47] : memref<256xi32, #tpu.memory_space<vmem>> -> memref<64xi32, #tpu.memory_space<vmem>>
    %dma_start3A_49 = arith.constant 0 : i32
    %dma_start3A_50 = arith.constant 0 : i32
    %dma_start3A_51 = tpu.memref_slice %arg7[%dma_start3A_49, %dma_start3A_50] : memref<100000x128xf32, #tpu.memory_space<hbm>> -> memref<100000x128xf32, #tpu.memory_space<hbm>>
    tpu.enqueue_indirect_dma source(%dma_start3A_51 : memref<100000x128xf32, #tpu.memory_space<hbm>>) target(%dma_start3A_46 : memref<64x128xf32, #tpu.memory_space<vmem>>) offsets(%dma_start3A_48 : memref<64xi32, #tpu.memory_space<vmem>>) semaphore(%arg19 : memref<!tpu.dma_semaphore, #tpu.memory_space<semaphore_mem>>)
    %dma_start3A_52 = arith.constant 0 : i32
    %dma_start3A_53 = arith.constant 4 : i32
    %dma_start3A_54 = arith.constant 0 : i32
    %dma_start3A_55 = arith.constant 0 : i32
    %dma_start3A_56 = tpu.memref_slice %arg18[%dma_start3A_52, %dma_start3A_53, %dma_start3A_54, %dma_start3A_55] : memref<2x6x64x128xf32, #tpu.memory_space<vmem>> -> memref<1x1x64x128xf32, #tpu.memory_space<vmem>>
    %dma_start3A_57 = tpu.memref_squeeze %dma_start3A_56 : memref<1x1x64x128xf32, #tpu.memory_space<vmem>> -> memref<64x128xf32, #tpu.memory_space<vmem>>
    %dma_start3A_58 = arith.constant 0 : i32
    %dma_start3A_59 = tpu.memref_slice %arg16[%dma_start3A_58] : memref<256xi32, #tpu.memory_space<vmem>> -> memref<64xi32, #tpu.memory_space<vmem>>
    %dma_start3A_60 = arith.constant 0 : i32
    %dma_start3A_61 = arith.constant 0 : i32
    %dma_start3A_62 = tpu.memref_slice %arg8[%dma_start3A_60, %dma_start3A_61] : memref<100000x128xf32, #tpu.memory_space<hbm>> -> memref<100000x128xf32, #tpu.memory_space<hbm>>
    tpu.enqueue_indirect_dma source(%dma_start3A_62 : memref<100000x128xf32, #tpu.memory_space<hbm>>) target(%dma_start3A_57 : memref<64x128xf32, #tpu.memory_space<vmem>>) offsets(%dma_start3A_59 : memref<64xi32, #tpu.memory_space<vmem>>) semaphore(%arg19 : memref<!tpu.dma_semaphore, #tpu.memory_space<semaphore_mem>>)
    %dma_start3A_63 = arith.constant 0 : i32
    %dma_start3A_64 = arith.constant 5 : i32
    %dma_start3A_65 = arith.constant 0 : i32
    %dma_start3A_66 = arith.constant 0 : i32
    %dma_start3A_67 = tpu.memref_slice %arg18[%dma_start3A_63, %dma_start3A_64, %dma_start3A_65, %dma_start3A_66] : memref<2x6x64x128xf32, #tpu.memory_space<vmem>> -> memref<1x1x64x128xf32, #tpu.memory_space<vmem>>
    %dma_start3A_68 = tpu.memref_squeeze %dma_start3A_67 : memref<1x1x64x128xf32, #tpu.memory_space<vmem>> -> memref<64x128xf32, #tpu.memory_space<vmem>>
    %dma_start3A_69 = arith.constant 0 : i32
    %dma_start3A_70 = tpu.memref_slice %arg17[%dma_start3A_69] : memref<256xi32, #tpu.memory_space<vmem>> -> memref<64xi32, #tpu.memory_space<vmem>>
    %dma_start3A_71 = arith.constant 0 : i32
    %dma_start3A_72 = arith.constant 0 : i32
    %dma_start3A_73 = tpu.memref_slice %arg7[%dma_start3A_71, %dma_start3A_72] : memref<100000x128xf32, #tpu.memory_space<hbm>> -> memref<100000x128xf32, #tpu.memory_space<hbm>>
    tpu.enqueue_indirect_dma source(%dma_start3A_73 : memref<100000x128xf32, #tpu.memory_space<hbm>>) target(%dma_start3A_68 : memref<64x128xf32, #tpu.memory_space<vmem>>) offsets(%dma_start3A_70 : memref<64xi32, #tpu.memory_space<vmem>>) semaphore(%arg19 : memref<!tpu.dma_semaphore, #tpu.memory_space<semaphore_mem>>)
    %scan3A = arith.constant 0 : i32
    %scan3A_74 = arith.constant 0 : i32
    %scan3A_75 = arith.constant 2 : i32
    %scan3A_76 = arith.addi %scan3A_74, %scan3A_75 : i32
    %scan3A_77 = arith.constant 1 : i32
    scf.for %scan3A_270 = %scan3A_74 to %scan3A_76 step %scan3A_77  : i32 {
      %mul3A_271 = arith.constant 2 : i32
      %mul3A_272 = arith.muli %mul3A_271, %scan3A_270 : i32
      %add3A_273 = arith.constant 1 : i32
      %add3A_274 = arith.addi %mul3A_272, %add3A_273 : i32
      %mul3A_275 = arith.constant 64 : i32
      %mul3A_276 = arith.muli %mul3A_272, %mul3A_275 : i32
      %dma_wait3A_277 = arith.constant 0 : i32
      %dma_wait3A_278 = arith.constant 0 : i32
      %dma_wait3A_279 = arith.constant 0 : i32
      %dma_wait3A_280 = arith.constant 0 : i32
      %dma_wait3A_281 = tpu.memref_slice %arg18[%dma_wait3A_277, %dma_wait3A_278, %dma_wait3A_279, %dma_wait3A_280] : memref<2x6x64x128xf32, #tpu.memory_space<vmem>> -> memref<1x1x64x128xf32, #tpu.memory_space<vmem>>
      %dma_wait3A_282 = tpu.memref_squeeze %dma_wait3A_281 : memref<1x1x64x128xf32, #tpu.memory_space<vmem>> -> memref<64x128xf32, #tpu.memory_space<vmem>>
      %dma_wait3A_283 = tpu.memref_slice %arg15[%mul3A_276] : memref<256xi32, #tpu.memory_space<vmem>> -> memref<64xi32, #tpu.memory_space<vmem>>
      %dma_wait3A_284 = arith.constant 0 : i32
      %dma_wait3A_285 = arith.constant 0 : i32
      %dma_wait3A_286 = tpu.memref_slice %arg5[%dma_wait3A_284, %dma_wait3A_285] : memref<100000x128xf32, #tpu.memory_space<hbm>> -> memref<100000x128xf32, #tpu.memory_space<hbm>>
      tpu.wait_indirect_dma semaphore(%arg19 : memref<!tpu.dma_semaphore, #tpu.memory_space<semaphore_mem>>) src(%dma_wait3A_286 : memref<100000x128xf32, #tpu.memory_space<hbm>>) dst(%dma_wait3A_282 : memref<64x128xf32, #tpu.memory_space<vmem>>)
      %dma_wait3A_287 = arith.constant 0 : i32
      %dma_wait3A_288 = arith.constant 1 : i32
      %dma_wait3A_289 = arith.constant 0 : i32
      %dma_wait3A_290 = arith.constant 0 : i32
      %dma_wait3A_291 = tpu.memref_slice %arg18[%dma_wait3A_287, %dma_wait3A_288, %dma_wait3A_289, %dma_wait3A_290] : memref<2x6x64x128xf32, #tpu.memory_space<vmem>> -> memref<1x1x64x128xf32, #tpu.memory_space<vmem>>
      %dma_wait3A_292 = tpu.memref_squeeze %dma_wait3A_291 : memref<1x1x64x128xf32, #tpu.memory_space<vmem>> -> memref<64x128xf32, #tpu.memory_space<vmem>>
      %dma_wait3A_293 = tpu.memref_slice %arg16[%mul3A_276] : memref<256xi32, #tpu.memory_space<vmem>> -> memref<64xi32, #tpu.memory_space<vmem>>
      %dma_wait3A_294 = arith.constant 0 : i32
      %dma_wait3A_295 = arith.constant 0 : i32
      %dma_wait3A_296 = tpu.memref_slice %arg6[%dma_wait3A_294, %dma_wait3A_295] : memref<100000x128xf32, #tpu.memory_space<hbm>> -> memref<100000x128xf32, #tpu.memory_space<hbm>>
      tpu.wait_indirect_dma semaphore(%arg19 : memref<!tpu.dma_semaphore, #tpu.memory_space<semaphore_mem>>) src(%dma_wait3A_296 : memref<100000x128xf32, #tpu.memory_space<hbm>>) dst(%dma_wait3A_292 : memref<64x128xf32, #tpu.memory_space<vmem>>)
      %dma_wait3A_297 = arith.constant 0 : i32
      %dma_wait3A_298 = arith.constant 2 : i32
      %dma_wait3A_299 = arith.constant 0 : i32
      %dma_wait3A_300 = arith.constant 0 : i32
      %dma_wait3A_301 = tpu.memref_slice %arg18[%dma_wait3A_297, %dma_wait3A_298, %dma_wait3A_299, %dma_wait3A_300] : memref<2x6x64x128xf32, #tpu.memory_space<vmem>> -> memref<1x1x64x128xf32, #tpu.memory_space<vmem>>
      %dma_wait3A_302 = tpu.memref_squeeze %dma_wait3A_301 : memref<1x1x64x128xf32, #tpu.memory_space<vmem>> -> memref<64x128xf32, #tpu.memory_space<vmem>>
      %dma_wait3A_303 = tpu.memref_slice %arg17[%mul3A_276] : memref<256xi32, #tpu.memory_space<vmem>> -> memref<64xi32, #tpu.memory_space<vmem>>
      %dma_wait3A_304 = arith.constant 0 : i32
      %dma_wait3A_305 = arith.constant 0 : i32
      %dma_wait3A_306 = tpu.memref_slice %arg5[%dma_wait3A_304, %dma_wait3A_305] : memref<100000x128xf32, #tpu.memory_space<hbm>> -> memref<100000x128xf32, #tpu.memory_space<hbm>>
      tpu.wait_indirect_dma semaphore(%arg19 : memref<!tpu.dma_semaphore, #tpu.memory_space<semaphore_mem>>) src(%dma_wait3A_306 : memref<100000x128xf32, #tpu.memory_space<hbm>>) dst(%dma_wait3A_302 : memref<64x128xf32, #tpu.memory_space<vmem>>)
      %dma_wait3A_307 = arith.constant 0 : i32
      %dma_wait3A_308 = arith.constant 3 : i32
      %dma_wait3A_309 = arith.constant 0 : i32
      %dma_wait3A_310 = arith.constant 0 : i32
      %dma_wait3A_311 = tpu.memref_slice %arg18[%dma_wait3A_307, %dma_wait3A_308, %dma_wait3A_309, %dma_wait3A_310] : memref<2x6x64x128xf32, #tpu.memory_space<vmem>> -> memref<1x1x64x128xf32, #tpu.memory_space<vmem>>
      %dma_wait3A_312 = tpu.memref_squeeze %dma_wait3A_311 : memref<1x1x64x128xf32, #tpu.memory_space<vmem>> -> memref<64x128xf32, #tpu.memory_space<vmem>>
      %dma_wait3A_313 = tpu.memref_slice %arg15[%mul3A_276] : memref<256xi32, #tpu.memory_space<vmem>> -> memref<64xi32, #tpu.memory_space<vmem>>
      %dma_wait3A_314 = arith.constant 0 : i32
      %dma_wait3A_315 = arith.constant 0 : i32
      %dma_wait3A_316 = tpu.memref_slice %arg7[%dma_wait3A_314, %dma_wait3A_315] : memref<100000x128xf32, #tpu.memory_space<hbm>> -> memref<100000x128xf32, #tpu.memory_space<hbm>>
      tpu.wait_indirect_dma semaphore(%arg19 : memref<!tpu.dma_semaphore, #tpu.memory_space<semaphore_mem>>) src(%dma_wait3A_316 : memref<100000x128xf32, #tpu.memory_space<hbm>>) dst(%dma_wait3A_312 : memref<64x128xf32, #tpu.memory_space<vmem>>)
      %dma_wait3A_317 = arith.constant 0 : i32
      %dma_wait3A_318 = arith.constant 4 : i32
      %dma_wait3A_319 = arith.constant 0 : i32
      %dma_wait3A_320 = arith.constant 0 : i32
      %dma_wait3A_321 = tpu.memref_slice %arg18[%dma_wait3A_317, %dma_wait3A_318, %dma_wait3A_319, %dma_wait3A_320] : memref<2x6x64x128xf32, #tpu.memory_space<vmem>> -> memref<1x1x64x128xf32, #tpu.memory_space<vmem>>
      %dma_wait3A_322 = tpu.memref_squeeze %dma_wait3A_321 : memref<1x1x64x128xf32, #tpu.memory_space<vmem>> -> memref<64x128xf32, #tpu.memory_space<vmem>>
      %dma_wait3A_323 = tpu.memref_slice %arg16[%mul3A_276] : memref<256xi32, #tpu.memory_space<vmem>> -> memref<64xi32, #tpu.memory_space<vmem>>
      %dma_wait3A_324 = arith.constant 0 : i32
      %dma_wait3A_325 = arith.constant 0 : i32
      %dma_wait3A_326 = tpu.memref_slice %arg8[%dma_wait3A_324, %dma_wait3A_325] : memref<100000x128xf32, #tpu.memory_space<hbm>> -> memref<100000x128xf32, #tpu.memory_space<hbm>>
      tpu.wait_indirect_dma semaphore(%arg19 : memref<!tpu.dma_semaphore, #tpu.memory_space<semaphore_mem>>) src(%dma_wait3A_326 : memref<100000x128xf32, #tpu.memory_space<hbm>>) dst(%dma_wait3A_322 : memref<64x128xf32, #tpu.memory_space<vmem>>)
      %dma_wait3A_327 = arith.constant 0 : i32
      %dma_wait3A_328 = arith.constant 5 : i32
      %dma_wait3A_329 = arith.constant 0 : i32
      %dma_wait3A_330 = arith.constant 0 : i32
      %dma_wait3A_331 = tpu.memref_slice %arg18[%dma_wait3A_327, %dma_wait3A_328, %dma_wait3A_329, %dma_wait3A_330] : memref<2x6x64x128xf32, #tpu.memory_space<vmem>> -> memref<1x1x64x128xf32, #tpu.memory_space<vmem>>
      %dma_wait3A_332 = tpu.memref_squeeze %dma_wait3A_331 : memref<1x1x64x128xf32, #tpu.memory_space<vmem>> -> memref<64x128xf32, #tpu.memory_space<vmem>>
      %dma_wait3A_333 = tpu.memref_slice %arg17[%mul3A_276] : memref<256xi32, #tpu.memory_space<vmem>> -> memref<64xi32, #tpu.memory_space<vmem>>
      %dma_wait3A_334 = arith.constant 0 : i32
      %dma_wait3A_335 = arith.constant 0 : i32
      %dma_wait3A_336 = tpu.memref_slice %arg7[%dma_wait3A_334, %dma_wait3A_335] : memref<100000x128xf32, #tpu.memory_space<hbm>> -> memref<100000x128xf32, #tpu.memory_space<hbm>>
      tpu.wait_indirect_dma semaphore(%arg19 : memref<!tpu.dma_semaphore, #tpu.memory_space<semaphore_mem>>) src(%dma_wait3A_336 : memref<100000x128xf32, #tpu.memory_space<hbm>>) dst(%dma_wait3A_332 : memref<64x128xf32, #tpu.memory_space<vmem>>)
      %gt3A = arith.constant 0 : i32
      %gt3A_337 = arith.cmpi sgt, %scan3A_270, %gt3A : i32
      %convert_element_type3A = arith.extui %gt3A_337 : i1 to i32
      %cond3A = arith.constant 0 : i32
      %cond3A_338 = arith.cmpi ne, %convert_element_type3A, %cond3A : i32
      scf.if %cond3A_338 {
        %sub3A = arith.constant 2 : i32
        %sub3A_653 = arith.subi %add3A_274, %sub3A : i32
        %mul3A_654 = arith.constant 64 : i32
        %mul3A_655 = arith.muli %sub3A_653, %mul3A_654 : i32
        %add3A_656 = arith.addi %mul3A_2, %mul3A_655 : i32
        %add3A_657 = arith.addi %mul3A_2, %mul3A_655 : i32
        %add3A_658 = arith.addi %mul3A_2, %mul3A_655 : i32
        %add3A_659 = arith.addi %mul3A_2, %mul3A_655 : i32
        %add3A_660 = arith.addi %mul3A_2, %mul3A_655 : i32
        %add3A_661 = arith.addi %mul3A_2, %mul3A_655 : i32
        %dma_wait3A_662 = arith.constant 1 : i32
        %dma_wait3A_663 = arith.constant 0 : i32
        %dma_wait3A_664 = arith.constant 0 : i32
        %dma_wait3A_665 = arith.constant 0 : i32
        %dma_wait3A_666 = tpu.memref_slice %arg18[%dma_wait3A_662, %dma_wait3A_663, %dma_wait3A_664, %dma_wait3A_665] : memref<2x6x64x128xf32, #tpu.memory_space<vmem>> -> memref<1x1x64x128xf32, #tpu.memory_space<vmem>>
        %dma_wait3A_667 = tpu.memref_squeeze %dma_wait3A_666 : memref<1x1x64x128xf32, #tpu.memory_space<vmem>> -> memref<64x128xf32, #tpu.memory_space<vmem>>
        %dma_wait3A_668 = arith.constant 0 : i32
        %dma_wait3A_669 = tpu.memref_slice %arg9[%add3A_656, %dma_wait3A_668] : memref<8192x128xf32, #tpu.memory_space<hbm>> -> memref<64x128xf32, #tpu.memory_space<hbm>>
        %dma_wait3A_670 = arith.constant 0 : i32
        %dma_wait3A_671 = tpu.memref_slice %arg9[%add3A_656, %dma_wait3A_670] : memref<8192x128xf32, #tpu.memory_space<hbm>> -> memref<64x128xf32, #tpu.memory_space<hbm>>
        %dma_wait3A_672 = arith.constant 0 : i32
        %dma_wait3A_673 = arith.constant 0 : i32
        %dma_wait3A_674 = tpu.memref_slice %arg18[%dma_wait3A_662, %dma_wait3A_663, %dma_wait3A_672, %dma_wait3A_673] : memref<2x6x64x128xf32, #tpu.memory_space<vmem>> -> memref<1x1x64x128xf32, #tpu.memory_space<vmem>>
        %dma_wait3A_675 = tpu.memref_squeeze %dma_wait3A_674 : memref<1x1x64x128xf32, #tpu.memory_space<vmem>> -> memref<64x128xf32, #tpu.memory_space<vmem>>
        tpu.wait_dma2 semaphore(%arg22 : memref<!tpu.dma_semaphore, #tpu.memory_space<semaphore_mem>>) src(%dma_wait3A_675 : memref<64x128xf32, #tpu.memory_space<vmem>>) dst(%dma_wait3A_671 : memref<64x128xf32, #tpu.memory_space<hbm>>)
        %dma_wait3A_676 = arith.constant 1 : i32
        %dma_wait3A_677 = arith.constant 1 : i32
        %dma_wait3A_678 = arith.constant 0 : i32
        %dma_wait3A_679 = arith.constant 0 : i32
        %dma_wait3A_680 = tpu.memref_slice %arg18[%dma_wait3A_676, %dma_wait3A_677, %dma_wait3A_678, %dma_wait3A_679] : memref<2x6x64x128xf32, #tpu.memory_space<vmem>> -> memref<1x1x64x128xf32, #tpu.memory_space<vmem>>
        %dma_wait3A_681 = tpu.memref_squeeze %dma_wait3A_680 : memref<1x1x64x128xf32, #tpu.memory_space<vmem>> -> memref<64x128xf32, #tpu.memory_space<vmem>>
        %dma_wait3A_682 = arith.constant 0 : i32
        %dma_wait3A_683 = tpu.memref_slice %arg10[%add3A_657, %dma_wait3A_682] : memref<8192x128xf32, #tpu.memory_space<hbm>> -> memref<64x128xf32, #tpu.memory_space<hbm>>
        %dma_wait3A_684 = arith.constant 0 : i32
        %dma_wait3A_685 = tpu.memref_slice %arg10[%add3A_657, %dma_wait3A_684] : memref<8192x128xf32, #tpu.memory_space<hbm>> -> memref<64x128xf32, #tpu.memory_space<hbm>>
        %dma_wait3A_686 = arith.constant 0 : i32
        %dma_wait3A_687 = arith.constant 0 : i32
        %dma_wait3A_688 = tpu.memref_slice %arg18[%dma_wait3A_676, %dma_wait3A_677, %dma_wait3A_686, %dma_wait3A_687] : memref<2x6x64x128xf32, #tpu.memory_space<vmem>> -> memref<1x1x64x128xf32, #tpu.memory_space<vmem>>
        %dma_wait3A_689 = tpu.memref_squeeze %dma_wait3A_688 : memref<1x1x64x128xf32, #tpu.memory_space<vmem>> -> memref<64x128xf32, #tpu.memory_space<vmem>>
        tpu.wait_dma2 semaphore(%arg22 : memref<!tpu.dma_semaphore, #tpu.memory_space<semaphore_mem>>) src(%dma_wait3A_689 : memref<64x128xf32, #tpu.memory_space<vmem>>) dst(%dma_wait3A_685 : memref<64x128xf32, #tpu.memory_space<hbm>>)
        %dma_wait3A_690 = arith.constant 1 : i32
        %dma_wait3A_691 = arith.constant 2 : i32
        %dma_wait3A_692 = arith.constant 0 : i32
        %dma_wait3A_693 = arith.constant 0 : i32
        %dma_wait3A_694 = tpu.memref_slice %arg18[%dma_wait3A_690, %dma_wait3A_691, %dma_wait3A_692, %dma_wait3A_693] : memref<2x6x64x128xf32, #tpu.memory_space<vmem>> -> memref<1x1x64x128xf32, #tpu.memory_space<vmem>>
        %dma_wait3A_695 = tpu.memref_squeeze %dma_wait3A_694 : memref<1x1x64x128xf32, #tpu.memory_space<vmem>> -> memref<64x128xf32, #tpu.memory_space<vmem>>
        %dma_wait3A_696 = arith.constant 0 : i32
        %dma_wait3A_697 = tpu.memref_slice %arg11[%add3A_658, %dma_wait3A_696] : memref<8192x128xf32, #tpu.memory_space<hbm>> -> memref<64x128xf32, #tpu.memory_space<hbm>>
        %dma_wait3A_698 = arith.constant 0 : i32
        %dma_wait3A_699 = tpu.memref_slice %arg11[%add3A_658, %dma_wait3A_698] : memref<8192x128xf32, #tpu.memory_space<hbm>> -> memref<64x128xf32, #tpu.memory_space<hbm>>
        %dma_wait3A_700 = arith.constant 0 : i32
        %dma_wait3A_701 = arith.constant 0 : i32
        %dma_wait3A_702 = tpu.memref_slice %arg18[%dma_wait3A_690, %dma_wait3A_691, %dma_wait3A_700, %dma_wait3A_701] : memref<2x6x64x128xf32, #tpu.memory_space<vmem>> -> memref<1x1x64x128xf32, #tpu.memory_space<vmem>>
        %dma_wait3A_703 = tpu.memref_squeeze %dma_wait3A_702 : memref<1x1x64x128xf32, #tpu.memory_space<vmem>> -> memref<64x128xf32, #tpu.memory_space<vmem>>
        tpu.wait_dma2 semaphore(%arg22 : memref<!tpu.dma_semaphore, #tpu.memory_space<semaphore_mem>>) src(%dma_wait3A_703 : memref<64x128xf32, #tpu.memory_space<vmem>>) dst(%dma_wait3A_699 : memref<64x128xf32, #tpu.memory_space<hbm>>)
        %dma_wait3A_704 = arith.constant 1 : i32
        %dma_wait3A_705 = arith.constant 3 : i32
        %dma_wait3A_706 = arith.constant 0 : i32
        %dma_wait3A_707 = arith.constant 0 : i32
        %dma_wait3A_708 = tpu.memref_slice %arg18[%dma_wait3A_704, %dma_wait3A_705, %dma_wait3A_706, %dma_wait3A_707] : memref<2x6x64x128xf32, #tpu.memory_space<vmem>> -> memref<1x1x64x128xf32, #tpu.memory_space<vmem>>
        %dma_wait3A_709 = tpu.memref_squeeze %dma_wait3A_708 : memref<1x1x64x128xf32, #tpu.memory_space<vmem>> -> memref<64x128xf32, #tpu.memory_space<vmem>>
        %dma_wait3A_710 = arith.constant 0 : i32
        %dma_wait3A_711 = tpu.memref_slice %arg12[%add3A_659, %dma_wait3A_710] : memref<8192x128xf32, #tpu.memory_space<hbm>> -> memref<64x128xf32, #tpu.memory_space<hbm>>
        %dma_wait3A_712 = arith.constant 0 : i32
        %dma_wait3A_713 = tpu.memref_slice %arg12[%add3A_659, %dma_wait3A_712] : memref<8192x128xf32, #tpu.memory_space<hbm>> -> memref<64x128xf32, #tpu.memory_space<hbm>>
        %dma_wait3A_714 = arith.constant 0 : i32
        %dma_wait3A_715 = arith.constant 0 : i32
        %dma_wait3A_716 = tpu.memref_slice %arg18[%dma_wait3A_704, %dma_wait3A_705, %dma_wait3A_714, %dma_wait3A_715] : memref<2x6x64x128xf32, #tpu.memory_space<vmem>> -> memref<1x1x64x128xf32, #tpu.memory_space<vmem>>
        %dma_wait3A_717 = tpu.memref_squeeze %dma_wait3A_716 : memref<1x1x64x128xf32, #tpu.memory_space<vmem>> -> memref<64x128xf32, #tpu.memory_space<vmem>>
        tpu.wait_dma2 semaphore(%arg22 : memref<!tpu.dma_semaphore, #tpu.memory_space<semaphore_mem>>) src(%dma_wait3A_717 : memref<64x128xf32, #tpu.memory_space<vmem>>) dst(%dma_wait3A_713 : memref<64x128xf32, #tpu.memory_space<hbm>>)
        %dma_wait3A_718 = arith.constant 1 : i32
        %dma_wait3A_719 = arith.constant 4 : i32
        %dma_wait3A_720 = arith.constant 0 : i32
        %dma_wait3A_721 = arith.constant 0 : i32
        %dma_wait3A_722 = tpu.memref_slice %arg18[%dma_wait3A_718, %dma_wait3A_719, %dma_wait3A_720, %dma_wait3A_721] : memref<2x6x64x128xf32, #tpu.memory_space<vmem>> -> memref<1x1x64x128xf32, #tpu.memory_space<vmem>>
        %dma_wait3A_723 = tpu.memref_squeeze %dma_wait3A_722 : memref<1x1x64x128xf32, #tpu.memory_space<vmem>> -> memref<64x128xf32, #tpu.memory_space<vmem>>
        %dma_wait3A_724 = arith.constant 0 : i32
        %dma_wait3A_725 = tpu.memref_slice %arg13[%add3A_660, %dma_wait3A_724] : memref<8192x128xf32, #tpu.memory_space<hbm>> -> memref<64x128xf32, #tpu.memory_space<hbm>>
        %dma_wait3A_726 = arith.constant 0 : i32
        %dma_wait3A_727 = tpu.memref_slice %arg13[%add3A_660, %dma_wait3A_726] : memref<8192x128xf32, #tpu.memory_space<hbm>> -> memref<64x128xf32, #tpu.memory_space<hbm>>
        %dma_wait3A_728 = arith.constant 0 : i32
        %dma_wait3A_729 = arith.constant 0 : i32
        %dma_wait3A_730 = tpu.memref_slice %arg18[%dma_wait3A_718, %dma_wait3A_719, %dma_wait3A_728, %dma_wait3A_729] : memref<2x6x64x128xf32, #tpu.memory_space<vmem>> -> memref<1x1x64x128xf32, #tpu.memory_space<vmem>>
        %dma_wait3A_731 = tpu.memref_squeeze %dma_wait3A_730 : memref<1x1x64x128xf32, #tpu.memory_space<vmem>> -> memref<64x128xf32, #tpu.memory_space<vmem>>
        tpu.wait_dma2 semaphore(%arg22 : memref<!tpu.dma_semaphore, #tpu.memory_space<semaphore_mem>>) src(%dma_wait3A_731 : memref<64x128xf32, #tpu.memory_space<vmem>>) dst(%dma_wait3A_727 : memref<64x128xf32, #tpu.memory_space<hbm>>)
        %dma_wait3A_732 = arith.constant 1 : i32
        %dma_wait3A_733 = arith.constant 5 : i32
        %dma_wait3A_734 = arith.constant 0 : i32
        %dma_wait3A_735 = arith.constant 0 : i32
        %dma_wait3A_736 = tpu.memref_slice %arg18[%dma_wait3A_732, %dma_wait3A_733, %dma_wait3A_734, %dma_wait3A_735] : memref<2x6x64x128xf32, #tpu.memory_space<vmem>> -> memref<1x1x64x128xf32, #tpu.memory_space<vmem>>
        %dma_wait3A_737 = tpu.memref_squeeze %dma_wait3A_736 : memref<1x1x64x128xf32, #tpu.memory_space<vmem>> -> memref<64x128xf32, #tpu.memory_space<vmem>>
        %dma_wait3A_738 = arith.constant 0 : i32
        %dma_wait3A_739 = tpu.memref_slice %arg14[%add3A_661, %dma_wait3A_738] : memref<8192x128xf32, #tpu.memory_space<hbm>> -> memref<64x128xf32, #tpu.memory_space<hbm>>
        %dma_wait3A_740 = arith.constant 0 : i32
        %dma_wait3A_741 = tpu.memref_slice %arg14[%add3A_661, %dma_wait3A_740] : memref<8192x128xf32, #tpu.memory_space<hbm>> -> memref<64x128xf32, #tpu.memory_space<hbm>>
        %dma_wait3A_742 = arith.constant 0 : i32
        %dma_wait3A_743 = arith.constant 0 : i32
        %dma_wait3A_744 = tpu.memref_slice %arg18[%dma_wait3A_732, %dma_wait3A_733, %dma_wait3A_742, %dma_wait3A_743] : memref<2x6x64x128xf32, #tpu.memory_space<vmem>> -> memref<1x1x64x128xf32, #tpu.memory_space<vmem>>
        %dma_wait3A_745 = tpu.memref_squeeze %dma_wait3A_744 : memref<1x1x64x128xf32, #tpu.memory_space<vmem>> -> memref<64x128xf32, #tpu.memory_space<vmem>>
        tpu.wait_dma2 semaphore(%arg22 : memref<!tpu.dma_semaphore, #tpu.memory_space<semaphore_mem>>) src(%dma_wait3A_745 : memref<64x128xf32, #tpu.memory_space<vmem>>) dst(%dma_wait3A_741 : memref<64x128xf32, #tpu.memory_space<hbm>>)
      } else {
      }
      %mul3A_339 = arith.constant 64 : i32
      %mul3A_340 = arith.muli %add3A_274, %mul3A_339 : i32
      %dma_start3A_341 = arith.constant 1 : i32
      %dma_start3A_342 = arith.constant 0 : i32
      %dma_start3A_343 = arith.constant 0 : i32
      %dma_start3A_344 = arith.constant 0 : i32
      %dma_start3A_345 = tpu.memref_slice %arg18[%dma_start3A_341, %dma_start3A_342, %dma_start3A_343, %dma_start3A_344] : memref<2x6x64x128xf32, #tpu.memory_space<vmem>> -> memref<1x1x64x128xf32, #tpu.memory_space<vmem>>
      %dma_start3A_346 = tpu.memref_squeeze %dma_start3A_345 : memref<1x1x64x128xf32, #tpu.memory_space<vmem>> -> memref<64x128xf32, #tpu.memory_space<vmem>>
      %dma_start3A_347 = tpu.memref_slice %arg15[%mul3A_340] : memref<256xi32, #tpu.memory_space<vmem>> -> memref<64xi32, #tpu.memory_space<vmem>>
      %dma_start3A_348 = arith.constant 0 : i32
      %dma_start3A_349 = arith.constant 0 : i32
      %dma_start3A_350 = tpu.memref_slice %arg5[%dma_start3A_348, %dma_start3A_349] : memref<100000x128xf32, #tpu.memory_space<hbm>> -> memref<100000x128xf32, #tpu.memory_space<hbm>>
      tpu.enqueue_indirect_dma source(%dma_start3A_350 : memref<100000x128xf32, #tpu.memory_space<hbm>>) target(%dma_start3A_346 : memref<64x128xf32, #tpu.memory_space<vmem>>) offsets(%dma_start3A_347 : memref<64xi32, #tpu.memory_space<vmem>>) semaphore(%arg20 : memref<!tpu.dma_semaphore, #tpu.memory_space<semaphore_mem>>)
      %dma_start3A_351 = arith.constant 1 : i32
      %dma_start3A_352 = arith.constant 1 : i32
      %dma_start3A_353 = arith.constant 0 : i32
      %dma_start3A_354 = arith.constant 0 : i32
      %dma_start3A_355 = tpu.memref_slice %arg18[%dma_start3A_351, %dma_start3A_352, %dma_start3A_353, %dma_start3A_354] : memref<2x6x64x128xf32, #tpu.memory_space<vmem>> -> memref<1x1x64x128xf32, #tpu.memory_space<vmem>>
      %dma_start3A_356 = tpu.memref_squeeze %dma_start3A_355 : memref<1x1x64x128xf32, #tpu.memory_space<vmem>> -> memref<64x128xf32, #tpu.memory_space<vmem>>
      %dma_start3A_357 = tpu.memref_slice %arg16[%mul3A_340] : memref<256xi32, #tpu.memory_space<vmem>> -> memref<64xi32, #tpu.memory_space<vmem>>
      %dma_start3A_358 = arith.constant 0 : i32
      %dma_start3A_359 = arith.constant 0 : i32
      %dma_start3A_360 = tpu.memref_slice %arg6[%dma_start3A_358, %dma_start3A_359] : memref<100000x128xf32, #tpu.memory_space<hbm>> -> memref<100000x128xf32, #tpu.memory_space<hbm>>
      tpu.enqueue_indirect_dma source(%dma_start3A_360 : memref<100000x128xf32, #tpu.memory_space<hbm>>) target(%dma_start3A_356 : memref<64x128xf32, #tpu.memory_space<vmem>>) offsets(%dma_start3A_357 : memref<64xi32, #tpu.memory_space<vmem>>) semaphore(%arg20 : memref<!tpu.dma_semaphore, #tpu.memory_space<semaphore_mem>>)
      %dma_start3A_361 = arith.constant 1 : i32
      %dma_start3A_362 = arith.constant 2 : i32
      %dma_start3A_363 = arith.constant 0 : i32
      %dma_start3A_364 = arith.constant 0 : i32
      %dma_start3A_365 = tpu.memref_slice %arg18[%dma_start3A_361, %dma_start3A_362, %dma_start3A_363, %dma_start3A_364] : memref<2x6x64x128xf32, #tpu.memory_space<vmem>> -> memref<1x1x64x128xf32, #tpu.memory_space<vmem>>
      %dma_start3A_366 = tpu.memref_squeeze %dma_start3A_365 : memref<1x1x64x128xf32, #tpu.memory_space<vmem>> -> memref<64x128xf32, #tpu.memory_space<vmem>>
      %dma_start3A_367 = tpu.memref_slice %arg17[%mul3A_340] : memref<256xi32, #tpu.memory_space<vmem>> -> memref<64xi32, #tpu.memory_space<vmem>>
      %dma_start3A_368 = arith.constant 0 : i32
      %dma_start3A_369 = arith.constant 0 : i32
      %dma_start3A_370 = tpu.memref_slice %arg5[%dma_start3A_368, %dma_start3A_369] : memref<100000x128xf32, #tpu.memory_space<hbm>> -> memref<100000x128xf32, #tpu.memory_space<hbm>>
      tpu.enqueue_indirect_dma source(%dma_start3A_370 : memref<100000x128xf32, #tpu.memory_space<hbm>>) target(%dma_start3A_366 : memref<64x128xf32, #tpu.memory_space<vmem>>) offsets(%dma_start3A_367 : memref<64xi32, #tpu.memory_space<vmem>>) semaphore(%arg20 : memref<!tpu.dma_semaphore, #tpu.memory_space<semaphore_mem>>)
      %dma_start3A_371 = arith.constant 1 : i32
      %dma_start3A_372 = arith.constant 3 : i32
      %dma_start3A_373 = arith.constant 0 : i32
      %dma_start3A_374 = arith.constant 0 : i32
      %dma_start3A_375 = tpu.memref_slice %arg18[%dma_start3A_371, %dma_start3A_372, %dma_start3A_373, %dma_start3A_374] : memref<2x6x64x128xf32, #tpu.memory_space<vmem>> -> memref<1x1x64x128xf32, #tpu.memory_space<vmem>>
      %dma_start3A_376 = tpu.memref_squeeze %dma_start3A_375 : memref<1x1x64x128xf32, #tpu.memory_space<vmem>> -> memref<64x128xf32, #tpu.memory_space<vmem>>
      %dma_start3A_377 = tpu.memref_slice %arg15[%mul3A_340] : memref<256xi32, #tpu.memory_space<vmem>> -> memref<64xi32, #tpu.memory_space<vmem>>
      %dma_start3A_378 = arith.constant 0 : i32
      %dma_start3A_379 = arith.constant 0 : i32
      %dma_start3A_380 = tpu.memref_slice %arg7[%dma_start3A_378, %dma_start3A_379] : memref<100000x128xf32, #tpu.memory_space<hbm>> -> memref<100000x128xf32, #tpu.memory_space<hbm>>
      tpu.enqueue_indirect_dma source(%dma_start3A_380 : memref<100000x128xf32, #tpu.memory_space<hbm>>) target(%dma_start3A_376 : memref<64x128xf32, #tpu.memory_space<vmem>>) offsets(%dma_start3A_377 : memref<64xi32, #tpu.memory_space<vmem>>) semaphore(%arg20 : memref<!tpu.dma_semaphore, #tpu.memory_space<semaphore_mem>>)
      %dma_start3A_381 = arith.constant 1 : i32
      %dma_start3A_382 = arith.constant 4 : i32
      %dma_start3A_383 = arith.constant 0 : i32
      %dma_start3A_384 = arith.constant 0 : i32
      %dma_start3A_385 = tpu.memref_slice %arg18[%dma_start3A_381, %dma_start3A_382, %dma_start3A_383, %dma_start3A_384] : memref<2x6x64x128xf32, #tpu.memory_space<vmem>> -> memref<1x1x64x128xf32, #tpu.memory_space<vmem>>
      %dma_start3A_386 = tpu.memref_squeeze %dma_start3A_385 : memref<1x1x64x128xf32, #tpu.memory_space<vmem>> -> memref<64x128xf32, #tpu.memory_space<vmem>>
      %dma_start3A_387 = tpu.memref_slice %arg16[%mul3A_340] : memref<256xi32, #tpu.memory_space<vmem>> -> memref<64xi32, #tpu.memory_space<vmem>>
      %dma_start3A_388 = arith.constant 0 : i32
      %dma_start3A_389 = arith.constant 0 : i32
      %dma_start3A_390 = tpu.memref_slice %arg8[%dma_start3A_388, %dma_start3A_389] : memref<100000x128xf32, #tpu.memory_space<hbm>> -> memref<100000x128xf32, #tpu.memory_space<hbm>>
      tpu.enqueue_indirect_dma source(%dma_start3A_390 : memref<100000x128xf32, #tpu.memory_space<hbm>>) target(%dma_start3A_386 : memref<64x128xf32, #tpu.memory_space<vmem>>) offsets(%dma_start3A_387 : memref<64xi32, #tpu.memory_space<vmem>>) semaphore(%arg20 : memref<!tpu.dma_semaphore, #tpu.memory_space<semaphore_mem>>)
      %dma_start3A_391 = arith.constant 1 : i32
      %dma_start3A_392 = arith.constant 5 : i32
      %dma_start3A_393 = arith.constant 0 : i32
      %dma_start3A_394 = arith.constant 0 : i32
      %dma_start3A_395 = tpu.memref_slice %arg18[%dma_start3A_391, %dma_start3A_392, %dma_start3A_393, %dma_start3A_394] : memref<2x6x64x128xf32, #tpu.memory_space<vmem>> -> memref<1x1x64x128xf32, #tpu.memory_space<vmem>>
      %dma_start3A_396 = tpu.memref_squeeze %dma_start3A_395 : memref<1x1x64x128xf32, #tpu.memory_space<vmem>> -> memref<64x128xf32, #tpu.memory_space<vmem>>
      %dma_start3A_397 = tpu.memref_slice %arg17[%mul3A_340] : memref<256xi32, #tpu.memory_space<vmem>> -> memref<64xi32, #tpu.memory_space<vmem>>
      %dma_start3A_398 = arith.constant 0 : i32
      %dma_start3A_399 = arith.constant 0 : i32
      %dma_start3A_400 = tpu.memref_slice %arg7[%dma_start3A_398, %dma_start3A_399] : memref<100000x128xf32, #tpu.memory_space<hbm>> -> memref<100000x128xf32, #tpu.memory_space<hbm>>
      tpu.enqueue_indirect_dma source(%dma_start3A_400 : memref<100000x128xf32, #tpu.memory_space<hbm>>) target(%dma_start3A_396 : memref<64x128xf32, #tpu.memory_space<vmem>>) offsets(%dma_start3A_397 : memref<64xi32, #tpu.memory_space<vmem>>) semaphore(%arg20 : memref<!tpu.dma_semaphore, #tpu.memory_space<semaphore_mem>>)
      %mul3A_401 = arith.constant 64 : i32
      %mul3A_402 = arith.muli %mul3A_272, %mul3A_401 : i32
      %add3A_403 = arith.addi %mul3A_2, %mul3A_402 : i32
      %add3A_404 = arith.addi %mul3A_2, %mul3A_402 : i32
      %add3A_405 = arith.addi %mul3A_2, %mul3A_402 : i32
      %add3A_406 = arith.addi %mul3A_2, %mul3A_402 : i32
      %add3A_407 = arith.addi %mul3A_2, %mul3A_402 : i32
      %add3A_408 = arith.addi %mul3A_2, %mul3A_402 : i32
      %dma_start3A_409 = arith.constant 0 : i32
      %dma_start3A_410 = arith.constant 0 : i32
      %dma_start3A_411 = arith.constant 0 : i32
      %dma_start3A_412 = arith.constant 0 : i32
      %dma_start3A_413 = tpu.memref_slice %arg18[%dma_start3A_409, %dma_start3A_410, %dma_start3A_411, %dma_start3A_412] : memref<2x6x64x128xf32, #tpu.memory_space<vmem>> -> memref<1x1x64x128xf32, #tpu.memory_space<vmem>>
      %dma_start3A_414 = tpu.memref_squeeze %dma_start3A_413 : memref<1x1x64x128xf32, #tpu.memory_space<vmem>> -> memref<64x128xf32, #tpu.memory_space<vmem>>
      %dma_start3A_415 = arith.constant 0 : i32
      %dma_start3A_416 = tpu.memref_slice %arg9[%add3A_403, %dma_start3A_415] : memref<8192x128xf32, #tpu.memory_space<hbm>> -> memref<64x128xf32, #tpu.memory_space<hbm>>
      %dma_start3A_417 = arith.constant 0 : i32
      %dma_start3A_418 = tpu.memref_slice %arg9[%add3A_403, %dma_start3A_417] : memref<8192x128xf32, #tpu.memory_space<hbm>> -> memref<64x128xf32, #tpu.memory_space<hbm>>
      %dma_start3A_419 = arith.constant 0 : i32
      %dma_start3A_420 = arith.constant 0 : i32
      %dma_start3A_421 = tpu.memref_slice %arg18[%dma_start3A_409, %dma_start3A_410, %dma_start3A_419, %dma_start3A_420] : memref<2x6x64x128xf32, #tpu.memory_space<vmem>> -> memref<1x1x64x128xf32, #tpu.memory_space<vmem>>
      %dma_start3A_422 = tpu.memref_squeeze %dma_start3A_421 : memref<1x1x64x128xf32, #tpu.memory_space<vmem>> -> memref<64x128xf32, #tpu.memory_space<vmem>>
      tpu.enqueue_dma source(%dma_start3A_422 : memref<64x128xf32, #tpu.memory_space<vmem>>) target(%dma_start3A_418 : memref<64x128xf32, #tpu.memory_space<hbm>>) target_semaphore(%arg21 : memref<!tpu.dma_semaphore, #tpu.memory_space<semaphore_mem>>)
      %dma_start3A_423 = arith.constant 0 : i32
      %dma_start3A_424 = arith.constant 1 : i32
      %dma_start3A_425 = arith.constant 0 : i32
      %dma_start3A_426 = arith.constant 0 : i32
      %dma_start3A_427 = tpu.memref_slice %arg18[%dma_start3A_423, %dma_start3A_424, %dma_start3A_425, %dma_start3A_426] : memref<2x6x64x128xf32, #tpu.memory_space<vmem>> -> memref<1x1x64x128xf32, #tpu.memory_space<vmem>>
      %dma_start3A_428 = tpu.memref_squeeze %dma_start3A_427 : memref<1x1x64x128xf32, #tpu.memory_space<vmem>> -> memref<64x128xf32, #tpu.memory_space<vmem>>
      %dma_start3A_429 = arith.constant 0 : i32
      %dma_start3A_430 = tpu.memref_slice %arg10[%add3A_404, %dma_start3A_429] : memref<8192x128xf32, #tpu.memory_space<hbm>> -> memref<64x128xf32, #tpu.memory_space<hbm>>
      %dma_start3A_431 = arith.constant 0 : i32
      %dma_start3A_432 = tpu.memref_slice %arg10[%add3A_404, %dma_start3A_431] : memref<8192x128xf32, #tpu.memory_space<hbm>> -> memref<64x128xf32, #tpu.memory_space<hbm>>
      %dma_start3A_433 = arith.constant 0 : i32
      %dma_start3A_434 = arith.constant 0 : i32
      %dma_start3A_435 = tpu.memref_slice %arg18[%dma_start3A_423, %dma_start3A_424, %dma_start3A_433, %dma_start3A_434] : memref<2x6x64x128xf32, #tpu.memory_space<vmem>> -> memref<1x1x64x128xf32, #tpu.memory_space<vmem>>
      %dma_start3A_436 = tpu.memref_squeeze %dma_start3A_435 : memref<1x1x64x128xf32, #tpu.memory_space<vmem>> -> memref<64x128xf32, #tpu.memory_space<vmem>>
      tpu.enqueue_dma source(%dma_start3A_436 : memref<64x128xf32, #tpu.memory_space<vmem>>) target(%dma_start3A_432 : memref<64x128xf32, #tpu.memory_space<hbm>>) target_semaphore(%arg21 : memref<!tpu.dma_semaphore, #tpu.memory_space<semaphore_mem>>)
      %dma_start3A_437 = arith.constant 0 : i32
      %dma_start3A_438 = arith.constant 2 : i32
      %dma_start3A_439 = arith.constant 0 : i32
      %dma_start3A_440 = arith.constant 0 : i32
      %dma_start3A_441 = tpu.memref_slice %arg18[%dma_start3A_437, %dma_start3A_438, %dma_start3A_439, %dma_start3A_440] : memref<2x6x64x128xf32, #tpu.memory_space<vmem>> -> memref<1x1x64x128xf32, #tpu.memory_space<vmem>>
      %dma_start3A_442 = tpu.memref_squeeze %dma_start3A_441 : memref<1x1x64x128xf32, #tpu.memory_space<vmem>> -> memref<64x128xf32, #tpu.memory_space<vmem>>
      %dma_start3A_443 = arith.constant 0 : i32
      %dma_start3A_444 = tpu.memref_slice %arg11[%add3A_405, %dma_start3A_443] : memref<8192x128xf32, #tpu.memory_space<hbm>> -> memref<64x128xf32, #tpu.memory_space<hbm>>
      %dma_start3A_445 = arith.constant 0 : i32
      %dma_start3A_446 = tpu.memref_slice %arg11[%add3A_405, %dma_start3A_445] : memref<8192x128xf32, #tpu.memory_space<hbm>> -> memref<64x128xf32, #tpu.memory_space<hbm>>
      %dma_start3A_447 = arith.constant 0 : i32
      %dma_start3A_448 = arith.constant 0 : i32
      %dma_start3A_449 = tpu.memref_slice %arg18[%dma_start3A_437, %dma_start3A_438, %dma_start3A_447, %dma_start3A_448] : memref<2x6x64x128xf32, #tpu.memory_space<vmem>> -> memref<1x1x64x128xf32, #tpu.memory_space<vmem>>
      %dma_start3A_450 = tpu.memref_squeeze %dma_start3A_449 : memref<1x1x64x128xf32, #tpu.memory_space<vmem>> -> memref<64x128xf32, #tpu.memory_space<vmem>>
      tpu.enqueue_dma source(%dma_start3A_450 : memref<64x128xf32, #tpu.memory_space<vmem>>) target(%dma_start3A_446 : memref<64x128xf32, #tpu.memory_space<hbm>>) target_semaphore(%arg21 : memref<!tpu.dma_semaphore, #tpu.memory_space<semaphore_mem>>)
      %dma_start3A_451 = arith.constant 0 : i32
      %dma_start3A_452 = arith.constant 3 : i32
      %dma_start3A_453 = arith.constant 0 : i32
      %dma_start3A_454 = arith.constant 0 : i32
      %dma_start3A_455 = tpu.memref_slice %arg18[%dma_start3A_451, %dma_start3A_452, %dma_start3A_453, %dma_start3A_454] : memref<2x6x64x128xf32, #tpu.memory_space<vmem>> -> memref<1x1x64x128xf32, #tpu.memory_space<vmem>>
      %dma_start3A_456 = tpu.memref_squeeze %dma_start3A_455 : memref<1x1x64x128xf32, #tpu.memory_space<vmem>> -> memref<64x128xf32, #tpu.memory_space<vmem>>
      %dma_start3A_457 = arith.constant 0 : i32
      %dma_start3A_458 = tpu.memref_slice %arg12[%add3A_406, %dma_start3A_457] : memref<8192x128xf32, #tpu.memory_space<hbm>> -> memref<64x128xf32, #tpu.memory_space<hbm>>
      %dma_start3A_459 = arith.constant 0 : i32
      %dma_start3A_460 = tpu.memref_slice %arg12[%add3A_406, %dma_start3A_459] : memref<8192x128xf32, #tpu.memory_space<hbm>> -> memref<64x128xf32, #tpu.memory_space<hbm>>
      %dma_start3A_461 = arith.constant 0 : i32
      %dma_start3A_462 = arith.constant 0 : i32
      %dma_start3A_463 = tpu.memref_slice %arg18[%dma_start3A_451, %dma_start3A_452, %dma_start3A_461, %dma_start3A_462] : memref<2x6x64x128xf32, #tpu.memory_space<vmem>> -> memref<1x1x64x128xf32, #tpu.memory_space<vmem>>
      %dma_start3A_464 = tpu.memref_squeeze %dma_start3A_463 : memref<1x1x64x128xf32, #tpu.memory_space<vmem>> -> memref<64x128xf32, #tpu.memory_space<vmem>>
      tpu.enqueue_dma source(%dma_start3A_464 : memref<64x128xf32, #tpu.memory_space<vmem>>) target(%dma_start3A_460 : memref<64x128xf32, #tpu.memory_space<hbm>>) target_semaphore(%arg21 : memref<!tpu.dma_semaphore, #tpu.memory_space<semaphore_mem>>)
      %dma_start3A_465 = arith.constant 0 : i32
      %dma_start3A_466 = arith.constant 4 : i32
      %dma_start3A_467 = arith.constant 0 : i32
      %dma_start3A_468 = arith.constant 0 : i32
      %dma_start3A_469 = tpu.memref_slice %arg18[%dma_start3A_465, %dma_start3A_466, %dma_start3A_467, %dma_start3A_468] : memref<2x6x64x128xf32, #tpu.memory_space<vmem>> -> memref<1x1x64x128xf32, #tpu.memory_space<vmem>>
      %dma_start3A_470 = tpu.memref_squeeze %dma_start3A_469 : memref<1x1x64x128xf32, #tpu.memory_space<vmem>> -> memref<64x128xf32, #tpu.memory_space<vmem>>
      %dma_start3A_471 = arith.constant 0 : i32
      %dma_start3A_472 = tpu.memref_slice %arg13[%add3A_407, %dma_start3A_471] : memref<8192x128xf32, #tpu.memory_space<hbm>> -> memref<64x128xf32, #tpu.memory_space<hbm>>
      %dma_start3A_473 = arith.constant 0 : i32
      %dma_start3A_474 = tpu.memref_slice %arg13[%add3A_407, %dma_start3A_473] : memref<8192x128xf32, #tpu.memory_space<hbm>> -> memref<64x128xf32, #tpu.memory_space<hbm>>
      %dma_start3A_475 = arith.constant 0 : i32
      %dma_start3A_476 = arith.constant 0 : i32
      %dma_start3A_477 = tpu.memref_slice %arg18[%dma_start3A_465, %dma_start3A_466, %dma_start3A_475, %dma_start3A_476] : memref<2x6x64x128xf32, #tpu.memory_space<vmem>> -> memref<1x1x64x128xf32, #tpu.memory_space<vmem>>
      %dma_start3A_478 = tpu.memref_squeeze %dma_start3A_477 : memref<1x1x64x128xf32, #tpu.memory_space<vmem>> -> memref<64x128xf32, #tpu.memory_space<vmem>>
      tpu.enqueue_dma source(%dma_start3A_478 : memref<64x128xf32, #tpu.memory_space<vmem>>) target(%dma_start3A_474 : memref<64x128xf32, #tpu.memory_space<hbm>>) target_semaphore(%arg21 : memref<!tpu.dma_semaphore, #tpu.memory_space<semaphore_mem>>)
      %dma_start3A_479 = arith.constant 0 : i32
      %dma_start3A_480 = arith.constant 5 : i32
      %dma_start3A_481 = arith.constant 0 : i32
      %dma_start3A_482 = arith.constant 0 : i32
      %dma_start3A_483 = tpu.memref_slice %arg18[%dma_start3A_479, %dma_start3A_480, %dma_start3A_481, %dma_start3A_482] : memref<2x6x64x128xf32, #tpu.memory_space<vmem>> -> memref<1x1x64x128xf32, #tpu.memory_space<vmem>>
      %dma_start3A_484 = tpu.memref_squeeze %dma_start3A_483 : memref<1x1x64x128xf32, #tpu.memory_space<vmem>> -> memref<64x128xf32, #tpu.memory_space<vmem>>
      %dma_start3A_485 = arith.constant 0 : i32
      %dma_start3A_486 = tpu.memref_slice %arg14[%add3A_408, %dma_start3A_485] : memref<8192x128xf32, #tpu.memory_space<hbm>> -> memref<64x128xf32, #tpu.memory_space<hbm>>
      %dma_start3A_487 = arith.constant 0 : i32
      %dma_start3A_488 = tpu.memref_slice %arg14[%add3A_408, %dma_start3A_487] : memref<8192x128xf32, #tpu.memory_space<hbm>> -> memref<64x128xf32, #tpu.memory_space<hbm>>
      %dma_start3A_489 = arith.constant 0 : i32
      %dma_start3A_490 = arith.constant 0 : i32
      %dma_start3A_491 = tpu.memref_slice %arg18[%dma_start3A_479, %dma_start3A_480, %dma_start3A_489, %dma_start3A_490] : memref<2x6x64x128xf32, #tpu.memory_space<vmem>> -> memref<1x1x64x128xf32, #tpu.memory_space<vmem>>
      %dma_start3A_492 = tpu.memref_squeeze %dma_start3A_491 : memref<1x1x64x128xf32, #tpu.memory_space<vmem>> -> memref<64x128xf32, #tpu.memory_space<vmem>>
      tpu.enqueue_dma source(%dma_start3A_492 : memref<64x128xf32, #tpu.memory_space<vmem>>) target(%dma_start3A_488 : memref<64x128xf32, #tpu.memory_space<hbm>>) target_semaphore(%arg21 : memref<!tpu.dma_semaphore, #tpu.memory_space<semaphore_mem>>)
      %mul3A_493 = arith.constant 64 : i32
      %mul3A_494 = arith.muli %add3A_274, %mul3A_493 : i32
      %dma_wait3A_495 = arith.constant 1 : i32
      %dma_wait3A_496 = arith.constant 0 : i32
      %dma_wait3A_497 = arith.constant 0 : i32
      %dma_wait3A_498 = arith.constant 0 : i32
      %dma_wait3A_499 = tpu.memref_slice %arg18[%dma_wait3A_495, %dma_wait3A_496, %dma_wait3A_497, %dma_wait3A_498] : memref<2x6x64x128xf32, #tpu.memory_space<vmem>> -> memref<1x1x64x128xf32, #tpu.memory_space<vmem>>
      %dma_wait3A_500 = tpu.memref_squeeze %dma_wait3A_499 : memref<1x1x64x128xf32, #tpu.memory_space<vmem>> -> memref<64x128xf32, #tpu.memory_space<vmem>>
      %dma_wait3A_501 = tpu.memref_slice %arg15[%mul3A_494] : memref<256xi32, #tpu.memory_space<vmem>> -> memref<64xi32, #tpu.memory_space<vmem>>
      %dma_wait3A_502 = arith.constant 0 : i32
      %dma_wait3A_503 = arith.constant 0 : i32
      %dma_wait3A_504 = tpu.memref_slice %arg5[%dma_wait3A_502, %dma_wait3A_503] : memref<100000x128xf32, #tpu.memory_space<hbm>> -> memref<100000x128xf32, #tpu.memory_space<hbm>>
      tpu.wait_indirect_dma semaphore(%arg20 : memref<!tpu.dma_semaphore, #tpu.memory_space<semaphore_mem>>) src(%dma_wait3A_504 : memref<100000x128xf32, #tpu.memory_space<hbm>>) dst(%dma_wait3A_500 : memref<64x128xf32, #tpu.memory_space<vmem>>)
      %dma_wait3A_505 = arith.constant 1 : i32
      %dma_wait3A_506 = arith.constant 1 : i32
      %dma_wait3A_507 = arith.constant 0 : i32
      %dma_wait3A_508 = arith.constant 0 : i32
      %dma_wait3A_509 = tpu.memref_slice %arg18[%dma_wait3A_505, %dma_wait3A_506, %dma_wait3A_507, %dma_wait3A_508] : memref<2x6x64x128xf32, #tpu.memory_space<vmem>> -> memref<1x1x64x128xf32, #tpu.memory_space<vmem>>
      %dma_wait3A_510 = tpu.memref_squeeze %dma_wait3A_509 : memref<1x1x64x128xf32, #tpu.memory_space<vmem>> -> memref<64x128xf32, #tpu.memory_space<vmem>>
      %dma_wait3A_511 = tpu.memref_slice %arg16[%mul3A_494] : memref<256xi32, #tpu.memory_space<vmem>> -> memref<64xi32, #tpu.memory_space<vmem>>
      %dma_wait3A_512 = arith.constant 0 : i32
      %dma_wait3A_513 = arith.constant 0 : i32
      %dma_wait3A_514 = tpu.memref_slice %arg6[%dma_wait3A_512, %dma_wait3A_513] : memref<100000x128xf32, #tpu.memory_space<hbm>> -> memref<100000x128xf32, #tpu.memory_space<hbm>>
      tpu.wait_indirect_dma semaphore(%arg20 : memref<!tpu.dma_semaphore, #tpu.memory_space<semaphore_mem>>) src(%dma_wait3A_514 : memref<100000x128xf32, #tpu.memory_space<hbm>>) dst(%dma_wait3A_510 : memref<64x128xf32, #tpu.memory_space<vmem>>)
      %dma_wait3A_515 = arith.constant 1 : i32
      %dma_wait3A_516 = arith.constant 2 : i32
      %dma_wait3A_517 = arith.constant 0 : i32
      %dma_wait3A_518 = arith.constant 0 : i32
      %dma_wait3A_519 = tpu.memref_slice %arg18[%dma_wait3A_515, %dma_wait3A_516, %dma_wait3A_517, %dma_wait3A_518] : memref<2x6x64x128xf32, #tpu.memory_space<vmem>> -> memref<1x1x64x128xf32, #tpu.memory_space<vmem>>
      %dma_wait3A_520 = tpu.memref_squeeze %dma_wait3A_519 : memref<1x1x64x128xf32, #tpu.memory_space<vmem>> -> memref<64x128xf32, #tpu.memory_space<vmem>>
      %dma_wait3A_521 = tpu.memref_slice %arg17[%mul3A_494] : memref<256xi32, #tpu.memory_space<vmem>> -> memref<64xi32, #tpu.memory_space<vmem>>
      %dma_wait3A_522 = arith.constant 0 : i32
      %dma_wait3A_523 = arith.constant 0 : i32
      %dma_wait3A_524 = tpu.memref_slice %arg5[%dma_wait3A_522, %dma_wait3A_523] : memref<100000x128xf32, #tpu.memory_space<hbm>> -> memref<100000x128xf32, #tpu.memory_space<hbm>>
      tpu.wait_indirect_dma semaphore(%arg20 : memref<!tpu.dma_semaphore, #tpu.memory_space<semaphore_mem>>) src(%dma_wait3A_524 : memref<100000x128xf32, #tpu.memory_space<hbm>>) dst(%dma_wait3A_520 : memref<64x128xf32, #tpu.memory_space<vmem>>)
      %dma_wait3A_525 = arith.constant 1 : i32
      %dma_wait3A_526 = arith.constant 3 : i32
      %dma_wait3A_527 = arith.constant 0 : i32
      %dma_wait3A_528 = arith.constant 0 : i32
      %dma_wait3A_529 = tpu.memref_slice %arg18[%dma_wait3A_525, %dma_wait3A_526, %dma_wait3A_527, %dma_wait3A_528] : memref<2x6x64x128xf32, #tpu.memory_space<vmem>> -> memref<1x1x64x128xf32, #tpu.memory_space<vmem>>
      %dma_wait3A_530 = tpu.memref_squeeze %dma_wait3A_529 : memref<1x1x64x128xf32, #tpu.memory_space<vmem>> -> memref<64x128xf32, #tpu.memory_space<vmem>>
      %dma_wait3A_531 = tpu.memref_slice %arg15[%mul3A_494] : memref<256xi32, #tpu.memory_space<vmem>> -> memref<64xi32, #tpu.memory_space<vmem>>
      %dma_wait3A_532 = arith.constant 0 : i32
      %dma_wait3A_533 = arith.constant 0 : i32
      %dma_wait3A_534 = tpu.memref_slice %arg7[%dma_wait3A_532, %dma_wait3A_533] : memref<100000x128xf32, #tpu.memory_space<hbm>> -> memref<100000x128xf32, #tpu.memory_space<hbm>>
      tpu.wait_indirect_dma semaphore(%arg20 : memref<!tpu.dma_semaphore, #tpu.memory_space<semaphore_mem>>) src(%dma_wait3A_534 : memref<100000x128xf32, #tpu.memory_space<hbm>>) dst(%dma_wait3A_530 : memref<64x128xf32, #tpu.memory_space<vmem>>)
      %dma_wait3A_535 = arith.constant 1 : i32
      %dma_wait3A_536 = arith.constant 4 : i32
      %dma_wait3A_537 = arith.constant 0 : i32
      %dma_wait3A_538 = arith.constant 0 : i32
      %dma_wait3A_539 = tpu.memref_slice %arg18[%dma_wait3A_535, %dma_wait3A_536, %dma_wait3A_537, %dma_wait3A_538] : memref<2x6x64x128xf32, #tpu.memory_space<vmem>> -> memref<1x1x64x128xf32, #tpu.memory_space<vmem>>
      %dma_wait3A_540 = tpu.memref_squeeze %dma_wait3A_539 : memref<1x1x64x128xf32, #tpu.memory_space<vmem>> -> memref<64x128xf32, #tpu.memory_space<vmem>>
      %dma_wait3A_541 = tpu.memref_slice %arg16[%mul3A_494] : memref<256xi32, #tpu.memory_space<vmem>> -> memref<64xi32, #tpu.memory_space<vmem>>
      %dma_wait3A_542 = arith.constant 0 : i32
      %dma_wait3A_543 = arith.constant 0 : i32
      %dma_wait3A_544 = tpu.memref_slice %arg8[%dma_wait3A_542, %dma_wait3A_543] : memref<100000x128xf32, #tpu.memory_space<hbm>> -> memref<100000x128xf32, #tpu.memory_space<hbm>>
      tpu.wait_indirect_dma semaphore(%arg20 : memref<!tpu.dma_semaphore, #tpu.memory_space<semaphore_mem>>) src(%dma_wait3A_544 : memref<100000x128xf32, #tpu.memory_space<hbm>>) dst(%dma_wait3A_540 : memref<64x128xf32, #tpu.memory_space<vmem>>)
      %dma_wait3A_545 = arith.constant 1 : i32
      %dma_wait3A_546 = arith.constant 5 : i32
      %dma_wait3A_547 = arith.constant 0 : i32
      %dma_wait3A_548 = arith.constant 0 : i32
      %dma_wait3A_549 = tpu.memref_slice %arg18[%dma_wait3A_545, %dma_wait3A_546, %dma_wait3A_547, %dma_wait3A_548] : memref<2x6x64x128xf32, #tpu.memory_space<vmem>> -> memref<1x1x64x128xf32, #tpu.memory_space<vmem>>
      %dma_wait3A_550 = tpu.memref_squeeze %dma_wait3A_549 : memref<1x1x64x128xf32, #tpu.memory_space<vmem>> -> memref<64x128xf32, #tpu.memory_space<vmem>>
      %dma_wait3A_551 = tpu.memref_slice %arg17[%mul3A_494] : memref<256xi32, #tpu.memory_space<vmem>> -> memref<64xi32, #tpu.memory_space<vmem>>
      %dma_wait3A_552 = arith.constant 0 : i32
      %dma_wait3A_553 = arith.constant 0 : i32
      %dma_wait3A_554 = tpu.memref_slice %arg7[%dma_wait3A_552, %dma_wait3A_553] : memref<100000x128xf32, #tpu.memory_space<hbm>> -> memref<100000x128xf32, #tpu.memory_space<hbm>>
      tpu.wait_indirect_dma semaphore(%arg20 : memref<!tpu.dma_semaphore, #tpu.memory_space<semaphore_mem>>) src(%dma_wait3A_554 : memref<100000x128xf32, #tpu.memory_space<hbm>>) dst(%dma_wait3A_550 : memref<64x128xf32, #tpu.memory_space<vmem>>)
      %add3A_555 = arith.constant 1 : i32
      %add3A_556 = arith.addi %scan3A_270, %add3A_555 : i32
      %lt3A = arith.constant 2 : i32
      %lt3A_557 = arith.cmpi slt, %add3A_556, %lt3A : i32
      %convert_element_type3A_558 = arith.extui %lt3A_557 : i1 to i32
      %cond3A_559 = arith.constant 0 : i32
      %cond3A_560 = arith.cmpi ne, %convert_element_type3A_558, %cond3A_559 : i32
      scf.if %cond3A_560 {
        %mul3A_653 = arith.constant 64 : i32
        %mul3A_654 = arith.muli %mul3A_272, %mul3A_653 : i32
        %add3A_655 = arith.addi %mul3A_2, %mul3A_654 : i32
        %add3A_656 = arith.addi %mul3A_2, %mul3A_654 : i32
        %add3A_657 = arith.addi %mul3A_2, %mul3A_654 : i32
        %add3A_658 = arith.addi %mul3A_2, %mul3A_654 : i32
        %add3A_659 = arith.addi %mul3A_2, %mul3A_654 : i32
        %add3A_660 = arith.addi %mul3A_2, %mul3A_654 : i32
        %dma_wait3A_661 = arith.constant 0 : i32
        %dma_wait3A_662 = arith.constant 0 : i32
        %dma_wait3A_663 = arith.constant 0 : i32
        %dma_wait3A_664 = arith.constant 0 : i32
        %dma_wait3A_665 = tpu.memref_slice %arg18[%dma_wait3A_661, %dma_wait3A_662, %dma_wait3A_663, %dma_wait3A_664] : memref<2x6x64x128xf32, #tpu.memory_space<vmem>> -> memref<1x1x64x128xf32, #tpu.memory_space<vmem>>
        %dma_wait3A_666 = tpu.memref_squeeze %dma_wait3A_665 : memref<1x1x64x128xf32, #tpu.memory_space<vmem>> -> memref<64x128xf32, #tpu.memory_space<vmem>>
        %dma_wait3A_667 = arith.constant 0 : i32
        %dma_wait3A_668 = tpu.memref_slice %arg9[%add3A_655, %dma_wait3A_667] : memref<8192x128xf32, #tpu.memory_space<hbm>> -> memref<64x128xf32, #tpu.memory_space<hbm>>
        %dma_wait3A_669 = arith.constant 0 : i32
        %dma_wait3A_670 = tpu.memref_slice %arg9[%add3A_655, %dma_wait3A_669] : memref<8192x128xf32, #tpu.memory_space<hbm>> -> memref<64x128xf32, #tpu.memory_space<hbm>>
        %dma_wait3A_671 = arith.constant 0 : i32
        %dma_wait3A_672 = arith.constant 0 : i32
        %dma_wait3A_673 = tpu.memref_slice %arg18[%dma_wait3A_661, %dma_wait3A_662, %dma_wait3A_671, %dma_wait3A_672] : memref<2x6x64x128xf32, #tpu.memory_space<vmem>> -> memref<1x1x64x128xf32, #tpu.memory_space<vmem>>
        %dma_wait3A_674 = tpu.memref_squeeze %dma_wait3A_673 : memref<1x1x64x128xf32, #tpu.memory_space<vmem>> -> memref<64x128xf32, #tpu.memory_space<vmem>>
        tpu.wait_dma2 semaphore(%arg21 : memref<!tpu.dma_semaphore, #tpu.memory_space<semaphore_mem>>) src(%dma_wait3A_674 : memref<64x128xf32, #tpu.memory_space<vmem>>) dst(%dma_wait3A_670 : memref<64x128xf32, #tpu.memory_space<hbm>>)
        %dma_wait3A_675 = arith.constant 0 : i32
        %dma_wait3A_676 = arith.constant 1 : i32
        %dma_wait3A_677 = arith.constant 0 : i32
        %dma_wait3A_678 = arith.constant 0 : i32
        %dma_wait3A_679 = tpu.memref_slice %arg18[%dma_wait3A_675, %dma_wait3A_676, %dma_wait3A_677, %dma_wait3A_678] : memref<2x6x64x128xf32, #tpu.memory_space<vmem>> -> memref<1x1x64x128xf32, #tpu.memory_space<vmem>>
        %dma_wait3A_680 = tpu.memref_squeeze %dma_wait3A_679 : memref<1x1x64x128xf32, #tpu.memory_space<vmem>> -> memref<64x128xf32, #tpu.memory_space<vmem>>
        %dma_wait3A_681 = arith.constant 0 : i32
        %dma_wait3A_682 = tpu.memref_slice %arg10[%add3A_656, %dma_wait3A_681] : memref<8192x128xf32, #tpu.memory_space<hbm>> -> memref<64x128xf32, #tpu.memory_space<hbm>>
        %dma_wait3A_683 = arith.constant 0 : i32
        %dma_wait3A_684 = tpu.memref_slice %arg10[%add3A_656, %dma_wait3A_683] : memref<8192x128xf32, #tpu.memory_space<hbm>> -> memref<64x128xf32, #tpu.memory_space<hbm>>
        %dma_wait3A_685 = arith.constant 0 : i32
        %dma_wait3A_686 = arith.constant 0 : i32
        %dma_wait3A_687 = tpu.memref_slice %arg18[%dma_wait3A_675, %dma_wait3A_676, %dma_wait3A_685, %dma_wait3A_686] : memref<2x6x64x128xf32, #tpu.memory_space<vmem>> -> memref<1x1x64x128xf32, #tpu.memory_space<vmem>>
        %dma_wait3A_688 = tpu.memref_squeeze %dma_wait3A_687 : memref<1x1x64x128xf32, #tpu.memory_space<vmem>> -> memref<64x128xf32, #tpu.memory_space<vmem>>
        tpu.wait_dma2 semaphore(%arg21 : memref<!tpu.dma_semaphore, #tpu.memory_space<semaphore_mem>>) src(%dma_wait3A_688 : memref<64x128xf32, #tpu.memory_space<vmem>>) dst(%dma_wait3A_684 : memref<64x128xf32, #tpu.memory_space<hbm>>)
        %dma_wait3A_689 = arith.constant 0 : i32
        %dma_wait3A_690 = arith.constant 2 : i32
        %dma_wait3A_691 = arith.constant 0 : i32
        %dma_wait3A_692 = arith.constant 0 : i32
        %dma_wait3A_693 = tpu.memref_slice %arg18[%dma_wait3A_689, %dma_wait3A_690, %dma_wait3A_691, %dma_wait3A_692] : memref<2x6x64x128xf32, #tpu.memory_space<vmem>> -> memref<1x1x64x128xf32, #tpu.memory_space<vmem>>
        %dma_wait3A_694 = tpu.memref_squeeze %dma_wait3A_693 : memref<1x1x64x128xf32, #tpu.memory_space<vmem>> -> memref<64x128xf32, #tpu.memory_space<vmem>>
        %dma_wait3A_695 = arith.constant 0 : i32
        %dma_wait3A_696 = tpu.memref_slice %arg11[%add3A_657, %dma_wait3A_695] : memref<8192x128xf32, #tpu.memory_space<hbm>> -> memref<64x128xf32, #tpu.memory_space<hbm>>
        %dma_wait3A_697 = arith.constant 0 : i32
        %dma_wait3A_698 = tpu.memref_slice %arg11[%add3A_657, %dma_wait3A_697] : memref<8192x128xf32, #tpu.memory_space<hbm>> -> memref<64x128xf32, #tpu.memory_space<hbm>>
        %dma_wait3A_699 = arith.constant 0 : i32
        %dma_wait3A_700 = arith.constant 0 : i32
        %dma_wait3A_701 = tpu.memref_slice %arg18[%dma_wait3A_689, %dma_wait3A_690, %dma_wait3A_699, %dma_wait3A_700] : memref<2x6x64x128xf32, #tpu.memory_space<vmem>> -> memref<1x1x64x128xf32, #tpu.memory_space<vmem>>
        %dma_wait3A_702 = tpu.memref_squeeze %dma_wait3A_701 : memref<1x1x64x128xf32, #tpu.memory_space<vmem>> -> memref<64x128xf32, #tpu.memory_space<vmem>>
        tpu.wait_dma2 semaphore(%arg21 : memref<!tpu.dma_semaphore, #tpu.memory_space<semaphore_mem>>) src(%dma_wait3A_702 : memref<64x128xf32, #tpu.memory_space<vmem>>) dst(%dma_wait3A_698 : memref<64x128xf32, #tpu.memory_space<hbm>>)
        %dma_wait3A_703 = arith.constant 0 : i32
        %dma_wait3A_704 = arith.constant 3 : i32
        %dma_wait3A_705 = arith.constant 0 : i32
        %dma_wait3A_706 = arith.constant 0 : i32
        %dma_wait3A_707 = tpu.memref_slice %arg18[%dma_wait3A_703, %dma_wait3A_704, %dma_wait3A_705, %dma_wait3A_706] : memref<2x6x64x128xf32, #tpu.memory_space<vmem>> -> memref<1x1x64x128xf32, #tpu.memory_space<vmem>>
        %dma_wait3A_708 = tpu.memref_squeeze %dma_wait3A_707 : memref<1x1x64x128xf32, #tpu.memory_space<vmem>> -> memref<64x128xf32, #tpu.memory_space<vmem>>
        %dma_wait3A_709 = arith.constant 0 : i32
        %dma_wait3A_710 = tpu.memref_slice %arg12[%add3A_658, %dma_wait3A_709] : memref<8192x128xf32, #tpu.memory_space<hbm>> -> memref<64x128xf32, #tpu.memory_space<hbm>>
        %dma_wait3A_711 = arith.constant 0 : i32
        %dma_wait3A_712 = tpu.memref_slice %arg12[%add3A_658, %dma_wait3A_711] : memref<8192x128xf32, #tpu.memory_space<hbm>> -> memref<64x128xf32, #tpu.memory_space<hbm>>
        %dma_wait3A_713 = arith.constant 0 : i32
        %dma_wait3A_714 = arith.constant 0 : i32
        %dma_wait3A_715 = tpu.memref_slice %arg18[%dma_wait3A_703, %dma_wait3A_704, %dma_wait3A_713, %dma_wait3A_714] : memref<2x6x64x128xf32, #tpu.memory_space<vmem>> -> memref<1x1x64x128xf32, #tpu.memory_space<vmem>>
        %dma_wait3A_716 = tpu.memref_squeeze %dma_wait3A_715 : memref<1x1x64x128xf32, #tpu.memory_space<vmem>> -> memref<64x128xf32, #tpu.memory_space<vmem>>
        tpu.wait_dma2 semaphore(%arg21 : memref<!tpu.dma_semaphore, #tpu.memory_space<semaphore_mem>>) src(%dma_wait3A_716 : memref<64x128xf32, #tpu.memory_space<vmem>>) dst(%dma_wait3A_712 : memref<64x128xf32, #tpu.memory_space<hbm>>)
        %dma_wait3A_717 = arith.constant 0 : i32
        %dma_wait3A_718 = arith.constant 4 : i32
        %dma_wait3A_719 = arith.constant 0 : i32
        %dma_wait3A_720 = arith.constant 0 : i32
        %dma_wait3A_721 = tpu.memref_slice %arg18[%dma_wait3A_717, %dma_wait3A_718, %dma_wait3A_719, %dma_wait3A_720] : memref<2x6x64x128xf32, #tpu.memory_space<vmem>> -> memref<1x1x64x128xf32, #tpu.memory_space<vmem>>
        %dma_wait3A_722 = tpu.memref_squeeze %dma_wait3A_721 : memref<1x1x64x128xf32, #tpu.memory_space<vmem>> -> memref<64x128xf32, #tpu.memory_space<vmem>>
        %dma_wait3A_723 = arith.constant 0 : i32
        %dma_wait3A_724 = tpu.memref_slice %arg13[%add3A_659, %dma_wait3A_723] : memref<8192x128xf32, #tpu.memory_space<hbm>> -> memref<64x128xf32, #tpu.memory_space<hbm>>
        %dma_wait3A_725 = arith.constant 0 : i32
        %dma_wait3A_726 = tpu.memref_slice %arg13[%add3A_659, %dma_wait3A_725] : memref<8192x128xf32, #tpu.memory_space<hbm>> -> memref<64x128xf32, #tpu.memory_space<hbm>>
        %dma_wait3A_727 = arith.constant 0 : i32
        %dma_wait3A_728 = arith.constant 0 : i32
        %dma_wait3A_729 = tpu.memref_slice %arg18[%dma_wait3A_717, %dma_wait3A_718, %dma_wait3A_727, %dma_wait3A_728] : memref<2x6x64x128xf32, #tpu.memory_space<vmem>> -> memref<1x1x64x128xf32, #tpu.memory_space<vmem>>
        %dma_wait3A_730 = tpu.memref_squeeze %dma_wait3A_729 : memref<1x1x64x128xf32, #tpu.memory_space<vmem>> -> memref<64x128xf32, #tpu.memory_space<vmem>>
        tpu.wait_dma2 semaphore(%arg21 : memref<!tpu.dma_semaphore, #tpu.memory_space<semaphore_mem>>) src(%dma_wait3A_730 : memref<64x128xf32, #tpu.memory_space<vmem>>) dst(%dma_wait3A_726 : memref<64x128xf32, #tpu.memory_space<hbm>>)
        %dma_wait3A_731 = arith.constant 0 : i32
        %dma_wait3A_732 = arith.constant 5 : i32
        %dma_wait3A_733 = arith.constant 0 : i32
        %dma_wait3A_734 = arith.constant 0 : i32
        %dma_wait3A_735 = tpu.memref_slice %arg18[%dma_wait3A_731, %dma_wait3A_732, %dma_wait3A_733, %dma_wait3A_734] : memref<2x6x64x128xf32, #tpu.memory_space<vmem>> -> memref<1x1x64x128xf32, #tpu.memory_space<vmem>>
        %dma_wait3A_736 = tpu.memref_squeeze %dma_wait3A_735 : memref<1x1x64x128xf32, #tpu.memory_space<vmem>> -> memref<64x128xf32, #tpu.memory_space<vmem>>
        %dma_wait3A_737 = arith.constant 0 : i32
        %dma_wait3A_738 = tpu.memref_slice %arg14[%add3A_660, %dma_wait3A_737] : memref<8192x128xf32, #tpu.memory_space<hbm>> -> memref<64x128xf32, #tpu.memory_space<hbm>>
        %dma_wait3A_739 = arith.constant 0 : i32
        %dma_wait3A_740 = tpu.memref_slice %arg14[%add3A_660, %dma_wait3A_739] : memref<8192x128xf32, #tpu.memory_space<hbm>> -> memref<64x128xf32, #tpu.memory_space<hbm>>
        %dma_wait3A_741 = arith.constant 0 : i32
        %dma_wait3A_742 = arith.constant 0 : i32
        %dma_wait3A_743 = tpu.memref_slice %arg18[%dma_wait3A_731, %dma_wait3A_732, %dma_wait3A_741, %dma_wait3A_742] : memref<2x6x64x128xf32, #tpu.memory_space<vmem>> -> memref<1x1x64x128xf32, #tpu.memory_space<vmem>>
        %dma_wait3A_744 = tpu.memref_squeeze %dma_wait3A_743 : memref<1x1x64x128xf32, #tpu.memory_space<vmem>> -> memref<64x128xf32, #tpu.memory_space<vmem>>
        tpu.wait_dma2 semaphore(%arg21 : memref<!tpu.dma_semaphore, #tpu.memory_space<semaphore_mem>>) src(%dma_wait3A_744 : memref<64x128xf32, #tpu.memory_space<vmem>>) dst(%dma_wait3A_740 : memref<64x128xf32, #tpu.memory_space<hbm>>)
        %add3A_745 = arith.constant 2 : i32
        %add3A_746 = arith.addi %mul3A_272, %add3A_745 : i32
        %mul3A_747 = arith.constant 64 : i32
        %mul3A_748 = arith.muli %add3A_746, %mul3A_747 : i32
        %dma_start3A_749 = arith.constant 0 : i32
        %dma_start3A_750 = arith.constant 0 : i32
        %dma_start3A_751 = arith.constant 0 : i32
        %dma_start3A_752 = arith.constant 0 : i32
        %dma_start3A_753 = tpu.memref_slice %arg18[%dma_start3A_749, %dma_start3A_750, %dma_start3A_751, %dma_start3A_752] : memref<2x6x64x128xf32, #tpu.memory_space<vmem>> -> memref<1x1x64x128xf32, #tpu.memory_space<vmem>>
        %dma_start3A_754 = tpu.memref_squeeze %dma_start3A_753 : memref<1x1x64x128xf32, #tpu.memory_space<vmem>> -> memref<64x128xf32, #tpu.memory_space<vmem>>
        %dma_start3A_755 = tpu.memref_slice %arg15[%mul3A_748] : memref<256xi32, #tpu.memory_space<vmem>> -> memref<64xi32, #tpu.memory_space<vmem>>
        %dma_start3A_756 = arith.constant 0 : i32
        %dma_start3A_757 = arith.constant 0 : i32
        %dma_start3A_758 = tpu.memref_slice %arg5[%dma_start3A_756, %dma_start3A_757] : memref<100000x128xf32, #tpu.memory_space<hbm>> -> memref<100000x128xf32, #tpu.memory_space<hbm>>
        tpu.enqueue_indirect_dma source(%dma_start3A_758 : memref<100000x128xf32, #tpu.memory_space<hbm>>) target(%dma_start3A_754 : memref<64x128xf32, #tpu.memory_space<vmem>>) offsets(%dma_start3A_755 : memref<64xi32, #tpu.memory_space<vmem>>) semaphore(%arg19 : memref<!tpu.dma_semaphore, #tpu.memory_space<semaphore_mem>>)
        %dma_start3A_759 = arith.constant 0 : i32
        %dma_start3A_760 = arith.constant 1 : i32
        %dma_start3A_761 = arith.constant 0 : i32
        %dma_start3A_762 = arith.constant 0 : i32
        %dma_start3A_763 = tpu.memref_slice %arg18[%dma_start3A_759, %dma_start3A_760, %dma_start3A_761, %dma_start3A_762] : memref<2x6x64x128xf32, #tpu.memory_space<vmem>> -> memref<1x1x64x128xf32, #tpu.memory_space<vmem>>
        %dma_start3A_764 = tpu.memref_squeeze %dma_start3A_763 : memref<1x1x64x128xf32, #tpu.memory_space<vmem>> -> memref<64x128xf32, #tpu.memory_space<vmem>>
        %dma_start3A_765 = tpu.memref_slice %arg16[%mul3A_748] : memref<256xi32, #tpu.memory_space<vmem>> -> memref<64xi32, #tpu.memory_space<vmem>>
        %dma_start3A_766 = arith.constant 0 : i32
        %dma_start3A_767 = arith.constant 0 : i32
        %dma_start3A_768 = tpu.memref_slice %arg6[%dma_start3A_766, %dma_start3A_767] : memref<100000x128xf32, #tpu.memory_space<hbm>> -> memref<100000x128xf32, #tpu.memory_space<hbm>>
        tpu.enqueue_indirect_dma source(%dma_start3A_768 : memref<100000x128xf32, #tpu.memory_space<hbm>>) target(%dma_start3A_764 : memref<64x128xf32, #tpu.memory_space<vmem>>) offsets(%dma_start3A_765 : memref<64xi32, #tpu.memory_space<vmem>>) semaphore(%arg19 : memref<!tpu.dma_semaphore, #tpu.memory_space<semaphore_mem>>)
        %dma_start3A_769 = arith.constant 0 : i32
        %dma_start3A_770 = arith.constant 2 : i32
        %dma_start3A_771 = arith.constant 0 : i32
        %dma_start3A_772 = arith.constant 0 : i32
        %dma_start3A_773 = tpu.memref_slice %arg18[%dma_start3A_769, %dma_start3A_770, %dma_start3A_771, %dma_start3A_772] : memref<2x6x64x128xf32, #tpu.memory_space<vmem>> -> memref<1x1x64x128xf32, #tpu.memory_space<vmem>>
        %dma_start3A_774 = tpu.memref_squeeze %dma_start3A_773 : memref<1x1x64x128xf32, #tpu.memory_space<vmem>> -> memref<64x128xf32, #tpu.memory_space<vmem>>
        %dma_start3A_775 = tpu.memref_slice %arg17[%mul3A_748] : memref<256xi32, #tpu.memory_space<vmem>> -> memref<64xi32, #tpu.memory_space<vmem>>
        %dma_start3A_776 = arith.constant 0 : i32
        %dma_start3A_777 = arith.constant 0 : i32
        %dma_start3A_778 = tpu.memref_slice %arg5[%dma_start3A_776, %dma_start3A_777] : memref<100000x128xf32, #tpu.memory_space<hbm>> -> memref<100000x128xf32, #tpu.memory_space<hbm>>
        tpu.enqueue_indirect_dma source(%dma_start3A_778 : memref<100000x128xf32, #tpu.memory_space<hbm>>) target(%dma_start3A_774 : memref<64x128xf32, #tpu.memory_space<vmem>>) offsets(%dma_start3A_775 : memref<64xi32, #tpu.memory_space<vmem>>) semaphore(%arg19 : memref<!tpu.dma_semaphore, #tpu.memory_space<semaphore_mem>>)
        %dma_start3A_779 = arith.constant 0 : i32
        %dma_start3A_780 = arith.constant 3 : i32
        %dma_start3A_781 = arith.constant 0 : i32
        %dma_start3A_782 = arith.constant 0 : i32
        %dma_start3A_783 = tpu.memref_slice %arg18[%dma_start3A_779, %dma_start3A_780, %dma_start3A_781, %dma_start3A_782] : memref<2x6x64x128xf32, #tpu.memory_space<vmem>> -> memref<1x1x64x128xf32, #tpu.memory_space<vmem>>
        %dma_start3A_784 = tpu.memref_squeeze %dma_start3A_783 : memref<1x1x64x128xf32, #tpu.memory_space<vmem>> -> memref<64x128xf32, #tpu.memory_space<vmem>>
        %dma_start3A_785 = tpu.memref_slice %arg15[%mul3A_748] : memref<256xi32, #tpu.memory_space<vmem>> -> memref<64xi32, #tpu.memory_space<vmem>>
        %dma_start3A_786 = arith.constant 0 : i32
        %dma_start3A_787 = arith.constant 0 : i32
        %dma_start3A_788 = tpu.memref_slice %arg7[%dma_start3A_786, %dma_start3A_787] : memref<100000x128xf32, #tpu.memory_space<hbm>> -> memref<100000x128xf32, #tpu.memory_space<hbm>>
        tpu.enqueue_indirect_dma source(%dma_start3A_788 : memref<100000x128xf32, #tpu.memory_space<hbm>>) target(%dma_start3A_784 : memref<64x128xf32, #tpu.memory_space<vmem>>) offsets(%dma_start3A_785 : memref<64xi32, #tpu.memory_space<vmem>>) semaphore(%arg19 : memref<!tpu.dma_semaphore, #tpu.memory_space<semaphore_mem>>)
        %dma_start3A_789 = arith.constant 0 : i32
        %dma_start3A_790 = arith.constant 4 : i32
        %dma_start3A_791 = arith.constant 0 : i32
        %dma_start3A_792 = arith.constant 0 : i32
        %dma_start3A_793 = tpu.memref_slice %arg18[%dma_start3A_789, %dma_start3A_790, %dma_start3A_791, %dma_start3A_792] : memref<2x6x64x128xf32, #tpu.memory_space<vmem>> -> memref<1x1x64x128xf32, #tpu.memory_space<vmem>>
        %dma_start3A_794 = tpu.memref_squeeze %dma_start3A_793 : memref<1x1x64x128xf32, #tpu.memory_space<vmem>> -> memref<64x128xf32, #tpu.memory_space<vmem>>
        %dma_start3A_795 = tpu.memref_slice %arg16[%mul3A_748] : memref<256xi32, #tpu.memory_space<vmem>> -> memref<64xi32, #tpu.memory_space<vmem>>
        %dma_start3A_796 = arith.constant 0 : i32
        %dma_start3A_797 = arith.constant 0 : i32
        %dma_start3A_798 = tpu.memref_slice %arg8[%dma_start3A_796, %dma_start3A_797] : memref<100000x128xf32, #tpu.memory_space<hbm>> -> memref<100000x128xf32, #tpu.memory_space<hbm>>
        tpu.enqueue_indirect_dma source(%dma_start3A_798 : memref<100000x128xf32, #tpu.memory_space<hbm>>) target(%dma_start3A_794 : memref<64x128xf32, #tpu.memory_space<vmem>>) offsets(%dma_start3A_795 : memref<64xi32, #tpu.memory_space<vmem>>) semaphore(%arg19 : memref<!tpu.dma_semaphore, #tpu.memory_space<semaphore_mem>>)
        %dma_start3A_799 = arith.constant 0 : i32
        %dma_start3A_800 = arith.constant 5 : i32
        %dma_start3A_801 = arith.constant 0 : i32
        %dma_start3A_802 = arith.constant 0 : i32
        %dma_start3A_803 = tpu.memref_slice %arg18[%dma_start3A_799, %dma_start3A_800, %dma_start3A_801, %dma_start3A_802] : memref<2x6x64x128xf32, #tpu.memory_space<vmem>> -> memref<1x1x64x128xf32, #tpu.memory_space<vmem>>
        %dma_start3A_804 = tpu.memref_squeeze %dma_start3A_803 : memref<1x1x64x128xf32, #tpu.memory_space<vmem>> -> memref<64x128xf32, #tpu.memory_space<vmem>>
        %dma_start3A_805 = tpu.memref_slice %arg17[%mul3A_748] : memref<256xi32, #tpu.memory_space<vmem>> -> memref<64xi32, #tpu.memory_space<vmem>>
        %dma_start3A_806 = arith.constant 0 : i32
        %dma_start3A_807 = arith.constant 0 : i32
        %dma_start3A_808 = tpu.memref_slice %arg7[%dma_start3A_806, %dma_start3A_807] : memref<100000x128xf32, #tpu.memory_space<hbm>> -> memref<100000x128xf32, #tpu.memory_space<hbm>>
        tpu.enqueue_indirect_dma source(%dma_start3A_808 : memref<100000x128xf32, #tpu.memory_space<hbm>>) target(%dma_start3A_804 : memref<64x128xf32, #tpu.memory_space<vmem>>) offsets(%dma_start3A_805 : memref<64xi32, #tpu.memory_space<vmem>>) semaphore(%arg19 : memref<!tpu.dma_semaphore, #tpu.memory_space<semaphore_mem>>)
      } else {
      }
      %mul3A_561 = arith.constant 64 : i32
      %mul3A_562 = arith.muli %add3A_274, %mul3A_561 : i32
      %add3A_563 = arith.addi %mul3A_2, %mul3A_562 : i32
      %add3A_564 = arith.addi %mul3A_2, %mul3A_562 : i32
      %add3A_565 = arith.addi %mul3A_2, %mul3A_562 : i32
      %add3A_566 = arith.addi %mul3A_2, %mul3A_562 : i32
      %add3A_567 = arith.addi %mul3A_2, %mul3A_562 : i32
      %add3A_568 = arith.addi %mul3A_2, %mul3A_562 : i32
      %dma_start3A_569 = arith.constant 1 : i32
      %dma_start3A_570 = arith.constant 0 : i32
      %dma_start3A_571 = arith.constant 0 : i32
      %dma_start3A_572 = arith.constant 0 : i32
      %dma_start3A_573 = tpu.memref_slice %arg18[%dma_start3A_569, %dma_start3A_570, %dma_start3A_571, %dma_start3A_572] : memref<2x6x64x128xf32, #tpu.memory_space<vmem>> -> memref<1x1x64x128xf32, #tpu.memory_space<vmem>>
      %dma_start3A_574 = tpu.memref_squeeze %dma_start3A_573 : memref<1x1x64x128xf32, #tpu.memory_space<vmem>> -> memref<64x128xf32, #tpu.memory_space<vmem>>
      %dma_start3A_575 = arith.constant 0 : i32
      %dma_start3A_576 = tpu.memref_slice %arg9[%add3A_563, %dma_start3A_575] : memref<8192x128xf32, #tpu.memory_space<hbm>> -> memref<64x128xf32, #tpu.memory_space<hbm>>
      %dma_start3A_577 = arith.constant 0 : i32
      %dma_start3A_578 = tpu.memref_slice %arg9[%add3A_563, %dma_start3A_577] : memref<8192x128xf32, #tpu.memory_space<hbm>> -> memref<64x128xf32, #tpu.memory_space<hbm>>
      %dma_start3A_579 = arith.constant 0 : i32
      %dma_start3A_580 = arith.constant 0 : i32
      %dma_start3A_581 = tpu.memref_slice %arg18[%dma_start3A_569, %dma_start3A_570, %dma_start3A_579, %dma_start3A_580] : memref<2x6x64x128xf32, #tpu.memory_space<vmem>> -> memref<1x1x64x128xf32, #tpu.memory_space<vmem>>
      %dma_start3A_582 = tpu.memref_squeeze %dma_start3A_581 : memref<1x1x64x128xf32, #tpu.memory_space<vmem>> -> memref<64x128xf32, #tpu.memory_space<vmem>>
      tpu.enqueue_dma source(%dma_start3A_582 : memref<64x128xf32, #tpu.memory_space<vmem>>) target(%dma_start3A_578 : memref<64x128xf32, #tpu.memory_space<hbm>>) target_semaphore(%arg22 : memref<!tpu.dma_semaphore, #tpu.memory_space<semaphore_mem>>)
      %dma_start3A_583 = arith.constant 1 : i32
      %dma_start3A_584 = arith.constant 1 : i32
      %dma_start3A_585 = arith.constant 0 : i32
      %dma_start3A_586 = arith.constant 0 : i32
      %dma_start3A_587 = tpu.memref_slice %arg18[%dma_start3A_583, %dma_start3A_584, %dma_start3A_585, %dma_start3A_586] : memref<2x6x64x128xf32, #tpu.memory_space<vmem>> -> memref<1x1x64x128xf32, #tpu.memory_space<vmem>>
      %dma_start3A_588 = tpu.memref_squeeze %dma_start3A_587 : memref<1x1x64x128xf32, #tpu.memory_space<vmem>> -> memref<64x128xf32, #tpu.memory_space<vmem>>
      %dma_start3A_589 = arith.constant 0 : i32
      %dma_start3A_590 = tpu.memref_slice %arg10[%add3A_564, %dma_start3A_589] : memref<8192x128xf32, #tpu.memory_space<hbm>> -> memref<64x128xf32, #tpu.memory_space<hbm>>
      %dma_start3A_591 = arith.constant 0 : i32
      %dma_start3A_592 = tpu.memref_slice %arg10[%add3A_564, %dma_start3A_591] : memref<8192x128xf32, #tpu.memory_space<hbm>> -> memref<64x128xf32, #tpu.memory_space<hbm>>
      %dma_start3A_593 = arith.constant 0 : i32
      %dma_start3A_594 = arith.constant 0 : i32
      %dma_start3A_595 = tpu.memref_slice %arg18[%dma_start3A_583, %dma_start3A_584, %dma_start3A_593, %dma_start3A_594] : memref<2x6x64x128xf32, #tpu.memory_space<vmem>> -> memref<1x1x64x128xf32, #tpu.memory_space<vmem>>
      %dma_start3A_596 = tpu.memref_squeeze %dma_start3A_595 : memref<1x1x64x128xf32, #tpu.memory_space<vmem>> -> memref<64x128xf32, #tpu.memory_space<vmem>>
      tpu.enqueue_dma source(%dma_start3A_596 : memref<64x128xf32, #tpu.memory_space<vmem>>) target(%dma_start3A_592 : memref<64x128xf32, #tpu.memory_space<hbm>>) target_semaphore(%arg22 : memref<!tpu.dma_semaphore, #tpu.memory_space<semaphore_mem>>)
      %dma_start3A_597 = arith.constant 1 : i32
      %dma_start3A_598 = arith.constant 2 : i32
      %dma_start3A_599 = arith.constant 0 : i32
      %dma_start3A_600 = arith.constant 0 : i32
      %dma_start3A_601 = tpu.memref_slice %arg18[%dma_start3A_597, %dma_start3A_598, %dma_start3A_599, %dma_start3A_600] : memref<2x6x64x128xf32, #tpu.memory_space<vmem>> -> memref<1x1x64x128xf32, #tpu.memory_space<vmem>>
      %dma_start3A_602 = tpu.memref_squeeze %dma_start3A_601 : memref<1x1x64x128xf32, #tpu.memory_space<vmem>> -> memref<64x128xf32, #tpu.memory_space<vmem>>
      %dma_start3A_603 = arith.constant 0 : i32
      %dma_start3A_604 = tpu.memref_slice %arg11[%add3A_565, %dma_start3A_603] : memref<8192x128xf32, #tpu.memory_space<hbm>> -> memref<64x128xf32, #tpu.memory_space<hbm>>
      %dma_start3A_605 = arith.constant 0 : i32
      %dma_start3A_606 = tpu.memref_slice %arg11[%add3A_565, %dma_start3A_605] : memref<8192x128xf32, #tpu.memory_space<hbm>> -> memref<64x128xf32, #tpu.memory_space<hbm>>
      %dma_start3A_607 = arith.constant 0 : i32
      %dma_start3A_608 = arith.constant 0 : i32
      %dma_start3A_609 = tpu.memref_slice %arg18[%dma_start3A_597, %dma_start3A_598, %dma_start3A_607, %dma_start3A_608] : memref<2x6x64x128xf32, #tpu.memory_space<vmem>> -> memref<1x1x64x128xf32, #tpu.memory_space<vmem>>
      %dma_start3A_610 = tpu.memref_squeeze %dma_start3A_609 : memref<1x1x64x128xf32, #tpu.memory_space<vmem>> -> memref<64x128xf32, #tpu.memory_space<vmem>>
      tpu.enqueue_dma source(%dma_start3A_610 : memref<64x128xf32, #tpu.memory_space<vmem>>) target(%dma_start3A_606 : memref<64x128xf32, #tpu.memory_space<hbm>>) target_semaphore(%arg22 : memref<!tpu.dma_semaphore, #tpu.memory_space<semaphore_mem>>)
      %dma_start3A_611 = arith.constant 1 : i32
      %dma_start3A_612 = arith.constant 3 : i32
      %dma_start3A_613 = arith.constant 0 : i32
      %dma_start3A_614 = arith.constant 0 : i32
      %dma_start3A_615 = tpu.memref_slice %arg18[%dma_start3A_611, %dma_start3A_612, %dma_start3A_613, %dma_start3A_614] : memref<2x6x64x128xf32, #tpu.memory_space<vmem>> -> memref<1x1x64x128xf32, #tpu.memory_space<vmem>>
      %dma_start3A_616 = tpu.memref_squeeze %dma_start3A_615 : memref<1x1x64x128xf32, #tpu.memory_space<vmem>> -> memref<64x128xf32, #tpu.memory_space<vmem>>
      %dma_start3A_617 = arith.constant 0 : i32
      %dma_start3A_618 = tpu.memref_slice %arg12[%add3A_566, %dma_start3A_617] : memref<8192x128xf32, #tpu.memory_space<hbm>> -> memref<64x128xf32, #tpu.memory_space<hbm>>
      %dma_start3A_619 = arith.constant 0 : i32
      %dma_start3A_620 = tpu.memref_slice %arg12[%add3A_566, %dma_start3A_619] : memref<8192x128xf32, #tpu.memory_space<hbm>> -> memref<64x128xf32, #tpu.memory_space<hbm>>
      %dma_start3A_621 = arith.constant 0 : i32
      %dma_start3A_622 = arith.constant 0 : i32
      %dma_start3A_623 = tpu.memref_slice %arg18[%dma_start3A_611, %dma_start3A_612, %dma_start3A_621, %dma_start3A_622] : memref<2x6x64x128xf32, #tpu.memory_space<vmem>> -> memref<1x1x64x128xf32, #tpu.memory_space<vmem>>
      %dma_start3A_624 = tpu.memref_squeeze %dma_start3A_623 : memref<1x1x64x128xf32, #tpu.memory_space<vmem>> -> memref<64x128xf32, #tpu.memory_space<vmem>>
      tpu.enqueue_dma source(%dma_start3A_624 : memref<64x128xf32, #tpu.memory_space<vmem>>) target(%dma_start3A_620 : memref<64x128xf32, #tpu.memory_space<hbm>>) target_semaphore(%arg22 : memref<!tpu.dma_semaphore, #tpu.memory_space<semaphore_mem>>)
      %dma_start3A_625 = arith.constant 1 : i32
      %dma_start3A_626 = arith.constant 4 : i32
      %dma_start3A_627 = arith.constant 0 : i32
      %dma_start3A_628 = arith.constant 0 : i32
      %dma_start3A_629 = tpu.memref_slice %arg18[%dma_start3A_625, %dma_start3A_626, %dma_start3A_627, %dma_start3A_628] : memref<2x6x64x128xf32, #tpu.memory_space<vmem>> -> memref<1x1x64x128xf32, #tpu.memory_space<vmem>>
      %dma_start3A_630 = tpu.memref_squeeze %dma_start3A_629 : memref<1x1x64x128xf32, #tpu.memory_space<vmem>> -> memref<64x128xf32, #tpu.memory_space<vmem>>
      %dma_start3A_631 = arith.constant 0 : i32
      %dma_start3A_632 = tpu.memref_slice %arg13[%add3A_567, %dma_start3A_631] : memref<8192x128xf32, #tpu.memory_space<hbm>> -> memref<64x128xf32, #tpu.memory_space<hbm>>
      %dma_start3A_633 = arith.constant 0 : i32
      %dma_start3A_634 = tpu.memref_slice %arg13[%add3A_567, %dma_start3A_633] : memref<8192x128xf32, #tpu.memory_space<hbm>> -> memref<64x128xf32, #tpu.memory_space<hbm>>
      %dma_start3A_635 = arith.constant 0 : i32
      %dma_start3A_636 = arith.constant 0 : i32
      %dma_start3A_637 = tpu.memref_slice %arg18[%dma_start3A_625, %dma_start3A_626, %dma_start3A_635, %dma_start3A_636] : memref<2x6x64x128xf32, #tpu.memory_space<vmem>> -> memref<1x1x64x128xf32, #tpu.memory_space<vmem>>
      %dma_start3A_638 = tpu.memref_squeeze %dma_start3A_637 : memref<1x1x64x128xf32, #tpu.memory_space<vmem>> -> memref<64x128xf32, #tpu.memory_space<vmem>>
      tpu.enqueue_dma source(%dma_start3A_638 : memref<64x128xf32, #tpu.memory_space<vmem>>) target(%dma_start3A_634 : memref<64x128xf32, #tpu.memory_space<hbm>>) target_semaphore(%arg22 : memref<!tpu.dma_semaphore, #tpu.memory_space<semaphore_mem>>)
      %dma_start3A_639 = arith.constant 1 : i32
      %dma_start3A_640 = arith.constant 5 : i32
      %dma_start3A_641 = arith.constant 0 : i32
      %dma_start3A_642 = arith.constant 0 : i32
      %dma_start3A_643 = tpu.memref_slice %arg18[%dma_start3A_639, %dma_start3A_640, %dma_start3A_641, %dma_start3A_642] : memref<2x6x64x128xf32, #tpu.memory_space<vmem>> -> memref<1x1x64x128xf32, #tpu.memory_space<vmem>>
      %dma_start3A_644 = tpu.memref_squeeze %dma_start3A_643 : memref<1x1x64x128xf32, #tpu.memory_space<vmem>> -> memref<64x128xf32, #tpu.memory_space<vmem>>
      %dma_start3A_645 = arith.constant 0 : i32
      %dma_start3A_646 = tpu.memref_slice %arg14[%add3A_568, %dma_start3A_645] : memref<8192x128xf32, #tpu.memory_space<hbm>> -> memref<64x128xf32, #tpu.memory_space<hbm>>
      %dma_start3A_647 = arith.constant 0 : i32
      %dma_start3A_648 = tpu.memref_slice %arg14[%add3A_568, %dma_start3A_647] : memref<8192x128xf32, #tpu.memory_space<hbm>> -> memref<64x128xf32, #tpu.memory_space<hbm>>
      %dma_start3A_649 = arith.constant 0 : i32
      %dma_start3A_650 = arith.constant 0 : i32
      %dma_start3A_651 = tpu.memref_slice %arg18[%dma_start3A_639, %dma_start3A_640, %dma_start3A_649, %dma_start3A_650] : memref<2x6x64x128xf32, #tpu.memory_space<vmem>> -> memref<1x1x64x128xf32, #tpu.memory_space<vmem>>
      %dma_start3A_652 = tpu.memref_squeeze %dma_start3A_651 : memref<1x1x64x128xf32, #tpu.memory_space<vmem>> -> memref<64x128xf32, #tpu.memory_space<vmem>>
      tpu.enqueue_dma source(%dma_start3A_652 : memref<64x128xf32, #tpu.memory_space<vmem>>) target(%dma_start3A_648 : memref<64x128xf32, #tpu.memory_space<hbm>>) target_semaphore(%arg22 : memref<!tpu.dma_semaphore, #tpu.memory_space<semaphore_mem>>)
    }
    %scan3A_78 = arith.constant 2 : i32
    %add3A_79 = arith.constant 128 : i32
    %add3A_80 = arith.addi %mul3A_2, %add3A_79 : i32
    %add3A_81 = arith.constant 128 : i32
    %add3A_82 = arith.addi %mul3A_2, %add3A_81 : i32
    %add3A_83 = arith.constant 128 : i32
    %add3A_84 = arith.addi %mul3A_2, %add3A_83 : i32
    %add3A_85 = arith.constant 128 : i32
    %add3A_86 = arith.addi %mul3A_2, %add3A_85 : i32
    %add3A_87 = arith.constant 128 : i32
    %add3A_88 = arith.addi %mul3A_2, %add3A_87 : i32
    %add3A_89 = arith.constant 128 : i32
    %add3A_90 = arith.addi %mul3A_2, %add3A_89 : i32
    %dma_wait3A = arith.constant 0 : i32
    %dma_wait3A_91 = arith.constant 0 : i32
    %dma_wait3A_92 = arith.constant 0 : i32
    %dma_wait3A_93 = arith.constant 0 : i32
    %dma_wait3A_94 = tpu.memref_slice %arg18[%dma_wait3A, %dma_wait3A_91, %dma_wait3A_92, %dma_wait3A_93] : memref<2x6x64x128xf32, #tpu.memory_space<vmem>> -> memref<1x1x64x128xf32, #tpu.memory_space<vmem>>
    %dma_wait3A_95 = tpu.memref_squeeze %dma_wait3A_94 : memref<1x1x64x128xf32, #tpu.memory_space<vmem>> -> memref<64x128xf32, #tpu.memory_space<vmem>>
    %dma_wait3A_96 = arith.constant 0 : i32
    %dma_wait3A_97 = tpu.memref_slice %arg9[%add3A_80, %dma_wait3A_96] : memref<8192x128xf32, #tpu.memory_space<hbm>> -> memref<64x128xf32, #tpu.memory_space<hbm>>
    %dma_wait3A_98 = arith.constant 0 : i32
    %dma_wait3A_99 = tpu.memref_slice %arg9[%add3A_80, %dma_wait3A_98] : memref<8192x128xf32, #tpu.memory_space<hbm>> -> memref<64x128xf32, #tpu.memory_space<hbm>>
    %dma_wait3A_100 = arith.constant 0 : i32
    %dma_wait3A_101 = arith.constant 0 : i32
    %dma_wait3A_102 = tpu.memref_slice %arg18[%dma_wait3A, %dma_wait3A_91, %dma_wait3A_100, %dma_wait3A_101] : memref<2x6x64x128xf32, #tpu.memory_space<vmem>> -> memref<1x1x64x128xf32, #tpu.memory_space<vmem>>
    %dma_wait3A_103 = tpu.memref_squeeze %dma_wait3A_102 : memref<1x1x64x128xf32, #tpu.memory_space<vmem>> -> memref<64x128xf32, #tpu.memory_space<vmem>>
    tpu.wait_dma2 semaphore(%arg21 : memref<!tpu.dma_semaphore, #tpu.memory_space<semaphore_mem>>) src(%dma_wait3A_103 : memref<64x128xf32, #tpu.memory_space<vmem>>) dst(%dma_wait3A_99 : memref<64x128xf32, #tpu.memory_space<hbm>>)
    %dma_wait3A_104 = arith.constant 0 : i32
    %dma_wait3A_105 = arith.constant 1 : i32
    %dma_wait3A_106 = arith.constant 0 : i32
    %dma_wait3A_107 = arith.constant 0 : i32
    %dma_wait3A_108 = tpu.memref_slice %arg18[%dma_wait3A_104, %dma_wait3A_105, %dma_wait3A_106, %dma_wait3A_107] : memref<2x6x64x128xf32, #tpu.memory_space<vmem>> -> memref<1x1x64x128xf32, #tpu.memory_space<vmem>>
    %dma_wait3A_109 = tpu.memref_squeeze %dma_wait3A_108 : memref<1x1x64x128xf32, #tpu.memory_space<vmem>> -> memref<64x128xf32, #tpu.memory_space<vmem>>
    %dma_wait3A_110 = arith.constant 0 : i32
    %dma_wait3A_111 = tpu.memref_slice %arg10[%add3A_82, %dma_wait3A_110] : memref<8192x128xf32, #tpu.memory_space<hbm>> -> memref<64x128xf32, #tpu.memory_space<hbm>>
    %dma_wait3A_112 = arith.constant 0 : i32
    %dma_wait3A_113 = tpu.memref_slice %arg10[%add3A_82, %dma_wait3A_112] : memref<8192x128xf32, #tpu.memory_space<hbm>> -> memref<64x128xf32, #tpu.memory_space<hbm>>
    %dma_wait3A_114 = arith.constant 0 : i32
    %dma_wait3A_115 = arith.constant 0 : i32
    %dma_wait3A_116 = tpu.memref_slice %arg18[%dma_wait3A_104, %dma_wait3A_105, %dma_wait3A_114, %dma_wait3A_115] : memref<2x6x64x128xf32, #tpu.memory_space<vmem>> -> memref<1x1x64x128xf32, #tpu.memory_space<vmem>>
    %dma_wait3A_117 = tpu.memref_squeeze %dma_wait3A_116 : memref<1x1x64x128xf32, #tpu.memory_space<vmem>> -> memref<64x128xf32, #tpu.memory_space<vmem>>
    tpu.wait_dma2 semaphore(%arg21 : memref<!tpu.dma_semaphore, #tpu.memory_space<semaphore_mem>>) src(%dma_wait3A_117 : memref<64x128xf32, #tpu.memory_space<vmem>>) dst(%dma_wait3A_113 : memref<64x128xf32, #tpu.memory_space<hbm>>)
    %dma_wait3A_118 = arith.constant 0 : i32
    %dma_wait3A_119 = arith.constant 2 : i32
    %dma_wait3A_120 = arith.constant 0 : i32
    %dma_wait3A_121 = arith.constant 0 : i32
    %dma_wait3A_122 = tpu.memref_slice %arg18[%dma_wait3A_118, %dma_wait3A_119, %dma_wait3A_120, %dma_wait3A_121] : memref<2x6x64x128xf32, #tpu.memory_space<vmem>> -> memref<1x1x64x128xf32, #tpu.memory_space<vmem>>
    %dma_wait3A_123 = tpu.memref_squeeze %dma_wait3A_122 : memref<1x1x64x128xf32, #tpu.memory_space<vmem>> -> memref<64x128xf32, #tpu.memory_space<vmem>>
    %dma_wait3A_124 = arith.constant 0 : i32
    %dma_wait3A_125 = tpu.memref_slice %arg11[%add3A_84, %dma_wait3A_124] : memref<8192x128xf32, #tpu.memory_space<hbm>> -> memref<64x128xf32, #tpu.memory_space<hbm>>
    %dma_wait3A_126 = arith.constant 0 : i32
    %dma_wait3A_127 = tpu.memref_slice %arg11[%add3A_84, %dma_wait3A_126] : memref<8192x128xf32, #tpu.memory_space<hbm>> -> memref<64x128xf32, #tpu.memory_space<hbm>>
    %dma_wait3A_128 = arith.constant 0 : i32
    %dma_wait3A_129 = arith.constant 0 : i32
    %dma_wait3A_130 = tpu.memref_slice %arg18[%dma_wait3A_118, %dma_wait3A_119, %dma_wait3A_128, %dma_wait3A_129] : memref<2x6x64x128xf32, #tpu.memory_space<vmem>> -> memref<1x1x64x128xf32, #tpu.memory_space<vmem>>
    %dma_wait3A_131 = tpu.memref_squeeze %dma_wait3A_130 : memref<1x1x64x128xf32, #tpu.memory_space<vmem>> -> memref<64x128xf32, #tpu.memory_space<vmem>>
    tpu.wait_dma2 semaphore(%arg21 : memref<!tpu.dma_semaphore, #tpu.memory_space<semaphore_mem>>) src(%dma_wait3A_131 : memref<64x128xf32, #tpu.memory_space<vmem>>) dst(%dma_wait3A_127 : memref<64x128xf32, #tpu.memory_space<hbm>>)
    %dma_wait3A_132 = arith.constant 0 : i32
    %dma_wait3A_133 = arith.constant 3 : i32
    %dma_wait3A_134 = arith.constant 0 : i32
    %dma_wait3A_135 = arith.constant 0 : i32
    %dma_wait3A_136 = tpu.memref_slice %arg18[%dma_wait3A_132, %dma_wait3A_133, %dma_wait3A_134, %dma_wait3A_135] : memref<2x6x64x128xf32, #tpu.memory_space<vmem>> -> memref<1x1x64x128xf32, #tpu.memory_space<vmem>>
    %dma_wait3A_137 = tpu.memref_squeeze %dma_wait3A_136 : memref<1x1x64x128xf32, #tpu.memory_space<vmem>> -> memref<64x128xf32, #tpu.memory_space<vmem>>
    %dma_wait3A_138 = arith.constant 0 : i32
    %dma_wait3A_139 = tpu.memref_slice %arg12[%add3A_86, %dma_wait3A_138] : memref<8192x128xf32, #tpu.memory_space<hbm>> -> memref<64x128xf32, #tpu.memory_space<hbm>>
    %dma_wait3A_140 = arith.constant 0 : i32
    %dma_wait3A_141 = tpu.memref_slice %arg12[%add3A_86, %dma_wait3A_140] : memref<8192x128xf32, #tpu.memory_space<hbm>> -> memref<64x128xf32, #tpu.memory_space<hbm>>
    %dma_wait3A_142 = arith.constant 0 : i32
    %dma_wait3A_143 = arith.constant 0 : i32
    %dma_wait3A_144 = tpu.memref_slice %arg18[%dma_wait3A_132, %dma_wait3A_133, %dma_wait3A_142, %dma_wait3A_143] : memref<2x6x64x128xf32, #tpu.memory_space<vmem>> -> memref<1x1x64x128xf32, #tpu.memory_space<vmem>>
    %dma_wait3A_145 = tpu.memref_squeeze %dma_wait3A_144 : memref<1x1x64x128xf32, #tpu.memory_space<vmem>> -> memref<64x128xf32, #tpu.memory_space<vmem>>
    tpu.wait_dma2 semaphore(%arg21 : memref<!tpu.dma_semaphore, #tpu.memory_space<semaphore_mem>>) src(%dma_wait3A_145 : memref<64x128xf32, #tpu.memory_space<vmem>>) dst(%dma_wait3A_141 : memref<64x128xf32, #tpu.memory_space<hbm>>)
    %dma_wait3A_146 = arith.constant 0 : i32
    %dma_wait3A_147 = arith.constant 4 : i32
    %dma_wait3A_148 = arith.constant 0 : i32
    %dma_wait3A_149 = arith.constant 0 : i32
    %dma_wait3A_150 = tpu.memref_slice %arg18[%dma_wait3A_146, %dma_wait3A_147, %dma_wait3A_148, %dma_wait3A_149] : memref<2x6x64x128xf32, #tpu.memory_space<vmem>> -> memref<1x1x64x128xf32, #tpu.memory_space<vmem>>
    %dma_wait3A_151 = tpu.memref_squeeze %dma_wait3A_150 : memref<1x1x64x128xf32, #tpu.memory_space<vmem>> -> memref<64x128xf32, #tpu.memory_space<vmem>>
    %dma_wait3A_152 = arith.constant 0 : i32
    %dma_wait3A_153 = tpu.memref_slice %arg13[%add3A_88, %dma_wait3A_152] : memref<8192x128xf32, #tpu.memory_space<hbm>> -> memref<64x128xf32, #tpu.memory_space<hbm>>
    %dma_wait3A_154 = arith.constant 0 : i32
    %dma_wait3A_155 = tpu.memref_slice %arg13[%add3A_88, %dma_wait3A_154] : memref<8192x128xf32, #tpu.memory_space<hbm>> -> memref<64x128xf32, #tpu.memory_space<hbm>>
    %dma_wait3A_156 = arith.constant 0 : i32
    %dma_wait3A_157 = arith.constant 0 : i32
    %dma_wait3A_158 = tpu.memref_slice %arg18[%dma_wait3A_146, %dma_wait3A_147, %dma_wait3A_156, %dma_wait3A_157] : memref<2x6x64x128xf32, #tpu.memory_space<vmem>> -> memref<1x1x64x128xf32, #tpu.memory_space<vmem>>
    %dma_wait3A_159 = tpu.memref_squeeze %dma_wait3A_158 : memref<1x1x64x128xf32, #tpu.memory_space<vmem>> -> memref<64x128xf32, #tpu.memory_space<vmem>>
    tpu.wait_dma2 semaphore(%arg21 : memref<!tpu.dma_semaphore, #tpu.memory_space<semaphore_mem>>) src(%dma_wait3A_159 : memref<64x128xf32, #tpu.memory_space<vmem>>) dst(%dma_wait3A_155 : memref<64x128xf32, #tpu.memory_space<hbm>>)
    %dma_wait3A_160 = arith.constant 0 : i32
    %dma_wait3A_161 = arith.constant 5 : i32
    %dma_wait3A_162 = arith.constant 0 : i32
    %dma_wait3A_163 = arith.constant 0 : i32
    %dma_wait3A_164 = tpu.memref_slice %arg18[%dma_wait3A_160, %dma_wait3A_161, %dma_wait3A_162, %dma_wait3A_163] : memref<2x6x64x128xf32, #tpu.memory_space<vmem>> -> memref<1x1x64x128xf32, #tpu.memory_space<vmem>>
    %dma_wait3A_165 = tpu.memref_squeeze %dma_wait3A_164 : memref<1x1x64x128xf32, #tpu.memory_space<vmem>> -> memref<64x128xf32, #tpu.memory_space<vmem>>
    %dma_wait3A_166 = arith.constant 0 : i32
    %dma_wait3A_167 = tpu.memref_slice %arg14[%add3A_90, %dma_wait3A_166] : memref<8192x128xf32, #tpu.memory_space<hbm>> -> memref<64x128xf32, #tpu.memory_space<hbm>>
    %dma_wait3A_168 = arith.constant 0 : i32
    %dma_wait3A_169 = tpu.memref_slice %arg14[%add3A_90, %dma_wait3A_168] : memref<8192x128xf32, #tpu.memory_space<hbm>> -> memref<64x128xf32, #tpu.memory_space<hbm>>
    %dma_wait3A_170 = arith.constant 0 : i32
    %dma_wait3A_171 = arith.constant 0 : i32
    %dma_wait3A_172 = tpu.memref_slice %arg18[%dma_wait3A_160, %dma_wait3A_161, %dma_wait3A_170, %dma_wait3A_171] : memref<2x6x64x128xf32, #tpu.memory_space<vmem>> -> memref<1x1x64x128xf32, #tpu.memory_space<vmem>>
    %dma_wait3A_173 = tpu.memref_squeeze %dma_wait3A_172 : memref<1x1x64x128xf32, #tpu.memory_space<vmem>> -> memref<64x128xf32, #tpu.memory_space<vmem>>
    tpu.wait_dma2 semaphore(%arg21 : memref<!tpu.dma_semaphore, #tpu.memory_space<semaphore_mem>>) src(%dma_wait3A_173 : memref<64x128xf32, #tpu.memory_space<vmem>>) dst(%dma_wait3A_169 : memref<64x128xf32, #tpu.memory_space<hbm>>)
    %add3A_174 = arith.constant 192 : i32
    %add3A_175 = arith.addi %mul3A_2, %add3A_174 : i32
    %add3A_176 = arith.constant 192 : i32
    %add3A_177 = arith.addi %mul3A_2, %add3A_176 : i32
    %add3A_178 = arith.constant 192 : i32
    %add3A_179 = arith.addi %mul3A_2, %add3A_178 : i32
    %add3A_180 = arith.constant 192 : i32
    %add3A_181 = arith.addi %mul3A_2, %add3A_180 : i32
    %add3A_182 = arith.constant 192 : i32
    %add3A_183 = arith.addi %mul3A_2, %add3A_182 : i32
    %add3A_184 = arith.constant 192 : i32
    %add3A_185 = arith.addi %mul3A_2, %add3A_184 : i32
    %dma_wait3A_186 = arith.constant 1 : i32
    %dma_wait3A_187 = arith.constant 0 : i32
    %dma_wait3A_188 = arith.constant 0 : i32
    %dma_wait3A_189 = arith.constant 0 : i32
    %dma_wait3A_190 = tpu.memref_slice %arg18[%dma_wait3A_186, %dma_wait3A_187, %dma_wait3A_188, %dma_wait3A_189] : memref<2x6x64x128xf32, #tpu.memory_space<vmem>> -> memref<1x1x64x128xf32, #tpu.memory_space<vmem>>
    %dma_wait3A_191 = tpu.memref_squeeze %dma_wait3A_190 : memref<1x1x64x128xf32, #tpu.memory_space<vmem>> -> memref<64x128xf32, #tpu.memory_space<vmem>>
    %dma_wait3A_192 = arith.constant 0 : i32
    %dma_wait3A_193 = tpu.memref_slice %arg9[%add3A_175, %dma_wait3A_192] : memref<8192x128xf32, #tpu.memory_space<hbm>> -> memref<64x128xf32, #tpu.memory_space<hbm>>
    %dma_wait3A_194 = arith.constant 0 : i32
    %dma_wait3A_195 = tpu.memref_slice %arg9[%add3A_175, %dma_wait3A_194] : memref<8192x128xf32, #tpu.memory_space<hbm>> -> memref<64x128xf32, #tpu.memory_space<hbm>>
    %dma_wait3A_196 = arith.constant 0 : i32
    %dma_wait3A_197 = arith.constant 0 : i32
    %dma_wait3A_198 = tpu.memref_slice %arg18[%dma_wait3A_186, %dma_wait3A_187, %dma_wait3A_196, %dma_wait3A_197] : memref<2x6x64x128xf32, #tpu.memory_space<vmem>> -> memref<1x1x64x128xf32, #tpu.memory_space<vmem>>
    %dma_wait3A_199 = tpu.memref_squeeze %dma_wait3A_198 : memref<1x1x64x128xf32, #tpu.memory_space<vmem>> -> memref<64x128xf32, #tpu.memory_space<vmem>>
    tpu.wait_dma2 semaphore(%arg22 : memref<!tpu.dma_semaphore, #tpu.memory_space<semaphore_mem>>) src(%dma_wait3A_199 : memref<64x128xf32, #tpu.memory_space<vmem>>) dst(%dma_wait3A_195 : memref<64x128xf32, #tpu.memory_space<hbm>>)
    %dma_wait3A_200 = arith.constant 1 : i32
    %dma_wait3A_201 = arith.constant 1 : i32
    %dma_wait3A_202 = arith.constant 0 : i32
    %dma_wait3A_203 = arith.constant 0 : i32
    %dma_wait3A_204 = tpu.memref_slice %arg18[%dma_wait3A_200, %dma_wait3A_201, %dma_wait3A_202, %dma_wait3A_203] : memref<2x6x64x128xf32, #tpu.memory_space<vmem>> -> memref<1x1x64x128xf32, #tpu.memory_space<vmem>>
    %dma_wait3A_205 = tpu.memref_squeeze %dma_wait3A_204 : memref<1x1x64x128xf32, #tpu.memory_space<vmem>> -> memref<64x128xf32, #tpu.memory_space<vmem>>
    %dma_wait3A_206 = arith.constant 0 : i32
    %dma_wait3A_207 = tpu.memref_slice %arg10[%add3A_177, %dma_wait3A_206] : memref<8192x128xf32, #tpu.memory_space<hbm>> -> memref<64x128xf32, #tpu.memory_space<hbm>>
    %dma_wait3A_208 = arith.constant 0 : i32
    %dma_wait3A_209 = tpu.memref_slice %arg10[%add3A_177, %dma_wait3A_208] : memref<8192x128xf32, #tpu.memory_space<hbm>> -> memref<64x128xf32, #tpu.memory_space<hbm>>
    %dma_wait3A_210 = arith.constant 0 : i32
    %dma_wait3A_211 = arith.constant 0 : i32
    %dma_wait3A_212 = tpu.memref_slice %arg18[%dma_wait3A_200, %dma_wait3A_201, %dma_wait3A_210, %dma_wait3A_211] : memref<2x6x64x128xf32, #tpu.memory_space<vmem>> -> memref<1x1x64x128xf32, #tpu.memory_space<vmem>>
    %dma_wait3A_213 = tpu.memref_squeeze %dma_wait3A_212 : memref<1x1x64x128xf32, #tpu.memory_space<vmem>> -> memref<64x128xf32, #tpu.memory_space<vmem>>
    tpu.wait_dma2 semaphore(%arg22 : memref<!tpu.dma_semaphore, #tpu.memory_space<semaphore_mem>>) src(%dma_wait3A_213 : memref<64x128xf32, #tpu.memory_space<vmem>>) dst(%dma_wait3A_209 : memref<64x128xf32, #tpu.memory_space<hbm>>)
    %dma_wait3A_214 = arith.constant 1 : i32
    %dma_wait3A_215 = arith.constant 2 : i32
    %dma_wait3A_216 = arith.constant 0 : i32
    %dma_wait3A_217 = arith.constant 0 : i32
    %dma_wait3A_218 = tpu.memref_slice %arg18[%dma_wait3A_214, %dma_wait3A_215, %dma_wait3A_216, %dma_wait3A_217] : memref<2x6x64x128xf32, #tpu.memory_space<vmem>> -> memref<1x1x64x128xf32, #tpu.memory_space<vmem>>
    %dma_wait3A_219 = tpu.memref_squeeze %dma_wait3A_218 : memref<1x1x64x128xf32, #tpu.memory_space<vmem>> -> memref<64x128xf32, #tpu.memory_space<vmem>>
    %dma_wait3A_220 = arith.constant 0 : i32
    %dma_wait3A_221 = tpu.memref_slice %arg11[%add3A_179, %dma_wait3A_220] : memref<8192x128xf32, #tpu.memory_space<hbm>> -> memref<64x128xf32, #tpu.memory_space<hbm>>
    %dma_wait3A_222 = arith.constant 0 : i32
    %dma_wait3A_223 = tpu.memref_slice %arg11[%add3A_179, %dma_wait3A_222] : memref<8192x128xf32, #tpu.memory_space<hbm>> -> memref<64x128xf32, #tpu.memory_space<hbm>>
    %dma_wait3A_224 = arith.constant 0 : i32
    %dma_wait3A_225 = arith.constant 0 : i32
    %dma_wait3A_226 = tpu.memref_slice %arg18[%dma_wait3A_214, %dma_wait3A_215, %dma_wait3A_224, %dma_wait3A_225] : memref<2x6x64x128xf32, #tpu.memory_space<vmem>> -> memref<1x1x64x128xf32, #tpu.memory_space<vmem>>
    %dma_wait3A_227 = tpu.memref_squeeze %dma_wait3A_226 : memref<1x1x64x128xf32, #tpu.memory_space<vmem>> -> memref<64x128xf32, #tpu.memory_space<vmem>>
    tpu.wait_dma2 semaphore(%arg22 : memref<!tpu.dma_semaphore, #tpu.memory_space<semaphore_mem>>) src(%dma_wait3A_227 : memref<64x128xf32, #tpu.memory_space<vmem>>) dst(%dma_wait3A_223 : memref<64x128xf32, #tpu.memory_space<hbm>>)
    %dma_wait3A_228 = arith.constant 1 : i32
    %dma_wait3A_229 = arith.constant 3 : i32
    %dma_wait3A_230 = arith.constant 0 : i32
    %dma_wait3A_231 = arith.constant 0 : i32
    %dma_wait3A_232 = tpu.memref_slice %arg18[%dma_wait3A_228, %dma_wait3A_229, %dma_wait3A_230, %dma_wait3A_231] : memref<2x6x64x128xf32, #tpu.memory_space<vmem>> -> memref<1x1x64x128xf32, #tpu.memory_space<vmem>>
    %dma_wait3A_233 = tpu.memref_squeeze %dma_wait3A_232 : memref<1x1x64x128xf32, #tpu.memory_space<vmem>> -> memref<64x128xf32, #tpu.memory_space<vmem>>
    %dma_wait3A_234 = arith.constant 0 : i32
    %dma_wait3A_235 = tpu.memref_slice %arg12[%add3A_181, %dma_wait3A_234] : memref<8192x128xf32, #tpu.memory_space<hbm>> -> memref<64x128xf32, #tpu.memory_space<hbm>>
    %dma_wait3A_236 = arith.constant 0 : i32
    %dma_wait3A_237 = tpu.memref_slice %arg12[%add3A_181, %dma_wait3A_236] : memref<8192x128xf32, #tpu.memory_space<hbm>> -> memref<64x128xf32, #tpu.memory_space<hbm>>
    %dma_wait3A_238 = arith.constant 0 : i32
    %dma_wait3A_239 = arith.constant 0 : i32
    %dma_wait3A_240 = tpu.memref_slice %arg18[%dma_wait3A_228, %dma_wait3A_229, %dma_wait3A_238, %dma_wait3A_239] : memref<2x6x64x128xf32, #tpu.memory_space<vmem>> -> memref<1x1x64x128xf32, #tpu.memory_space<vmem>>
    %dma_wait3A_241 = tpu.memref_squeeze %dma_wait3A_240 : memref<1x1x64x128xf32, #tpu.memory_space<vmem>> -> memref<64x128xf32, #tpu.memory_space<vmem>>
    tpu.wait_dma2 semaphore(%arg22 : memref<!tpu.dma_semaphore, #tpu.memory_space<semaphore_mem>>) src(%dma_wait3A_241 : memref<64x128xf32, #tpu.memory_space<vmem>>) dst(%dma_wait3A_237 : memref<64x128xf32, #tpu.memory_space<hbm>>)
    %dma_wait3A_242 = arith.constant 1 : i32
    %dma_wait3A_243 = arith.constant 4 : i32
    %dma_wait3A_244 = arith.constant 0 : i32
    %dma_wait3A_245 = arith.constant 0 : i32
    %dma_wait3A_246 = tpu.memref_slice %arg18[%dma_wait3A_242, %dma_wait3A_243, %dma_wait3A_244, %dma_wait3A_245] : memref<2x6x64x128xf32, #tpu.memory_space<vmem>> -> memref<1x1x64x128xf32, #tpu.memory_space<vmem>>
    %dma_wait3A_247 = tpu.memref_squeeze %dma_wait3A_246 : memref<1x1x64x128xf32, #tpu.memory_space<vmem>> -> memref<64x128xf32, #tpu.memory_space<vmem>>
    %dma_wait3A_248 = arith.constant 0 : i32
    %dma_wait3A_249 = tpu.memref_slice %arg13[%add3A_183, %dma_wait3A_248] : memref<8192x128xf32, #tpu.memory_space<hbm>> -> memref<64x128xf32, #tpu.memory_space<hbm>>
    %dma_wait3A_250 = arith.constant 0 : i32
    %dma_wait3A_251 = tpu.memref_slice %arg13[%add3A_183, %dma_wait3A_250] : memref<8192x128xf32, #tpu.memory_space<hbm>> -> memref<64x128xf32, #tpu.memory_space<hbm>>
    %dma_wait3A_252 = arith.constant 0 : i32
    %dma_wait3A_253 = arith.constant 0 : i32
    %dma_wait3A_254 = tpu.memref_slice %arg18[%dma_wait3A_242, %dma_wait3A_243, %dma_wait3A_252, %dma_wait3A_253] : memref<2x6x64x128xf32, #tpu.memory_space<vmem>> -> memref<1x1x64x128xf32, #tpu.memory_space<vmem>>
    %dma_wait3A_255 = tpu.memref_squeeze %dma_wait3A_254 : memref<1x1x64x128xf32, #tpu.memory_space<vmem>> -> memref<64x128xf32, #tpu.memory_space<vmem>>
    tpu.wait_dma2 semaphore(%arg22 : memref<!tpu.dma_semaphore, #tpu.memory_space<semaphore_mem>>) src(%dma_wait3A_255 : memref<64x128xf32, #tpu.memory_space<vmem>>) dst(%dma_wait3A_251 : memref<64x128xf32, #tpu.memory_space<hbm>>)
    %dma_wait3A_256 = arith.constant 1 : i32
    %dma_wait3A_257 = arith.constant 5 : i32
    %dma_wait3A_258 = arith.constant 0 : i32
    %dma_wait3A_259 = arith.constant 0 : i32
    %dma_wait3A_260 = tpu.memref_slice %arg18[%dma_wait3A_256, %dma_wait3A_257, %dma_wait3A_258, %dma_wait3A_259] : memref<2x6x64x128xf32, #tpu.memory_space<vmem>> -> memref<1x1x64x128xf32, #tpu.memory_space<vmem>>
    %dma_wait3A_261 = tpu.memref_squeeze %dma_wait3A_260 : memref<1x1x64x128xf32, #tpu.memory_space<vmem>> -> memref<64x128xf32, #tpu.memory_space<vmem>>
    %dma_wait3A_262 = arith.constant 0 : i32
    %dma_wait3A_263 = tpu.memref_slice %arg14[%add3A_185, %dma_wait3A_262] : memref<8192x128xf32, #tpu.memory_space<hbm>> -> memref<64x128xf32, #tpu.memory_space<hbm>>
    %dma_wait3A_264 = arith.constant 0 : i32
    %dma_wait3A_265 = tpu.memref_slice %arg14[%add3A_185, %dma_wait3A_264] : memref<8192x128xf32, #tpu.memory_space<hbm>> -> memref<64x128xf32, #tpu.memory_space<hbm>>
    %dma_wait3A_266 = arith.constant 0 : i32
    %dma_wait3A_267 = arith.constant 0 : i32
    %dma_wait3A_268 = tpu.memref_slice %arg18[%dma_wait3A_256, %dma_wait3A_257, %dma_wait3A_266, %dma_wait3A_267] : memref<2x6x64x128xf32, #tpu.memory_space<vmem>> -> memref<1x1x64x128xf32, #tpu.memory_space<vmem>>
    %dma_wait3A_269 = tpu.memref_squeeze %dma_wait3A_268 : memref<1x1x64x128xf32, #tpu.memory_space<vmem>> -> memref<64x128xf32, #tpu.memory_space<vmem>>
    tpu.wait_dma2 semaphore(%arg22 : memref<!tpu.dma_semaphore, #tpu.memory_space<semaphore_mem>>) src(%dma_wait3A_269 : memref<64x128xf32, #tpu.memory_space<vmem>>) dst(%dma_wait3A_265 : memref<64x128xf32, #tpu.memory_space<hbm>>)
    return
  }
}

module attributes {stable_mosaic.version = 14 : i64} {
  func.func @_score_body(%arg0: i32, %arg1: memref<1024x128xf32, #tpu.memory_space<vmem>>, %arg2: memref<1024x128xf32, #tpu.memory_space<vmem>>, %arg3: memref<1024x128xf32, #tpu.memory_space<vmem>>, %arg4: memref<1024x128xf32, #tpu.memory_space<vmem>>, %arg5: memref<1024x128xf32, #tpu.memory_space<vmem>>, %arg6: memref<1024x128xf32, #tpu.memory_space<vmem>>, %arg7: memref<1024xf32, #tpu.memory_space<vmem>>) attributes {dimension_semantics = [#tpu.dimension_semantics<arbitrary>], iteration_bounds = array<i64: 8>, scalar_prefetch = 0 : i64, scratch_operands = 0 : i64, tpu.core_type = #tpu.core_type<tc>, window_params = [{transform_indices = @transform_0, window_bounds = array<i64: 1024, 128>}, {transform_indices = @transform_1, window_bounds = array<i64: 1024, 128>}, {transform_indices = @transform_2, window_bounds = array<i64: 1024, 128>}, {transform_indices = @transform_3, window_bounds = array<i64: 1024, 128>}, {transform_indices = @transform_4, window_bounds = array<i64: 1024, 128>}, {transform_indices = @transform_5, window_bounds = array<i64: 1024, 128>}, {transform_indices = @transform_6, window_bounds = array<i64: 1024>}]} {
    %get3A = arith.constant 0 : index
    %get3A_0 = arith.constant 0 : index
    %get3A_1 = vector.load %arg1[%get3A, %get3A_0] : memref<1024x128xf32, #tpu.memory_space<vmem>>, vector<1024x128xf32>
    %get3A_2 = arith.constant 0 : index
    %get3A_3 = arith.constant 0 : index
    %get3A_4 = vector.load %arg2[%get3A_2, %get3A_3] : memref<1024x128xf32, #tpu.memory_space<vmem>>, vector<1024x128xf32>
    %get3A_5 = arith.constant 0 : index
    %get3A_6 = arith.constant 0 : index
    %get3A_7 = vector.load %arg3[%get3A_5, %get3A_6] : memref<1024x128xf32, #tpu.memory_space<vmem>>, vector<1024x128xf32>
    %get3A_8 = arith.constant 0 : index
    %get3A_9 = arith.constant 0 : index
    %get3A_10 = vector.load %arg4[%get3A_8, %get3A_9] : memref<1024x128xf32, #tpu.memory_space<vmem>>, vector<1024x128xf32>
    %get3A_11 = arith.constant 0 : index
    %get3A_12 = arith.constant 0 : index
    %get3A_13 = vector.load %arg5[%get3A_11, %get3A_12] : memref<1024x128xf32, #tpu.memory_space<vmem>>, vector<1024x128xf32>
    %get3A_14 = arith.constant 0 : index
    %get3A_15 = arith.constant 0 : index
    %get3A_16 = vector.load %arg6[%get3A_14, %get3A_15] : memref<1024x128xf32, #tpu.memory_space<vmem>>, vector<1024x128xf32>
    %mul3A = arith.mulf %get3A_1, %get3A_10 : vector<1024x128xf32>
    %reduce_sum3A = arith.constant dense<0.000000e+00> : vector<1024xf32>
    %reduce_sum3A_17 = vector.multi_reduction <add>, %mul3A, %reduce_sum3A [1] : vector<1024x128xf32> to vector<1024xf32>
    %broadcast_in_dim3A = vector.shape_cast %reduce_sum3A_17 : vector<1024xf32> to vector<1024x1xf32>
    %mul3A_18 = vector.broadcast %broadcast_in_dim3A : vector<1024x1xf32> to vector<1024x128xf32>
    %mul3A_19 = arith.mulf %mul3A_18, %get3A_13 : vector<1024x128xf32>
    %add3A = arith.addf %get3A_1, %mul3A_19 : vector<1024x128xf32>
    %mul3A_20 = arith.mulf %add3A, %add3A : vector<1024x128xf32>
    %reduce_sum3A_21 = arith.constant dense<0.000000e+00> : vector<1024xf32>
    %reduce_sum3A_22 = vector.multi_reduction <add>, %mul3A_20, %reduce_sum3A_21 [1] : vector<1024x128xf32> to vector<1024xf32>
    %broadcast_in_dim3A_23 = vector.shape_cast %reduce_sum3A_22 : vector<1024xf32> to vector<1024x1xf32>
    %sqrt3A = math.sqrt %broadcast_in_dim3A_23 : vector<1024x1xf32>
    %max3A = arith.constant 9.99999996E-13 : f32
    %max3A_24 = vector.broadcast %max3A : f32 to vector<1024x1xf32>
    %max3A_25 = arith.maximumf %sqrt3A, %max3A_24 : vector<1024x1xf32>
    %div3A = vector.broadcast %max3A_25 : vector<1024x1xf32> to vector<1024x128xf32>
    %div3A_26 = arith.divf %add3A, %div3A : vector<1024x128xf32>
    %mul3A_27 = arith.mulf %get3A_7, %get3A_16 : vector<1024x128xf32>
    %reduce_sum3A_28 = arith.constant dense<0.000000e+00> : vector<1024xf32>
    %reduce_sum3A_29 = vector.multi_reduction <add>, %mul3A_27, %reduce_sum3A_28 [1] : vector<1024x128xf32> to vector<1024xf32>
    %broadcast_in_dim3A_30 = vector.shape_cast %reduce_sum3A_29 : vector<1024xf32> to vector<1024x1xf32>
    %mul3A_31 = vector.broadcast %broadcast_in_dim3A_30 : vector<1024x1xf32> to vector<1024x128xf32>
    %mul3A_32 = arith.mulf %mul3A_31, %get3A_13 : vector<1024x128xf32>
    %add3A_33 = arith.addf %get3A_7, %mul3A_32 : vector<1024x128xf32>
    %mul3A_34 = arith.mulf %add3A_33, %add3A_33 : vector<1024x128xf32>
    %reduce_sum3A_35 = arith.constant dense<0.000000e+00> : vector<1024xf32>
    %reduce_sum3A_36 = vector.multi_reduction <add>, %mul3A_34, %reduce_sum3A_35 [1] : vector<1024x128xf32> to vector<1024xf32>
    %broadcast_in_dim3A_37 = vector.shape_cast %reduce_sum3A_36 : vector<1024xf32> to vector<1024x1xf32>
    %sqrt3A_38 = math.sqrt %broadcast_in_dim3A_37 : vector<1024x1xf32>
    %max3A_39 = arith.constant 9.99999996E-13 : f32
    %max3A_40 = vector.broadcast %max3A_39 : f32 to vector<1024x1xf32>
    %max3A_41 = arith.maximumf %sqrt3A_38, %max3A_40 : vector<1024x1xf32>
    %div3A_42 = vector.broadcast %max3A_41 : vector<1024x1xf32> to vector<1024x128xf32>
    %div3A_43 = arith.divf %add3A_33, %div3A_42 : vector<1024x128xf32>
    %mul3A_44 = arith.mulf %get3A_4, %get3A_4 : vector<1024x128xf32>
    %reduce_sum3A_45 = arith.constant dense<0.000000e+00> : vector<1024xf32>
    %reduce_sum3A_46 = vector.multi_reduction <add>, %mul3A_44, %reduce_sum3A_45 [1] : vector<1024x128xf32> to vector<1024xf32>
    %broadcast_in_dim3A_47 = vector.shape_cast %reduce_sum3A_46 : vector<1024xf32> to vector<1024x1xf32>
    %sqrt3A_48 = math.sqrt %broadcast_in_dim3A_47 : vector<1024x1xf32>
    %max3A_49 = arith.constant 9.99999996E-13 : f32
    %max3A_50 = vector.broadcast %max3A_49 : f32 to vector<1024x1xf32>
    %max3A_51 = arith.maximumf %sqrt3A_48, %max3A_50 : vector<1024x1xf32>
    %div3A_52 = vector.broadcast %max3A_51 : vector<1024x1xf32> to vector<1024x128xf32>
    %div3A_53 = arith.divf %get3A_4, %div3A_52 : vector<1024x128xf32>
    %add3A_54 = arith.addf %div3A_26, %div3A_53 : vector<1024x128xf32>
    %sub3A = arith.subf %add3A_54, %div3A_43 : vector<1024x128xf32>
    %abs3A = math.absf %sub3A : vector<1024x128xf32>
    %reduce_sum3A_55 = arith.constant dense<0.000000e+00> : vector<1024xf32>
    %reduce_sum3A_56 = vector.multi_reduction <add>, %abs3A, %reduce_sum3A_55 [1] : vector<1024x128xf32> to vector<1024xf32>
    %sub3A_57 = arith.constant 1.000000e+00 : f32
    %sub3A_58 = vector.broadcast %sub3A_57 : f32 to vector<1024xf32>
    %sub3A_59 = arith.subf %sub3A_58, %reduce_sum3A_56 : vector<1024xf32>
    %swap3A = arith.constant 0 : index
    %swap3A_60 = vector.load %arg7[%swap3A] : memref<1024xf32, #tpu.memory_space<vmem>>, vector<1024xf32>
    tpu.vector_store %arg7[%swap3A], %sub3A_59 {strides = array<i32>} : memref<1024xf32, #tpu.memory_space<vmem>>, vector<1024xf32>,
    return
  }
  func.func @transform_0(%arg0: i32) -> (i32, i32) {
    %c0_i32 = arith.constant 0 : i32
    %c0_i32_0 = arith.constant 0 : i32
    return %arg0, %c0_i32 : i32, i32
  }
  func.func @transform_1(%arg0: i32) -> (i32, i32) {
    %c0_i32 = arith.constant 0 : i32
    %c0_i32_0 = arith.constant 0 : i32
    return %arg0, %c0_i32 : i32, i32
  }
  func.func @transform_2(%arg0: i32) -> (i32, i32) {
    %c0_i32 = arith.constant 0 : i32
    %c0_i32_0 = arith.constant 0 : i32
    return %arg0, %c0_i32 : i32, i32
  }
  func.func @transform_3(%arg0: i32) -> (i32, i32) {
    %c0_i32 = arith.constant 0 : i32
    %c0_i32_0 = arith.constant 0 : i32
    return %arg0, %c0_i32 : i32, i32
  }
  func.func @transform_4(%arg0: i32) -> (i32, i32) {
    %c0_i32 = arith.constant 0 : i32
    %c0_i32_0 = arith.constant 0 : i32
    return %arg0, %c0_i32 : i32, i32
  }
  func.func @transform_5(%arg0: i32) -> (i32, i32) {
    %c0_i32 = arith.constant 0 : i32
    %c0_i32_0 = arith.constant 0 : i32
    return %arg0, %c0_i32 : i32, i32
  }
  func.func @transform_6(%arg0: i32) -> i32 {
    %c0_i32 = arith.constant 0 : i32
    return %arg0 : i32
  }
}

</mosaic_0001>

<sc_bundles>
// kernel: kernel.6.cloned.1.call-start
scs
__scs_entry_jumppad:
0x0: {  	(pc) =	sbr.rel $0x88, $3  }
0x1: {  	(tag) =	ssettag $0x0;
	lr =	simm.s32 $0x1  }
0x2: {  	[smem:$0x3F9C] =	sst lr;
	_ =	strace $0xD0000000  }
0x3: {  	_ = 	snop  }
0x4: {  	_ = 	snop  }
0x5: {  	_ = 	snop  }
0x6: {  	_ = 	snop  }
0x7: {  	_ = 	snop  }
__scs_overlays_trampoline_lowered:
0x8: {  	[smem:$0x3FAB] =	sst s0  }
0x9: {  	[smem:$0x3FAC] =	sst s1  }
0xa: {  	[smem:$0x3FAD] =	sst s2  }
0xb: {  	[smem:$0x3FAE] =	sst s3  }
0xc: {  	[smem:$0x3FAF] =	sst s4  }
0xd: {  	[smem:$0x3FB0] =	sst s5  }
0xe: {  	[smem:$0x3FB1] =	sst s6  }
0xf: {  	[smem:$0x3FB2] =	sst s7  }
0x10: {  	[smem:$0x3FB3] =	sst s8  }
0x11: {  	[smem:$0x3FB4] =	sst s9;
	s0 =	simm.s32 @!p0 $0x0  }
0x12: {  	s1 =	sld [smem:$0x3F9A];
	s0 =	simm.s32 @p0 $0x1  }
0x13: {  	[smem:$0x3FB5] =	sst s0;
	s0 =	simm.s32 @!p1 $0x0  }
0x14: {  	s2 =	sld [smem:$0x3F99];
	s0 =	simm.s32 @p1 $0x1  }
0x15: {  	[smem:$0x3FB6] =	sst s0;
	s0 =	simm.s32 @!p2 $0x0  }
0x16: {  	s3 =	sld [smem:$0x3FDB];
	s0 =	simm.s32 @p2 $0x1  }
0x17: {  	s4 =	simm.s32 $0x1BF5;
	[smem:$0x3FB8] =	sst s0  }
0x18: {  	s0 =	sld [smem:$0x3F9B];
	_ =	swait.ge [sflag:s4], $0x0  }
0x19: {  	s7 =	sld [smem:$0x3F9C]  }
0x1a: {  	s8 =	sadd.s32 $0xFFFFE003, lr  }
0x1b: {  	s9 =	sadd.s32 $0xFFFFFEF7, lr;
	s5 =	simm.s32 $0xFFFFFFFF;
	p2 =	slt.u32 s8, $0xFFFFF086  }
0x1c: {  	p1 =	slt.u32 s9, $0xF7A;
	s5 =	simm.s32 @!p2 $0x0  }
0x1d: {  	s5 =	simm.s32 @p1 $0x1;
	p0 =	seq.s32 s7, s2  }
0x1e: {  	s7 =	smul.u32 @!p0 $0xF7A, s2;
	p2 =	seq.s32 @!p0 s5, $0x0  }
0x1f: {  	s9 =	smul.u32 $0xF7A, s1;
	s8 =	simm.s32 @!p0 $0x1BF5;
	p2 =	por !p2, p0  }
0x20: {  	[sflag:s8] =	ssyncset.s32 @!p0 $0xFFFFF086;
	s6 =	sadd.s32 @!p0 s3, s7;
	s7 =	simm.s32 @!p0 $0x108  }
0x21: {  	s3 =	sadd.s32 s3, s9;
	s6 =	sadd.s32 @!p0 $0x88, s6;
	s7 =	simm.s32 @p2 $0x1082  }
0x22: {  	[simem:s7], [sflag:s8] =	dma.local @!p0 [hbm:s6], $0xF7A  }
0x23: {  	s9 =	sor.u32 $0xD0000000, s2;
	s6 =	simm.s32 $0x108;
	_ =	swait.ge @!p0 [sflag:s8], $0x0  }
0x24: {  	s3 =	sadd.s32 $0x88, s3;
	s6 =	simm.s32 @!p1 $0x1082;
	[sflag:s4] =	ssyncset.s32 $0xFFFFF086  }
0x25: {  	[simem:s6], [sflag:s4] =	dma.local [hbm:s3], $0xF7A  }
0x26: {  	[smem:$0x3F9C] =	sst s1;
	(tag) =	ssettag s2;
	_ =	strace s9  }
0x27: {  	s1 =	sld [smem:$0x3FAC]  }
0x28: {  	s2 =	sld [smem:$0x3FAD]  }
0x29: {  	s4 =	sld [smem:$0x3FAF]  }
0x2a: {  	p0 =	seq.s32 s5, $0x0;
	s5 =	sld [smem:$0x3FB0]  }
0x2b: {  	s6 =	sld [smem:$0x3FB1]  }
0x2c: {  	s7 =	sld [smem:$0x3FB2]  }
0x2d: {  	s3 =	simm.s32 $0x108;
	s8 =	sld [smem:$0x3FB3]  }
0x2e: {  	s3 =	simm.s32 @!p0 $0x1082;
	s9 =	sld [smem:$0x3FB4]  }
0x2f: {  	lr =	sadd.s32 s0, s3;
	s0 =	sld [smem:$0x3FAB]  }
0x30: {  	s3 =	sld [smem:$0x3FAE]  }
0x31: {  	[smem:$0x3FB7] =	sst s10  }
0x32: {  	s10 =	sld [smem:$0x3FB5];
	_ =	sdelay $0x3  }
0x33: {  	p0 =	seq.s32 s10, $0x1;
	s10 =	sld [smem:$0x3FB7];
	_ =	sdelay $0x3  }
0x34: {  	[smem:$0x3FB7] =	sst s10  }
0x35: {  	s10 =	sld [smem:$0x3FB6];
	_ =	sdelay $0x3  }
0x36: {  	p1 =	seq.s32 s10, $0x1;
	s10 =	sld [smem:$0x3FB7];
	_ =	sdelay $0x3  }
0x37: {  	[smem:$0x3FB7] =	sst s10  }
0x38: {  	s10 =	sld [smem:$0x3FB8]  }
0x39: {  	_ = 	snop;
	(pc) =	sbr.ind lr, $3  }
0x3a: {  	_ = 	snop  }
0x3b: {  	_ = 	snop  }
0x3c: {  	p2 =	seq.s32 s10, $0x1;
	s10 =	sld [smem:$0x3FB7]  }
0x3d: {  	_ =	shalt  }
0x3e: {  	_ =	shalt  }
0x3f: {  	_ =	shalt  }
0x40: {  	_ =	shalt  }
0x41: {  	_ =	shalt  }
0x42: {  	_ =	shalt  }
0x43: {  	_ =	shalt  }
0x44: {  	_ =	shalt  }
0x45: {  	_ =	shalt  }
0x46: {  	_ =	shalt  }
0x47: {  	_ =	shalt  }
0x48: {  	_ =	shalt  }
0x49: {  	_ =	shalt  }
0x4a: {  	_ =	shalt  }
0x4b: {  	_ =	shalt  }
0x4c: {  	_ =	shalt  }
0x4d: {  	_ =	shalt  }
0x4e: {  	_ =	shalt  }
0x4f: {  	_ =	shalt  }
0x50: {  	_ =	shalt  }
0x51: {  	_ =	shalt  }
0x52: {  	_ =	shalt  }
0x53: {  	_ =	shalt  }
0x54: {  	_ =	shalt  }
0x55: {  	_ =	shalt  }
0x56: {  	_ =	shalt  }
0x57: {  	_ =	shalt  }
0x58: {  	_ =	shalt  }
0x59: {  	_ =	shalt  }
0x5a: {  	_ =	shalt  }
0x5b: {  	_ =	shalt  }
0x5c: {  	_ =	shalt  }
0x5d: {  	_ =	shalt  }
0x5e: {  	_ =	shalt  }
0x5f: {  	_ =	shalt  }
0x60: {  	_ =	shalt  }
0x61: {  	_ =	shalt  }
0x62: {  	_ =	shalt  }
0x63: {  	_ =	shalt  }
0x64: {  	_ =	shalt  }
0x65: {  	_ =	shalt  }
0x66: {  	_ =	shalt  }
0x67: {  	_ =	shalt  }
0x68: {  	_ =	shalt  }
0x69: {  	_ =	shalt  }
0x6a: {  	_ =	shalt  }
0x6b: {  	_ =	shalt  }
0x6c: {  	_ =	shalt  }
0x6d: {  	_ =	shalt  }
0x6e: {  	_ =	shalt  }
0x6f: {  	_ =	shalt  }
0x70: {  	_ =	shalt  }
0x71: {  	_ =	shalt  }
0x72: {  	_ =	shalt  }
0x73: {  	_ =	shalt  }
0x74: {  	_ =	shalt  }
0x75: {  	_ =	shalt  }
0x76: {  	_ =	shalt  }
0x77: {  	_ =	shalt  }
0x78: {  	_ =	shalt  }
0x79: {  	_ =	shalt  }
0x7a: {  	_ =	shalt  }
0x7b: {  	_ =	shalt  }
0x7c: {  	_ =	shalt  }
0x7d: {  	_ =	shalt  }
0x7e: {  	_ =	shalt  }
0x7f: {  	_ =	shalt  }
0x80: {  	_ =	shalt  }
0x81: {  	_ =	shalt  }
0x82: {  	_ =	shalt  }
0x83: {  	_ =	shalt  }
0x84: {  	_ =	shalt  }
0x85: {  	_ =	shalt  }
0x86: {  	_ =	shalt  }
0x87: {  	_ =	shalt  }
.Lfunc_end0:
.L_simem_size_0:
called_computation_lowered:
.L_overlay_start_0:
0x88: {  	s2 =	sld [smem:$0x3FD9]  }
0x89: {  	s3 =	sld [smem:$0x3FFE];
	_ =	sdelay $0x1  }
0x8a: {  	s1 =	srdreg.scid  }
0x8b: {  	s0 =	sand.u32 $0x1, s1  }
0x8c: {  	s17 =	sshll.u32 s0, $0xA;
	s2 =	sadd.s32 s3, s2  }
0x8d: {  	s2 =	sadd.s32 s2, s17  }
0x8e: {  	[smem:$0x3FC3] =	sst s2  }
0x8f: {  	_ = 	snop  }
0x90: {  	s18 =	sld [smem:$0x3FC8]  }
0x91: {  	s4 =	sld [smem:$0x3FC7]  }
0x92: {  	s5 =	sld [smem:$0x3FC6]  }
0x93: {  	s6 =	sld [smem:$0x3FC5]  }
0x94: {  	s7 =	sld [smem:$0x3FD0];
	(tm) =	ssettm $0x1  }
0x95: {  	s19 =	sld [smem:$0x3FFB];
	_ =	sdelay $0x3  }
0x96: {  	_ =	strace s19  }
0x97: {  	s2 =	sld [smem:$0x3FFC];
	_ =	sdelay $0x3  }
0x98: {  	_ =	strace s2  }
0x99: {  	s2 =	sld [smem:$0x3FFD];
	_ =	sdelay $0x3  }
0x9a: {  	_ =	strace s2  }
0x9b: {  	_ =	strace $0x8FFFFFFF  }
0x9c: {  	s20 =	sld [smem:$0x3FDB];
	_ =	sdelay $0x1  }
0x9d: {  	s8 =	simm.s32 $_scs_section_size  }
0x9e: {  	s9 =	simm.s32 $_size__tile_overlayer_lowered;
	s10 =	simm.s32 $_tile_overlayer_lowered  }
0x9f: {  	s11 =	simm.s32 $0x1BFF;
	s21 =	sshll.u32 s10, $0x1;
	s8 =	sadd.s32 s8, s20  }
0xa0: {  	s22 =	simm.s32 $0x0;
	s9 =	sshll.u32 s9, $0x1;
	s10 =	sadd.s32 s21, s8  }
0xa1: {  	[timem:s22], [sflag:s11] =	dma.local [hbm:s10], s9  }
0xa2: {  	_ =	swait.ge [sflag:s11], s9  }
0xa3: {  	s9 =	ssub.s32 $0x0, s9;
	[sflag:s11] =	ssyncset.done $0x0  }
0xa4: {  	[sflag:s11] =	ssyncadd.s32 s9;
	_ =	sdelay $0x1  }
0xa5: {  	s23 =	simm.s32 $0x1B8B  }
0xa6: {  	_ =	swait.ge [sflag:s23], $0x1  }
0xa7: {  	[sflag:s23] =	ssyncset.done $0x0  }
0xa8: {  	[sflag:s23] =	ssyncadd.s32 $0xFFFFFFFF  }
0xa9: {  	s9 =	sld [smem:$0x0]  }
0xaa: {  	s10 =	sand.u32 $0xFFFFFFFE, s1  }
0xab: {  	p0 =	sne.s32 s1, s10  }
0xac: {  	s10 =	sshll.u32 @p0 s10, $0xE  }
0xad: {  	s10 =	sadd.s32 @p0 $0x11B8D, s10;
	s11 =	sshll.u32 @p0 s9, $0x11  }
0xae: {  	s10 =	sor.u32 @p0 s11, s10  }
0xaf: {  	[sflag:s10] =	ssyncadd.remote.s32 @p0 $0x1;
	_ =	sdelay $0x1  }
0xb0: {  	s10 =	simm.s32 @p0 $0x1B8D  }
0xb1: {  	_ =	swait.eq @p0 [sflag:s10], $0x1  }
0xb2: {  	[sflag:s10] =	ssyncadd.s32 @p0 $0xFFFFFFFF  }
0xb3: {  	s11 =	sshll.u32 @!p0 s1, $0xE  }
0xb4: {  	s11 =	sor.u32 @!p0 $0x4000, s11;
	s10 =	simm.s32 @!p0 $0x1B8D  }
0xb5: {  	s9 =	sshll.u32 @!p0 s9, $0x11;
	s11 =	sadd.s32 @!p0 $0x11B8D, s11;
	_ =	swait.eq @!p0 [sflag:s10], $0x1  }
0xb6: {  	s9 =	sor.u32 @!p0 s9, s11;
	[sflag:s10] =	ssyncadd.s32 @!p0 $0xFFFFFFFF  }
0xb7: {  	s25 =	simm.s32 $0x1B8E;
	s24 =	sld [smem:$0x3FFE];
	[sflag:s9] =	ssyncadd.remote.s32 @!p0 $0x1  }
0xb8: {  	s26 =	simm.s32 $execute0_lowered;
	[smem:$0x3FD2] =	sst s25  }
0xb9: {  	s10 =	sshll.u32 s26, $0x1;
	_ =	strace $0x80000049;
	[dreg:$0x1] =	wrdreg $0xFFFFFFFF  }
0xba: {  	s28 =	simm.s32 $_size_execute0_lowered;
	s8 =	sadd.s32 s8, s10;
	[dreg:$0x0] =	wrdreg $0x0  }
0xbb: {  	s10 =	sshll.u32 s28, $0x1;
	[dreg:$0x2] =	wrdreg s8  }
0xbc: {  	[dreg:$0x3] =	wrdreg s10  }
0xbd: {  	[dreg:$0x4] =	wrdreg $0xC0  }
0xbe: {  	_ =	task [dreg:s22], $0x5FFFF  }
0xbf: {  	[dreg:$0x1] =	wrdreg $0xFFFFFFFF  }
0xc0: {  	[dreg:$0x0] =	wrdreg $0x60  }
0xc1: {  	[dreg:$0x2] =	wrdreg s24  }
0xc2: {  	[dreg:$0x3] =	wrdreg s7  }
0xc3: {  	[dreg:$0x4] =	wrdreg s18  }
0xc4: {  	[dreg:$0x5] =	wrdreg s4  }
0xc5: {  	[dreg:$0x6] =	wrdreg s5  }
0xc6: {  	[dreg:$0x7] =	wrdreg s6  }
0xc7: {  	[dreg:$0x8] =	wrdreg $0x9  }
0xc8: {  	_ =	task.clear_ibuf [dreg:s22], $0x9FFFF;
	_ =	strace $0x90000049  }
0xc9: {  	s29 =	simm.s32 $0x9;
	_ =	strace $0x8000004B  }
0xca: {  	_ =	swait.ge [sflag:s29], $0x1  }
0xcb: {  	[sflag:s29] =	ssyncadd.s32 $0xFFFFFFFF  }
0xcc: {  	_ =	strace $0x9000004B  }
0xcd: {  	_ =	sfence  }
0xce: {  	s30 =	sld [smem:$0x0];
	_ =	sdelay $0x2  }
0xcf: {  	s31 =	sshll.u32 s1, $0xD;
	s1 =	sshrl.u32 s1, $0x2  }
0xd0: {  	s4 =	sand.u32 $0x4000, s31;
	s1 =	sadd.s32 s1, s30  }
0xd1: {  	s0 =	sor.u32 s4, s0;
	s1 =	sshll.u32 s1, $0x11  }
0xd2: {  	s0 =	sor.u32 s1, s0  }
0xd3: {  	s0 =	sadd.s32 $0x8F2B, s0  }
0xd4: {  	[sflag:s0] =	ssyncadd.remote.s32 $0x1  }
0xd5: {  	_ =	sfence.sel $0xFFFF  }
0xd6: {  	[dreg:$0x0] =	wrdreg $0xFFFFFFFF;
	(pc) =	sbr.abs _section_cstart, $3  }
0xd7: {  	[dreg:$0x1] =	wrdreg $0xFFFFFFFF  }
0xd8: {  	_ =	task.clear_ibuf [dreg:s22], $0x2FFFF;
	_ =	strace $0x9FFFFFFF  }
0xd9: {  	(tm) =	ssettm $0x7FFFFFFF  }
tec
execute0_lowered:
.L_overlay_start_1:
0x0: {  	(tag) =	ssettag $0x1  }
0x1: {  	s0 =	rddreg [dreg:$0x0]  }
0x2: {  	s3 =	rddreg [dreg:$0x1]  }
0x3: {  	s1 =	rddreg [dreg:$0x2]  }
0x4: {  	s2 =	rddreg [dreg:$0x3]  }
0x5: {  	s4 =	rddreg [dreg:$0x4]  }
0x6: {  	s5 =	rddreg [dreg:$0x5]  }
0x7: {  	s6 =	srdreg.scid;
	s7 =	stileid.u32  }
0x8: {  	s22 =	simm.s32 $0x40;
	s24 =	simm.s32 $0x300;
	s30 =	simm.s32 $0x1  }
0x9: {  	s31 =	simm.s32 $0xC300;
	s18 =	simm.s32 $0x2;
	s21 =	simm.s32 $0x0  }
0xa: {  	s28 =	simm.s32 $0x6300;
	s29 =	simm.s32 $0x8300;
	s12 =	sand.u32 $0x1, s6  }
0xb: {  	s7 =	sshll.u32 s7, $0x9;
	s9 =	sadd.s32 $0xE3600, s0;
	s10 =	sadd.s32 $0x103600, s0  }
0xc: {  	s6 =	simm.s32 $0x0;
	s11 =	sadd.s32 $0x123600, s0;
	s13 =	sadd.s32 $0x163600, s0  }
0xd: {  	s8 =	sshll.u32 s12, $0x8;
	[smem:$0x7FF] =	sst s6;
	s16 =	ssub.s32 $0x2, s12  }
0xe: {  	s12 =	sadd.s32 $0x143600, s0;
	s7 =	sor.u32 s8, s7;
	_ =	strace $0x8000004A  }
0xf: {  	s8 =	sadd.s32 $0xC3600, s0;
	s25 =	sshrl.u32 s16, $0x1;
	s14 =	sshrl.u32 s7, $0x3  }
0x10: {  	s17 =	sshll.u32 s7, $0x4;
	s15 =	sadd.s32 s14, s0;
	s3 =	sadd.s32 s3, s14  }
0x11: {  	s0 =	ssub.s32 s16, s25;
	s26 =	sadd.s32 $0x2E00, s15;
	[dreg:$0x9] =	wrdreg s3  }
0x12: {  	s25 =	simm.s32 $0x2300;
	s15 =	sadd.s32 $0x2600, s15;
	[dreg:$0x7] =	wrdreg s26  }
0x13: {  	s14 =	simm.s32 $0x12300;
	s0 =	smax.u32 s0, $0x1;
	[dreg:$0x8] =	wrdreg s15  }
0x14: {  	s16 =	simm.s32 $0x16300;
	s3 =	simm.s32 $0x10300;
	[dreg:$0xa] =	wrdreg s0  }
0x15: {  	s0 =	simm.s32 $0xE300;
	s15 =	simm.s32 $0x14300;
	s26 =	simm.s32 $0xA300  }
.LBB2_1:
0x16: {  	[dreg:$0xb] =	wrdreg s21  }
0x17: {  	s19 =	rddreg [dreg:$0x7];
	s20 =	simm.s32 $0x5  }
0x18: {  	[tilespmem:s6], [sflag:$0x5] =	stream.linear.gather [hbm4b:s19+s6], $0x100, $0x38;
	[tilespmem:$0x18300] =	vst v63  }
0x19: {  	_ =	swait.ge [sflag:s20], $0x100  }
0x1a: {  	[sflag:s20] =	ssyncset.done $0x0  }
0x1b: {  	s21 =	simm.s32 $0x100;
	s23 =	rddreg [dreg:$0x8];
	[sflag:s20] =	ssyncadd.s32 $0xFFFFFF00  }
0x1c: {  	[tilespmem:s21], [sflag:$0x5] =	stream.linear.gather [hbm4b:s23+s6], $0x100, $0x38;
	[tilespmem:$0x18300] =	vst v63  }
0x1d: {  	_ =	swait.ge [sflag:s20], $0x100  }
0x1e: {  	[sflag:s20] =	ssyncset.done $0x0  }
0x1f: {  	s23 =	simm.s32 $0x200;
	s19 =	rddreg [dreg:$0x9];
	[sflag:s20] =	ssyncadd.s32 $0xFFFFFF00  }
0x20: {  	[tilespmem:s23], [sflag:$0x5] =	stream.linear.gather [hbm4b:s19+s6], $0x100, $0x38;
	[tilespmem:$0x18300] =	vst v63  }
0x21: {  	_ =	swait.ge [sflag:s20], $0x100  }
0x22: {  	[sflag:s20] =	ssyncset.done $0x0  }
0x23: {  	[sflag:s20] =	ssyncadd.s32 $0xFFFFFF00  }
0x24: {  	[tilespmem:s24], [sflag:$0x1] =	stream.indirect.gather [hbm4b:s1+s22], $0x80, s6, s22, $0xb8;
	[tilespmem:$0x18300] =	vst v63  }
0x25: {  	_ = 	snop  }
0x26: {  	[tilespmem:s25], [sflag:$0x1] =	stream.indirect.gather [hbm4b:s2+s22], $0x80, s21, s22, $0xb8;
	[tilespmem:$0x18300] =	vst v63  }
0x27: {  	s20 =	simm.s32 $0x4300  }
0x28: {  	[tilespmem:s20], [sflag:$0x1] =	stream.indirect.gather [hbm4b:s1+s22], $0x80, s23, s22, $0xb8;
	[tilespmem:$0x18300] =	vst v63  }
0x29: {  	_ = 	snop  }
0x2a: {  	[tilespmem:s28], [sflag:$0x1] =	stream.indirect.gather [hbm4b:s4+s22], $0x80, s6, s22, $0xb8;
	[tilespmem:$0x18300] =	vst v63  }
0x2b: {  	_ = 	snop  }
0x2c: {  	[tilespmem:s29], [sflag:$0x1] =	stream.indirect.gather [hbm4b:s5+s22], $0x80, s21, s22, $0xb8;
	[tilespmem:$0x18300] =	vst v63  }
0x2d: {  	p0 =	por $0x1, $0x1;
	p2 =	por $0x0, $0x0;
	s20 =	simm.s32 $0x0  }
0x2e: {  	[tilespmem:s26], [sflag:$0x1] =	stream.indirect.gather [hbm4b:s4+s22], $0x80, s23, s22, $0xb8;
	[tilespmem:$0x18300] =	vst v63  }
.LBB2_2:
0x2f: {  	_ =	swait.ge [sflag:s30], $0x2000  }
0x30: {  	[sflag:s30] =	ssyncset.done $0x0  }
0x31: {  	[sflag:s30] =	ssyncadd.s32 $0xFFFFE000  }
0x32: {  	_ =	swait.ge [sflag:s30], $0x2000  }
0x33: {  	[sflag:s30] =	ssyncset.done $0x0  }
0x34: {  	[sflag:s30] =	ssyncadd.s32 $0xFFFFE000  }
0x35: {  	_ =	swait.ge [sflag:s30], $0x2000  }
0x36: {  	[sflag:s30] =	ssyncset.done $0x0  }
0x37: {  	[sflag:s30] =	ssyncadd.s32 $0xFFFFE000  }
0x38: {  	_ =	swait.ge [sflag:s30], $0x2000  }
0x39: {  	[sflag:s30] =	ssyncset.done $0x0  }
0x3a: {  	[sflag:s30] =	ssyncadd.s32 $0xFFFFE000  }
0x3b: {  	_ =	swait.ge [sflag:s30], $0x2000  }
0x3c: {  	[sflag:s30] =	ssyncset.done $0x0  }
0x3d: {  	[sflag:s30] =	ssyncadd.s32 $0xFFFFE000  }
0x3e: {  	_ =	swait.ge [sflag:s30], $0x2000  }
0x3f: {  	[sflag:s30] =	ssyncset.done $0x0  }
0x40: {  	s19 =	simm.s32 @p2 $0x4;
	[sflag:s30] =	ssyncadd.s32 $0xFFFFE000  }
0x41: {  	_ =	swait.ge @p2 [sflag:s19], $0x2000  }
0x42: {  	[sflag:s19] =	ssyncset.done @p2 $0x0  }
0x43: {  	[sflag:s19] =	ssyncadd.s32 @p2 $0xFFFFE000  }
0x44: {  	_ =	swait.ge @p2 [sflag:s19], $0x2000  }
0x45: {  	[sflag:s19] =	ssyncset.done @p2 $0x0  }
0x46: {  	[sflag:s19] =	ssyncadd.s32 @p2 $0xFFFFE000  }
0x47: {  	_ =	swait.ge @p2 [sflag:s19], $0x2000  }
0x48: {  	[sflag:s19] =	ssyncset.done @p2 $0x0  }
0x49: {  	[sflag:s19] =	ssyncadd.s32 @p2 $0xFFFFE000  }
0x4a: {  	_ =	swait.ge @p2 [sflag:s19], $0x2000  }
0x4b: {  	[sflag:s19] =	ssyncset.done @p2 $0x0  }
0x4c: {  	[sflag:s19] =	ssyncadd.s32 @p2 $0xFFFFE000  }
0x4d: {  	_ =	swait.ge @p2 [sflag:s19], $0x2000  }
0x4e: {  	[sflag:s19] =	ssyncset.done @p2 $0x0  }
0x4f: {  	[sflag:s19] =	ssyncadd.s32 @p2 $0xFFFFE000  }
0x50: {  	_ =	swait.ge @p2 [sflag:s19], $0x2000  }
0x51: {  	s21 =	sshll.u32 s20, $0x7;
	[sflag:s19] =	ssyncset.done @p2 $0x0  }
0x52: {  	[sflag:s19] =	ssyncadd.s32 @p2 $0xFFFFE000;
	s19 =	sor.u32 $0x40, s21  }
0x53: {  	[tilespmem:s31], [sflag:$0x2] =	stream.indirect.gather [hbm4b:s1+s22], $0x80, s19, s22, $0xb8;
	[tilespmem:$0x18300] =	vst v63  }
0x54: {  	s23 =	sadd.s32 $0x140, s21  }
0x55: {  	[tilespmem:s0], [sflag:$0x2] =	stream.indirect.gather [hbm4b:s2+s22], $0x80, s23, s22, $0xb8;
	[tilespmem:$0x18300] =	vst v63  }
0x56: {  	s21 =	sadd.s32 $0x240, s21  }
0x57: {  	[tilespmem:s3], [sflag:$0x2] =	stream.indirect.gather [hbm4b:s1+s22], $0x80, s21, s22, $0xb8;
	[tilespmem:$0x18300] =	vst v63  }
0x58: {  	_ = 	snop  }
0x59: {  	[tilespmem:s14], [sflag:$0x2] =	stream.indirect.gather [hbm4b:s4+s22], $0x80, s19, s22, $0xb8;
	[tilespmem:$0x18300] =	vst v63  }
0x5a: {  	_ = 	snop  }
0x5b: {  	[tilespmem:s15], [sflag:$0x2] =	stream.indirect.gather [hbm4b:s5+s22], $0x80, s23, s22, $0xb8;
	[tilespmem:$0x18300] =	vst v63  }
0x5c: {  	_ = 	snop  }
0x5d: {  	[tilespmem:s16], [sflag:$0x2] =	stream.indirect.gather [hbm4b:s4+s22], $0x80, s21, s22, $0xb8;
	[tilespmem:$0x18300] =	vst v63  }
0x5e: {  	s21 =	sshll.u32 s20, $0xB  }
0x5f: {  	s20 =	sor.u32 s17, s21  }
0x60: {  	s23 =	sadd.s32 s8, s20  }
0x61: {  	[hbm4b:s23+s6] =	stream.linear.scatter [tilespmem:s24], [sflag:$0x3], $0x2000, $0x38;
	[tilespmem:$0x18300] =	vst v63  }
0x62: {  	s23 =	sadd.s32 s9, s20  }
0x63: {  	[hbm4b:s23+s6] =	stream.linear.scatter [tilespmem:s25], [sflag:$0x3], $0x2000, $0x38;
	[tilespmem:$0x18300] =	vst v63  }
0x64: {  	s24 =	sadd.s32 s10, s20;
	s25 =	simm.s32 $0x4300  }
0x65: {  	[hbm4b:s24+s6] =	stream.linear.scatter [tilespmem:s25], [sflag:$0x3], $0x2000, $0x38;
	[tilespmem:$0x18300] =	vst v63  }
0x66: {  	s24 =	sadd.s32 s11, s20  }
0x67: {  	[hbm4b:s24+s6] =	stream.linear.scatter [tilespmem:s28], [sflag:$0x3], $0x2000, $0x38;
	[tilespmem:$0x18300] =	vst v63  }
0x68: {  	s25 =	sadd.s32 s12, s20  }
0x69: {  	[hbm4b:s25+s6] =	stream.linear.scatter [tilespmem:s29], [sflag:$0x3], $0x2000, $0x38;
	[tilespmem:$0x18300] =	vst v63  }
0x6a: {  	s20 =	sadd.s32 s13, s20  }
0x6b: {  	[hbm4b:s20+s6] =	stream.linear.scatter [tilespmem:s26], [sflag:$0x3], $0x2000, $0x38;
	[tilespmem:$0x18300] =	vst v63  }
0x6c: {  	_ =	swait.ge [sflag:s18], $0x2000  }
0x6d: {  	[sflag:s18] =	ssyncset.done $0x0  }
0x6e: {  	[sflag:s18] =	ssyncadd.s32 $0xFFFFE000  }
0x6f: {  	_ =	swait.ge [sflag:s18], $0x2000  }
0x70: {  	[sflag:s18] =	ssyncset.done $0x0  }
0x71: {  	[sflag:s18] =	ssyncadd.s32 $0xFFFFE000  }
0x72: {  	_ =	swait.ge [sflag:s18], $0x2000  }
0x73: {  	[sflag:s18] =	ssyncset.done $0x0  }
0x74: {  	[sflag:s18] =	ssyncadd.s32 $0xFFFFE000  }
0x75: {  	_ =	swait.ge [sflag:s18], $0x2000  }
0x76: {  	[sflag:s18] =	ssyncset.done $0x0  }
0x77: {  	[sflag:s18] =	ssyncadd.s32 $0xFFFFE000  }
0x78: {  	_ =	swait.ge [sflag:s18], $0x2000  }
0x79: {  	[sflag:s18] =	ssyncset.done $0x0  }
0x7a: {  	[sflag:s18] =	ssyncadd.s32 $0xFFFFE000  }
0x7b: {  	_ =	swait.ge [sflag:s18], $0x2000  }
0x7c: {  	[sflag:s18] =	ssyncset.done $0x0  }
0x7d: {  	s20 =	simm.s32 @p0 $0x3;
	[sflag:s18] =	ssyncadd.s32 $0xFFFFE000  }
0x7e: {  	_ =	swait.ge @p0 [sflag:s20], $0x2000  }
0x7f: {  	[sflag:s20] =	ssyncset.done @p0 $0x0  }
0x80: {  	[sflag:s20] =	ssyncadd.s32 @p0 $0xFFFFE000  }
0x81: {  	_ =	swait.ge @p0 [sflag:s20], $0x2000  }
0x82: {  	[sflag:s20] =	ssyncset.done @p0 $0x0  }
0x83: {  	[sflag:s20] =	ssyncadd.s32 @p0 $0xFFFFE000  }
0x84: {  	_ =	swait.ge @p0 [sflag:s20], $0x2000  }
0x85: {  	[sflag:s20] =	ssyncset.done @p0 $0x0  }
0x86: {  	[sflag:s20] =	ssyncadd.s32 @p0 $0xFFFFE000  }
0x87: {  	_ =	swait.ge @p0 [sflag:s20], $0x2000  }
0x88: {  	[sflag:s20] =	ssyncset.done @p0 $0x0  }
0x89: {  	[sflag:s20] =	ssyncadd.s32 @p0 $0xFFFFE000  }
0x8a: {  	_ =	swait.ge @p0 [sflag:s20], $0x2000  }
0x8b: {  	[sflag:s20] =	ssyncset.done @p0 $0x0  }
0x8c: {  	[sflag:s20] =	ssyncadd.s32 @p0 $0xFFFFE000  }
0x8d: {  	_ =	swait.ge @p0 [sflag:s20], $0x2000  }
0x8e: {  	s21 =	simm.s32 @p0 $0x80;
	[sflag:s20] =	ssyncset.done @p0 $0x0  }
0x8f: {  	s23 =	simm.s32 @p0 $0x300;
	[sflag:s20] =	ssyncadd.s32 @p0 $0xFFFFE000;
	s20 =	simm.s32 @p0 $0x40  }
0x90: {  	[tilespmem:s23], [sflag:$0x1] =	stream.indirect.gather @p0 [hbm4b:s1+s20], $0x80, s21, s20, $0xb8;
	[tilespmem:$0x18300] =	vst v63  }
0x91: {  	s24 =	simm.s32 @p0 $0x2300;
	s23 =	simm.s32 @p0 $0x180  }
0x92: {  	[tilespmem:s24], [sflag:$0x1] =	stream.indirect.gather @p0 [hbm4b:s2+s20], $0x80, s23, s20, $0xb8;
	[tilespmem:$0x18300] =	vst v63  }
0x93: {  	s25 =	simm.s32 @p0 $0x4300;
	s24 =	simm.s32 @p0 $0x280  }
0x94: {  	[tilespmem:s25], [sflag:$0x1] =	stream.indirect.gather @p0 [hbm4b:s1+s20], $0x80, s24, s20, $0xb8;
	[tilespmem:$0x18300] =	vst v63  }
0x95: {  	s25 =	simm.s32 @p0 $0x6300  }
0x96: {  	[tilespmem:s25], [sflag:$0x1] =	stream.indirect.gather @p0 [hbm4b:s4+s20], $0x80, s21, s20, $0xb8;
	[tilespmem:$0x18300] =	vst v63  }
0x97: {  	s19 =	sor.u32 s7, s19;
	s21 =	simm.s32 @p0 $0x8300  }
0x98: {  	[tilespmem:s21], [sflag:$0x1] =	stream.indirect.gather @p0 [hbm4b:s5+s20], $0x80, s23, s20, $0xb8;
	[tilespmem:$0x18300] =	vst v63  }
0x99: {  	s19 =	sshll.u32 s19, $0x4;
	s21 =	simm.s32 @p0 $0xA300  }
0x9a: {  	[tilespmem:s21], [sflag:$0x1] =	stream.indirect.gather @p0 [hbm4b:s4+s20], $0x80, s24, s20, $0xb8;
	[tilespmem:$0x18300] =	vst v63  }
0x9b: {  	s23 =	sadd.s32 s8, s19  }
0x9c: {  	[hbm4b:s23+s6] =	stream.linear.scatter [tilespmem:s31], [sflag:$0x4], $0x2000, $0x38;
	[tilespmem:$0x18300] =	vst v63  }
0x9d: {  	s21 =	sadd.s32 s9, s19  }
0x9e: {  	[hbm4b:s21+s6] =	stream.linear.scatter [tilespmem:s0], [sflag:$0x4], $0x2000, $0x38;
	[tilespmem:$0x18300] =	vst v63  }
0x9f: {  	s23 =	sadd.s32 s10, s19  }
0xa0: {  	[hbm4b:s23+s6] =	stream.linear.scatter [tilespmem:s3], [sflag:$0x4], $0x2000, $0x38;
	[tilespmem:$0x18300] =	vst v63  }
0xa1: {  	p1 =	por p0, p0;
	s21 =	sadd.s32 s11, s19  }
0xa2: {  	[hbm4b:s21+s6] =	stream.linear.scatter [tilespmem:s14], [sflag:$0x4], $0x2000, $0x38;
	[tilespmem:$0x18300] =	vst v63  }
.Ltmp0:
0xa3: {  	p2 =	por $0x1, $0x1;
	(pc) =	sbr.rel @p1 .LBB2_2-.Ltmp0, $4  }
0xa4: {  	s25 =	simm.s32 $0x2300;
	s24 =	simm.s32 $0x300;
	s23 =	sadd.s32 s12, s19  }
0xa5: {  	[hbm4b:s23+s6] =	stream.linear.scatter [tilespmem:s15], [sflag:$0x4], $0x2000, $0x38;
	[tilespmem:$0x18300] =	vst v63  }
0xa6: {  	s20 =	simm.s32 $0x1;
	p0 =	por $0x0, $0x0;
	s19 =	sadd.s32 s13, s19  }
0xa7: {  	[hbm4b:s19+s6] =	stream.linear.scatter [tilespmem:s16], [sflag:$0x4], $0x2000, $0x38;
	[tilespmem:$0x18300] =	vst v63  }
0xa8: {  	s19 =	simm.s32 $0x3  }
0xa9: {  	_ =	swait.ge [sflag:s19], $0x2000  }
0xaa: {  	[sflag:s19] =	ssyncset.done $0x0  }
0xab: {  	[sflag:s19] =	ssyncadd.s32 $0xFFFFE000  }
0xac: {  	_ =	swait.ge [sflag:s19], $0x2000  }
0xad: {  	[sflag:s19] =	ssyncset.done $0x0  }
0xae: {  	[sflag:s19] =	ssyncadd.s32 $0xFFFFE000  }
0xaf: {  	_ =	swait.ge [sflag:s19], $0x2000  }
0xb0: {  	[sflag:s19] =	ssyncset.done $0x0  }
0xb1: {  	[sflag:s19] =	ssyncadd.s32 $0xFFFFE000  }
0xb2: {  	_ =	swait.ge [sflag:s19], $0x2000  }
0xb3: {  	[sflag:s19] =	ssyncset.done $0x0  }
0xb4: {  	[sflag:s19] =	ssyncadd.s32 $0xFFFFE000  }
0xb5: {  	_ =	swait.ge [sflag:s19], $0x2000  }
0xb6: {  	[sflag:s19] =	ssyncset.done $0x0  }
0xb7: {  	[sflag:s19] =	ssyncadd.s32 $0xFFFFE000  }
0xb8: {  	_ =	swait.ge [sflag:s19], $0x2000  }
0xb9: {  	[sflag:s19] =	ssyncset.done $0x0  }
0xba: {  	s20 =	simm.s32 $0x4;
	[sflag:s19] =	ssyncadd.s32 $0xFFFFE000  }
0xbb: {  	_ =	swait.ge [sflag:s20], $0x2000  }
0xbc: {  	[sflag:s20] =	ssyncset.done $0x0  }
0xbd: {  	[sflag:s20] =	ssyncadd.s32 $0xFFFFE000  }
0xbe: {  	_ =	swait.ge [sflag:s20], $0x2000  }
0xbf: {  	[sflag:s20] =	ssyncset.done $0x0  }
0xc0: {  	[sflag:s20] =	ssyncadd.s32 $0xFFFFE000  }
0xc1: {  	_ =	swait.ge [sflag:s20], $0x2000  }
0xc2: {  	[sflag:s20] =	ssyncset.done $0x0  }
0xc3: {  	[sflag:s20] =	ssyncadd.s32 $0xFFFFE000  }
0xc4: {  	_ =	swait.ge [sflag:s20], $0x2000  }
0xc5: {  	[sflag:s20] =	ssyncset.done $0x0  }
0xc6: {  	[sflag:s20] =	ssyncadd.s32 $0xFFFFE000  }
0xc7: {  	_ =	swait.ge [sflag:s20], $0x2000  }
0xc8: {  	[sflag:s20] =	ssyncset.done $0x0  }
0xc9: {  	[sflag:s20] =	ssyncadd.s32 $0xFFFFE000  }
0xca: {  	_ =	swait.ge [sflag:s20], $0x2000  }
0xcb: {  	s21 =	rddreg [dreg:$0xb]  }
0xcc: {  	s23 =	rddreg [dreg:$0xa];
	s21 =	sadd.s32 $0x1, s21  }
0xcd: {  	p0 =	sne.s32 s21, s23  }
.Ltmp1:
0xce: {  	_ = 	snop;
	(pc) =	sbr.rel @p0 .LBB2_1-.Ltmp1, $3  }
0xcf: {  	_ =	sdelay $0x1  }
0xd0: {  	[sflag:s20] =	ssyncset.done $0x0  }
0xd1: {  	[sflag:s20] =	ssyncadd.s32 $0xFFFFE000  }
0xd2: {  	_ =	sfence.sel $0x180000  }
0xd3: {  	[bflag:$0x0] =	sbarrier.arrive $0xFFFF  }
0xd4: {  	_ =	strace $0x9000004A  }
0xd5: {  	s0 =	stileid.u32;
	[bflag:$0x2] =	sbarrier.arrive $0xFFFF  }
0xd6: {  	p0 =	sne.s32 s0, $0x0;
	s0 =	rddreg [dreg:$0x6]  }
0xd7: {  	s0 =	sadd.s32 @!p0 $0x100000, s0  }
0xd8: {  	[sflag:s0] =	ssyncadd.tile.s32 @!p0 $0x1;
	_ =	shalt  }
.Lfunc_end2:
_tile_overlayer_lowered:
.L_overlay_start_2:
0xd9: {  	(tag) =	ssettag $0x2  }
0xda: {  	s0 =	rddreg [dreg:$0x0];
	s2 =	stileid.u32  }
0xdb: {  	s1 =	rddreg [dreg:$0x1];
	p0 =	sne.s32 s2, $0x0  }
0xdc: {  	s3 =	rddreg [dreg:$0x2];
	[bflag:$0x3] =	sbarrier.arrive $0xFFFF;
	s2 =	simm.s32 @!p0 $0x1C05  }
0xdd: {  	[timem:s3], [sflag:s2] =	dma.local @!p0 [hbm:s0], s1  }
0xde: {  	s0 =	simm.s32 @!p0 $0x5  }
0xdf: {  	_ =	swait.ge @!p0 [sflag:s0], s1  }
0xe0: {  	s1 =	ssub.s32 @!p0 $0x0, s1;
	[sflag:s0] =	ssyncset.done @!p0 $0x0  }
0xe1: {  	[sflag:s0] =	ssyncadd.s32 @!p0 s1  }
0xe2: {  	[bflag:$0x3] =	sbarrier.arrive $0xFFFF  }
0xe3: {  	_ =	shalt  }

// kernel: kernel.9.cloned.1.call-start
scs
__scs_entry_jumppad:
0x0: {  	(pc) =	sbr.rel $0x88, $3  }
0x1: {  	(tag) =	ssettag $0x0;
	lr =	simm.s32 $0x1  }
0x2: {  	[smem:$0x3F9C] =	sst lr;
	_ =	strace $0xD0000000  }
0x3: {  	_ = 	snop  }
0x4: {  	_ = 	snop  }
0x5: {  	_ = 	snop  }
0x6: {  	_ = 	snop  }
0x7: {  	_ = 	snop  }
__scs_overlays_trampoline_lowered:
0x8: {  	[smem:$0x3FAB] =	sst s0  }
0x9: {  	[smem:$0x3FAC] =	sst s1  }
0xa: {  	[smem:$0x3FAD] =	sst s2  }
0xb: {  	[smem:$0x3FAE] =	sst s3  }
0xc: {  	[smem:$0x3FAF] =	sst s4  }
0xd: {  	[smem:$0x3FB0] =	sst s5  }
0xe: {  	[smem:$0x3FB1] =	sst s6  }
0xf: {  	[smem:$0x3FB2] =	sst s7  }
0x10: {  	[smem:$0x3FB3] =	sst s8  }
0x11: {  	[smem:$0x3FB4] =	sst s9;
	s0 =	simm.s32 @!p0 $0x0  }
0x12: {  	s1 =	sld [smem:$0x3F9A];
	s0 =	simm.s32 @p0 $0x1  }
0x13: {  	[smem:$0x3FB5] =	sst s0;
	s0 =	simm.s32 @!p1 $0x0  }
0x14: {  	s2 =	sld [smem:$0x3F99];
	s0 =	simm.s32 @p1 $0x1  }
0x15: {  	[smem:$0x3FB6] =	sst s0;
	s0 =	simm.s32 @!p2 $0x0  }
0x16: {  	s3 =	sld [smem:$0x3FDB];
	s0 =	simm.s32 @p2 $0x1  }
0x17: {  	s4 =	simm.s32 $0x1BF5;
	[smem:$0x3FB8] =	sst s0  }
0x18: {  	s0 =	sld [smem:$0x3F9B];
	_ =	swait.ge [sflag:s4], $0x0  }
0x19: {  	s7 =	sld [smem:$0x3F9C]  }
0x1a: {  	s8 =	sadd.s32 $0xFFFFE003, lr  }
0x1b: {  	s9 =	sadd.s32 $0xFFFFFEF7, lr;
	s5 =	simm.s32 $0xFFFFFFFF;
	p2 =	slt.u32 s8, $0xFFFFF086  }
0x1c: {  	p1 =	slt.u32 s9, $0xF7A;
	s5 =	simm.s32 @!p2 $0x0  }
0x1d: {  	s5 =	simm.s32 @p1 $0x1;
	p0 =	seq.s32 s7, s2  }
0x1e: {  	s7 =	smul.u32 @!p0 $0xF7A, s2;
	p2 =	seq.s32 @!p0 s5, $0x0  }
0x1f: {  	s9 =	smul.u32 $0xF7A, s1;
	s8 =	simm.s32 @!p0 $0x1BF5;
	p2 =	por !p2, p0  }
0x20: {  	[sflag:s8] =	ssyncset.s32 @!p0 $0xFFFFF086;
	s6 =	sadd.s32 @!p0 s3, s7;
	s7 =	simm.s32 @!p0 $0x108  }
0x21: {  	s3 =	sadd.s32 s3, s9;
	s6 =	sadd.s32 @!p0 $0x88, s6;
	s7 =	simm.s32 @p2 $0x1082  }
0x22: {  	[simem:s7], [sflag:s8] =	dma.local @!p0 [hbm:s6], $0xF7A  }
0x23: {  	s9 =	sor.u32 $0xD0000000, s2;
	s6 =	simm.s32 $0x108;
	_ =	swait.ge @!p0 [sflag:s8], $0x0  }
0x24: {  	s3 =	sadd.s32 $0x88, s3;
	s6 =	simm.s32 @!p1 $0x1082;
	[sflag:s4] =	ssyncset.s32 $0xFFFFF086  }
0x25: {  	[simem:s6], [sflag:s4] =	dma.local [hbm:s3], $0xF7A  }
0x26: {  	[smem:$0x3F9C] =	sst s1;
	(tag) =	ssettag s2;
	_ =	strace s9  }
0x27: {  	s1 =	sld [smem:$0x3FAC]  }
0x28: {  	s2 =	sld [smem:$0x3FAD]  }
0x29: {  	s4 =	sld [smem:$0x3FAF]  }
0x2a: {  	p0 =	seq.s32 s5, $0x0;
	s5 =	sld [smem:$0x3FB0]  }
0x2b: {  	s6 =	sld [smem:$0x3FB1]  }
0x2c: {  	s7 =	sld [smem:$0x3FB2]  }
0x2d: {  	s3 =	simm.s32 $0x108;
	s8 =	sld [smem:$0x3FB3]  }
0x2e: {  	s3 =	simm.s32 @!p0 $0x1082;
	s9 =	sld [smem:$0x3FB4]  }
0x2f: {  	lr =	sadd.s32 s0, s3;
	s0 =	sld [smem:$0x3FAB]  }
0x30: {  	s3 =	sld [smem:$0x3FAE]  }
0x31: {  	[smem:$0x3FB7] =	sst s10  }
0x32: {  	s10 =	sld [smem:$0x3FB5];
	_ =	sdelay $0x3  }
0x33: {  	p0 =	seq.s32 s10, $0x1;
	s10 =	sld [smem:$0x3FB7];
	_ =	sdelay $0x3  }
0x34: {  	[smem:$0x3FB7] =	sst s10  }
0x35: {  	s10 =	sld [smem:$0x3FB6];
	_ =	sdelay $0x3  }
0x36: {  	p1 =	seq.s32 s10, $0x1;
	s10 =	sld [smem:$0x3FB7];
	_ =	sdelay $0x3  }
0x37: {  	[smem:$0x3FB7] =	sst s10  }
0x38: {  	s10 =	sld [smem:$0x3FB8]  }
0x39: {  	_ = 	snop;
	(pc) =	sbr.ind lr, $3  }
0x3a: {  	_ = 	snop  }
0x3b: {  	_ = 	snop  }
0x3c: {  	p2 =	seq.s32 s10, $0x1;
	s10 =	sld [smem:$0x3FB7]  }
0x3d: {  	_ =	shalt  }
0x3e: {  	_ =	shalt  }
0x3f: {  	_ =	shalt  }
0x40: {  	_ =	shalt  }
0x41: {  	_ =	shalt  }
0x42: {  	_ =	shalt  }
0x43: {  	_ =	shalt  }
0x44: {  	_ =	shalt  }
0x45: {  	_ =	shalt  }
0x46: {  	_ =	shalt  }
0x47: {  	_ =	shalt  }
0x48: {  	_ =	shalt  }
0x49: {  	_ =	shalt  }
0x4a: {  	_ =	shalt  }
0x4b: {  	_ =	shalt  }
0x4c: {  	_ =	shalt  }
0x4d: {  	_ =	shalt  }
0x4e: {  	_ =	shalt  }
0x4f: {  	_ =	shalt  }
0x50: {  	_ =	shalt  }
0x51: {  	_ =	shalt  }
0x52: {  	_ =	shalt  }
0x53: {  	_ =	shalt  }
0x54: {  	_ =	shalt  }
0x55: {  	_ =	shalt  }
0x56: {  	_ =	shalt  }
0x57: {  	_ =	shalt  }
0x58: {  	_ =	shalt  }
0x59: {  	_ =	shalt  }
0x5a: {  	_ =	shalt  }
0x5b: {  	_ =	shalt  }
0x5c: {  	_ =	shalt  }
0x5d: {  	_ =	shalt  }
0x5e: {  	_ =	shalt  }
0x5f: {  	_ =	shalt  }
0x60: {  	_ =	shalt  }
0x61: {  	_ =	shalt  }
0x62: {  	_ =	shalt  }
0x63: {  	_ =	shalt  }
0x64: {  	_ =	shalt  }
0x65: {  	_ =	shalt  }
0x66: {  	_ =	shalt  }
0x67: {  	_ =	shalt  }
0x68: {  	_ =	shalt  }
0x69: {  	_ =	shalt  }
0x6a: {  	_ =	shalt  }
0x6b: {  	_ =	shalt  }
0x6c: {  	_ =	shalt  }
0x6d: {  	_ =	shalt  }
0x6e: {  	_ =	shalt  }
0x6f: {  	_ =	shalt  }
0x70: {  	_ =	shalt  }
0x71: {  	_ =	shalt  }
0x72: {  	_ =	shalt  }
0x73: {  	_ =	shalt  }
0x74: {  	_ =	shalt  }
0x75: {  	_ =	shalt  }
0x76: {  	_ =	shalt  }
0x77: {  	_ =	shalt  }
0x78: {  	_ =	shalt  }
0x79: {  	_ =	shalt  }
0x7a: {  	_ =	shalt  }
0x7b: {  	_ =	shalt  }
0x7c: {  	_ =	shalt  }
0x7d: {  	_ =	shalt  }
0x7e: {  	_ =	shalt  }
0x7f: {  	_ =	shalt  }
0x80: {  	_ =	shalt  }
0x81: {  	_ =	shalt  }
0x82: {  	_ =	shalt  }
0x83: {  	_ =	shalt  }
0x84: {  	_ =	shalt  }
0x85: {  	_ =	shalt  }
0x86: {  	_ =	shalt  }
0x87: {  	_ =	shalt  }
.Lfunc_end0:
.L_simem_size_0:
called_computation.1_lowered:
.L_overlay_start_0:
0x88: {  	s2 =	sld [smem:$0x3FD9]  }
0x89: {  	s3 =	sld [smem:$0x3FFE];
	_ =	sdelay $0x1  }
0x8a: {  	s1 =	srdreg.scid  }
0x8b: {  	s0 =	sand.u32 $0x1, s1  }
0x8c: {  	s17 =	sshll.u32 s0, $0xA;
	s2 =	sadd.s32 s3, s2  }
0x8d: {  	s2 =	sadd.s32 s2, s17  }
0x8e: {  	[smem:$0x3FC3] =	sst s2  }
0x8f: {  	_ = 	snop  }
0x90: {  	s2 =	sld [smem:$0x3FC8]  }
0x91: {  	s18 =	sld [smem:$0x3FC7]  }
0x92: {  	s4 =	sld [smem:$0x3FC6]  }
0x93: {  	s5 =	sld [smem:$0x3FC5]  }
0x94: {  	s6 =	sld [smem:$0x3FD0];
	(tm) =	ssettm $0x1  }
0x95: {  	s7 =	sld [smem:$0x3FFB];
	_ =	sdelay $0x3  }
0x96: {  	_ =	strace s7  }
0x97: {  	s7 =	sld [smem:$0x3FFC];
	_ =	sdelay $0x3  }
0x98: {  	_ =	strace s7  }
0x99: {  	s7 =	sld [smem:$0x3FFD];
	_ =	sdelay $0x3  }
0x9a: {  	_ =	strace s7  }
0x9b: {  	_ =	strace $0x8FFFFFFF  }
0x9c: {  	s19 =	sld [smem:$0x3FDB];
	_ =	sdelay $0x1  }
0x9d: {  	s8 =	simm.s32 $_scs_section_size  }
0x9e: {  	s9 =	simm.s32 $_size__tile_overlayer_lowered;
	s10 =	simm.s32 $_tile_overlayer_lowered  }
0x9f: {  	s22 =	simm.s32 $0x1BFF;
	s21 =	sshll.u32 s10, $0x1;
	s7 =	sadd.s32 s8, s19  }
0xa0: {  	s11 =	simm.s32 $0x0;
	s20 =	sshll.u32 s9, $0x1;
	s9 =	sadd.s32 s21, s7  }
0xa1: {  	[timem:s11], [sflag:s22] =	dma.local [hbm:s9], s20  }
0xa2: {  	_ =	swait.ge [sflag:s22], s20  }
0xa3: {  	s8 =	ssub.s32 $0x0, s20;
	[sflag:s22] =	ssyncset.done $0x0  }
0xa4: {  	[sflag:s22] =	ssyncadd.s32 s8;
	_ =	sdelay $0x1  }
0xa5: {  	s23 =	simm.s32 $0x1B8B  }
0xa6: {  	_ =	swait.ge [sflag:s23], $0x1  }
0xa7: {  	[sflag:s23] =	ssyncset.done $0x0  }
0xa8: {  	s25 =	simm.s32 $0x1B8E;
	s24 =	sld [smem:$0x3FFE];
	[sflag:s23] =	ssyncadd.s32 $0xFFFFFFFF  }
0xa9: {  	s26 =	simm.s32 $execute0_lowered;
	[smem:$0x3FD2] =	sst s25  }
0xaa: {  	s9 =	sshll.u32 s26, $0x1;
	_ =	strace $0x80000046;
	[dreg:$0x1] =	wrdreg $0xFFFFFFFF  }
0xab: {  	s28 =	simm.s32 $_size_execute0_lowered;
	s7 =	sadd.s32 s7, s9;
	[dreg:$0x0] =	wrdreg $0x0  }
0xac: {  	s9 =	sshll.u32 s28, $0x1;
	[dreg:$0x2] =	wrdreg s7  }
0xad: {  	[dreg:$0x3] =	wrdreg s9  }
0xae: {  	[dreg:$0x4] =	wrdreg $0xC0  }
0xaf: {  	_ =	task [dreg:s11], $0x5FFFF  }
0xb0: {  	[dreg:$0x1] =	wrdreg $0xFFFFFFFF  }
0xb1: {  	[dreg:$0x0] =	wrdreg $0x60  }
0xb2: {  	[dreg:$0x2] =	wrdreg s24  }
0xb3: {  	[dreg:$0x3] =	wrdreg s6  }
0xb4: {  	[dreg:$0x4] =	wrdreg s2  }
0xb5: {  	[dreg:$0x5] =	wrdreg s18  }
0xb6: {  	[dreg:$0x6] =	wrdreg s4  }
0xb7: {  	[dreg:$0x7] =	wrdreg s5  }
0xb8: {  	[dreg:$0x8] =	wrdreg $0xA  }
0xb9: {  	_ =	task.clear_ibuf [dreg:s11], $0x9FFFF;
	_ =	strace $0x90000046  }
0xba: {  	s29 =	simm.s32 $0xA;
	_ =	strace $0x80000048  }
0xbb: {  	_ =	swait.ge [sflag:s29], $0x1  }
0xbc: {  	[sflag:s29] =	ssyncadd.s32 $0xFFFFFFFF  }
0xbd: {  	_ =	strace $0x90000048  }
0xbe: {  	_ =	sfence  }
0xbf: {  	s30 =	sld [smem:$0x0];
	_ =	sdelay $0x2  }
0xc0: {  	s31 =	sshll.u32 s1, $0xD;
	s1 =	sshrl.u32 s1, $0x2  }
0xc1: {  	s3 =	sand.u32 $0x4000, s31;
	s1 =	sadd.s32 s1, s30  }
0xc2: {  	s0 =	sor.u32 s3, s0;
	s1 =	sshll.u32 s1, $0x11  }
0xc3: {  	s0 =	sor.u32 s1, s0  }
0xc4: {  	s0 =	sadd.s32 $0x8F2B, s0  }
0xc5: {  	[sflag:s0] =	ssyncadd.remote.s32 $0x1  }
0xc6: {  	_ =	sfence.sel $0xFFFF  }
0xc7: {  	[dreg:$0x0] =	wrdreg $0xFFFFFFFF;
	(pc) =	sbr.abs _section_cstart, $3  }
0xc8: {  	[dreg:$0x1] =	wrdreg $0xFFFFFFFF  }
0xc9: {  	_ =	task.clear_ibuf [dreg:s11], $0x2FFFF;
	_ =	strace $0x9FFFFFFF  }
0xca: {  	(tm) =	ssettm $0x7FFFFFFF  }
0xcb: {  	_ =	shalt  }
tec
execute0_lowered:
.L_overlay_start_1:
0x0: {  	(tag) =	ssettag $0x1  }
0x1: {  	s0 =	rddreg [dreg:$0x0]  }
0x2: {  	s3 =	rddreg [dreg:$0x1]  }
0x3: {  	s1 =	rddreg [dreg:$0x2]  }
0x4: {  	s2 =	rddreg [dreg:$0x3]  }
0x5: {  	s5 =	srdreg.scid;
	s4 =	rddreg [dreg:$0x4]  }
0x6: {  	s6 =	stileid.u32;
	s22 =	simm.s32 $0x40;
	s24 =	simm.s32 $0x300  }
0x7: {  	s30 =	simm.s32 $0x1;
	s31 =	simm.s32 $0xC300;
	s18 =	simm.s32 $0x2  }
0x8: {  	s21 =	simm.s32 $0x0;
	s28 =	simm.s32 $0x6300;
	s29 =	simm.s32 $0x8300  }
0x9: {  	s12 =	sand.u32 $0x1, s5;
	s5 =	rddreg [dreg:$0x5];
	s7 =	sshll.u32 s6, $0x9  }
0xa: {  	s6 =	simm.s32 $0x0;
	s9 =	sadd.s32 $0x23600, s0;
	s10 =	sadd.s32 $0x43600, s0  }
0xb: {  	s11 =	sadd.s32 $0x63600, s0;
	s13 =	sadd.s32 $0xA3600, s0;
	s8 =	sshll.u32 s12, $0x8  }
0xc: {  	[smem:$0x7FF] =	sst s6;
	s16 =	ssub.s32 $0x2, s12;
	s7 =	sor.u32 s8, s7  }
0xd: {  	s12 =	sadd.s32 $0x83600, s0;
	_ =	strace $0x80000047;
	s8 =	sshrl.u32 s7, $0x3  }
0xe: {  	s25 =	sshrl.u32 s16, $0x1;
	s17 =	sshll.u32 s7, $0x4;
	s14 =	sor.u32 $0x400, s8  }
0xf: {  	s8 =	sadd.s32 $0x3600, s0;
	s15 =	sadd.s32 s14, s0;
	s3 =	sadd.s32 s3, s14  }
0x10: {  	s0 =	ssub.s32 s16, s25;
	s26 =	sadd.s32 $0x2E00, s15;
	[dreg:$0x9] =	wrdreg s3  }
0x11: {  	s25 =	simm.s32 $0x2300;
	s15 =	sadd.s32 $0x2600, s15;
	[dreg:$0x7] =	wrdreg s26  }
0x12: {  	s14 =	simm.s32 $0x12300;
	s0 =	smax.u32 s0, $0x1;
	[dreg:$0x8] =	wrdreg s15  }
0x13: {  	s16 =	simm.s32 $0x16300;
	s3 =	simm.s32 $0xE300;
	[dreg:$0xa] =	wrdreg s0  }
0x14: {  	s0 =	simm.s32 $0x10300;
	s15 =	simm.s32 $0x14300;
	s26 =	simm.s32 $0xA300  }
.LBB2_1:
0x15: {  	[dreg:$0xb] =	wrdreg s21  }
0x16: {  	s19 =	rddreg [dreg:$0x7];
	s20 =	simm.s32 $0x5  }
0x17: {  	[tilespmem:s6], [sflag:$0x5] =	stream.linear.gather [hbm4b:s19+s6], $0x100, $0x38;
	[tilespmem:$0x18300] =	vst v63  }
0x18: {  	_ =	swait.ge [sflag:s20], $0x100  }
0x19: {  	[sflag:s20] =	ssyncset.done $0x0  }
0x1a: {  	s21 =	simm.s32 $0x100;
	s23 =	rddreg [dreg:$0x8];
	[sflag:s20] =	ssyncadd.s32 $0xFFFFFF00  }
0x1b: {  	[tilespmem:s21], [sflag:$0x5] =	stream.linear.gather [hbm4b:s23+s6], $0x100, $0x38;
	[tilespmem:$0x18300] =	vst v63  }
0x1c: {  	_ =	swait.ge [sflag:s20], $0x100  }
0x1d: {  	[sflag:s20] =	ssyncset.done $0x0  }
0x1e: {  	s23 =	simm.s32 $0x200;
	s19 =	rddreg [dreg:$0x9];
	[sflag:s20] =	ssyncadd.s32 $0xFFFFFF00  }
0x1f: {  	[tilespmem:s23], [sflag:$0x5] =	stream.linear.gather [hbm4b:s19+s6], $0x100, $0x38;
	[tilespmem:$0x18300] =	vst v63  }
0x20: {  	_ =	swait.ge [sflag:s20], $0x100  }
0x21: {  	[sflag:s20] =	ssyncset.done $0x0  }
0x22: {  	[sflag:s20] =	ssyncadd.s32 $0xFFFFFF00  }
0x23: {  	[tilespmem:s24], [sflag:$0x1] =	stream.indirect.gather [hbm4b:s1+s22], $0x80, s6, s22, $0xb8;
	[tilespmem:$0x18300] =	vst v63  }
0x24: {  	_ = 	snop  }
0x25: {  	[tilespmem:s25], [sflag:$0x1] =	stream.indirect.gather [hbm4b:s2+s22], $0x80, s21, s22, $0xb8;
	[tilespmem:$0x18300] =	vst v63  }
0x26: {  	s20 =	simm.s32 $0x4300  }
0x27: {  	[tilespmem:s20], [sflag:$0x1] =	stream.indirect.gather [hbm4b:s1+s22], $0x80, s23, s22, $0xb8;
	[tilespmem:$0x18300] =	vst v63  }
0x28: {  	_ = 	snop  }
0x29: {  	[tilespmem:s28], [sflag:$0x1] =	stream.indirect.gather [hbm4b:s4+s22], $0x80, s6, s22, $0xb8;
	[tilespmem:$0x18300] =	vst v63  }
0x2a: {  	_ = 	snop  }
0x2b: {  	[tilespmem:s29], [sflag:$0x1] =	stream.indirect.gather [hbm4b:s5+s22], $0x80, s21, s22, $0xb8;
	[tilespmem:$0x18300] =	vst v63  }
0x2c: {  	p0 =	por $0x1, $0x1;
	p2 =	por $0x0, $0x0;
	s20 =	simm.s32 $0x0  }
0x2d: {  	[tilespmem:s26], [sflag:$0x1] =	stream.indirect.gather [hbm4b:s4+s22], $0x80, s23, s22, $0xb8;
	[tilespmem:$0x18300] =	vst v63  }
.LBB2_2:
0x2e: {  	_ =	swait.ge [sflag:s30], $0x2000  }
0x2f: {  	[sflag:s30] =	ssyncset.done $0x0  }
0x30: {  	[sflag:s30] =	ssyncadd.s32 $0xFFFFE000  }
0x31: {  	_ =	swait.ge [sflag:s30], $0x2000  }
0x32: {  	[sflag:s30] =	ssyncset.done $0x0  }
0x33: {  	[sflag:s30] =	ssyncadd.s32 $0xFFFFE000  }
0x34: {  	_ =	swait.ge [sflag:s30], $0x2000  }
0x35: {  	[sflag:s30] =	ssyncset.done $0x0  }
0x36: {  	[sflag:s30] =	ssyncadd.s32 $0xFFFFE000  }
0x37: {  	_ =	swait.ge [sflag:s30], $0x2000  }
0x38: {  	[sflag:s30] =	ssyncset.done $0x0  }
0x39: {  	[sflag:s30] =	ssyncadd.s32 $0xFFFFE000  }
0x3a: {  	_ =	swait.ge [sflag:s30], $0x2000  }
0x3b: {  	[sflag:s30] =	ssyncset.done $0x0  }
0x3c: {  	[sflag:s30] =	ssyncadd.s32 $0xFFFFE000  }
0x3d: {  	_ =	swait.ge [sflag:s30], $0x2000  }
0x3e: {  	[sflag:s30] =	ssyncset.done $0x0  }
0x3f: {  	s19 =	simm.s32 @p2 $0x4;
	[sflag:s30] =	ssyncadd.s32 $0xFFFFE000  }
0x40: {  	_ =	swait.ge @p2 [sflag:s19], $0x2000  }
0x41: {  	[sflag:s19] =	ssyncset.done @p2 $0x0  }
0x42: {  	[sflag:s19] =	ssyncadd.s32 @p2 $0xFFFFE000  }
0x43: {  	_ =	swait.ge @p2 [sflag:s19], $0x2000  }
0x44: {  	[sflag:s19] =	ssyncset.done @p2 $0x0  }
0x45: {  	[sflag:s19] =	ssyncadd.s32 @p2 $0xFFFFE000  }
0x46: {  	_ =	swait.ge @p2 [sflag:s19], $0x2000  }
0x47: {  	[sflag:s19] =	ssyncset.done @p2 $0x0  }
0x48: {  	[sflag:s19] =	ssyncadd.s32 @p2 $0xFFFFE000  }
0x49: {  	_ =	swait.ge @p2 [sflag:s19], $0x2000  }
0x4a: {  	[sflag:s19] =	ssyncset.done @p2 $0x0  }
0x4b: {  	[sflag:s19] =	ssyncadd.s32 @p2 $0xFFFFE000  }
0x4c: {  	_ =	swait.ge @p2 [sflag:s19], $0x2000  }
0x4d: {  	[sflag:s19] =	ssyncset.done @p2 $0x0  }
0x4e: {  	[sflag:s19] =	ssyncadd.s32 @p2 $0xFFFFE000  }
0x4f: {  	_ =	swait.ge @p2 [sflag:s19], $0x2000  }
0x50: {  	s21 =	sshll.u32 s20, $0x7;
	[sflag:s19] =	ssyncset.done @p2 $0x0  }
0x51: {  	[sflag:s19] =	ssyncadd.s32 @p2 $0xFFFFE000;
	s19 =	sor.u32 $0x40, s21  }
0x52: {  	[tilespmem:s31], [sflag:$0x2] =	stream.indirect.gather [hbm4b:s1+s22], $0x80, s19, s22, $0xb8;
	[tilespmem:$0x18300] =	vst v63  }
0x53: {  	s23 =	sadd.s32 $0x140, s21  }
0x54: {  	[tilespmem:s3], [sflag:$0x2] =	stream.indirect.gather [hbm4b:s2+s22], $0x80, s23, s22, $0xb8;
	[tilespmem:$0x18300] =	vst v63  }
0x55: {  	s21 =	sadd.s32 $0x240, s21  }
0x56: {  	[tilespmem:s0], [sflag:$0x2] =	stream.indirect.gather [hbm4b:s1+s22], $0x80, s21, s22, $0xb8;
	[tilespmem:$0x18300] =	vst v63  }
0x57: {  	_ = 	snop  }
0x58: {  	[tilespmem:s14], [sflag:$0x2] =	stream.indirect.gather [hbm4b:s4+s22], $0x80, s19, s22, $0xb8;
	[tilespmem:$0x18300] =	vst v63  }
0x59: {  	_ = 	snop  }
0x5a: {  	[tilespmem:s15], [sflag:$0x2] =	stream.indirect.gather [hbm4b:s5+s22], $0x80, s23, s22, $0xb8;
	[tilespmem:$0x18300] =	vst v63  }
0x5b: {  	_ = 	snop  }
0x5c: {  	[tilespmem:s16], [sflag:$0x2] =	stream.indirect.gather [hbm4b:s4+s22], $0x80, s21, s22, $0xb8;
	[tilespmem:$0x18300] =	vst v63  }
0x5d: {  	s21 =	sshll.u32 s20, $0xB  }
0x5e: {  	s20 =	sor.u32 s17, s21  }
0x5f: {  	s23 =	sadd.s32 s8, s20  }
0x60: {  	[hbm4b:s23+s6] =	stream.linear.scatter [tilespmem:s24], [sflag:$0x3], $0x2000, $0x38;
	[tilespmem:$0x18300] =	vst v63  }
0x61: {  	s23 =	sadd.s32 s9, s20  }
0x62: {  	[hbm4b:s23+s6] =	stream.linear.scatter [tilespmem:s25], [sflag:$0x3], $0x2000, $0x38;
	[tilespmem:$0x18300] =	vst v63  }
0x63: {  	s24 =	sadd.s32 s10, s20;
	s25 =	simm.s32 $0x4300  }
0x64: {  	[hbm4b:s24+s6] =	stream.linear.scatter [tilespmem:s25], [sflag:$0x3], $0x2000, $0x38;
	[tilespmem:$0x18300] =	vst v63  }
0x65: {  	s24 =	sadd.s32 s11, s20  }
0x66: {  	[hbm4b:s24+s6] =	stream.linear.scatter [tilespmem:s28], [sflag:$0x3], $0x2000, $0x38;
	[tilespmem:$0x18300] =	vst v63  }
0x67: {  	s25 =	sadd.s32 s12, s20  }
0x68: {  	[hbm4b:s25+s6] =	stream.linear.scatter [tilespmem:s29], [sflag:$0x3], $0x2000, $0x38;
	[tilespmem:$0x18300] =	vst v63  }
0x69: {  	s20 =	sadd.s32 s13, s20  }
0x6a: {  	[hbm4b:s20+s6] =	stream.linear.scatter [tilespmem:s26], [sflag:$0x3], $0x2000, $0x38;
	[tilespmem:$0x18300] =	vst v63  }
0x6b: {  	_ =	swait.ge [sflag:s18], $0x2000  }
0x6c: {  	[sflag:s18] =	ssyncset.done $0x0  }
0x6d: {  	[sflag:s18] =	ssyncadd.s32 $0xFFFFE000  }
0x6e: {  	_ =	swait.ge [sflag:s18], $0x2000  }
0x6f: {  	[sflag:s18] =	ssyncset.done $0x0  }
0x70: {  	[sflag:s18] =	ssyncadd.s32 $0xFFFFE000  }
0x71: {  	_ =	swait.ge [sflag:s18], $0x2000  }
0x72: {  	[sflag:s18] =	ssyncset.done $0x0  }
0x73: {  	[sflag:s18] =	ssyncadd.s32 $0xFFFFE000  }
0x74: {  	_ =	swait.ge [sflag:s18], $0x2000  }
0x75: {  	[sflag:s18] =	ssyncset.done $0x0  }
0x76: {  	[sflag:s18] =	ssyncadd.s32 $0xFFFFE000  }
0x77: {  	_ =	swait.ge [sflag:s18], $0x2000  }
0x78: {  	[sflag:s18] =	ssyncset.done $0x0  }
0x79: {  	[sflag:s18] =	ssyncadd.s32 $0xFFFFE000  }
0x7a: {  	_ =	swait.ge [sflag:s18], $0x2000  }
0x7b: {  	[sflag:s18] =	ssyncset.done $0x0  }
0x7c: {  	s20 =	simm.s32 @p0 $0x3;
	[sflag:s18] =	ssyncadd.s32 $0xFFFFE000  }
0x7d: {  	_ =	swait.ge @p0 [sflag:s20], $0x2000  }
0x7e: {  	[sflag:s20] =	ssyncset.done @p0 $0x0  }
0x7f: {  	[sflag:s20] =	ssyncadd.s32 @p0 $0xFFFFE000  }
0x80: {  	_ =	swait.ge @p0 [sflag:s20], $0x2000  }
0x81: {  	[sflag:s20] =	ssyncset.done @p0 $0x0  }
0x82: {  	[sflag:s20] =	ssyncadd.s32 @p0 $0xFFFFE000  }
0x83: {  	_ =	swait.ge @p0 [sflag:s20], $0x2000  }
0x84: {  	[sflag:s20] =	ssyncset.done @p0 $0x0  }
0x85: {  	[sflag:s20] =	ssyncadd.s32 @p0 $0xFFFFE000  }
0x86: {  	_ =	swait.ge @p0 [sflag:s20], $0x2000  }
0x87: {  	[sflag:s20] =	ssyncset.done @p0 $0x0  }
0x88: {  	[sflag:s20] =	ssyncadd.s32 @p0 $0xFFFFE000  }
0x89: {  	_ =	swait.ge @p0 [sflag:s20], $0x2000  }
0x8a: {  	[sflag:s20] =	ssyncset.done @p0 $0x0  }
0x8b: {  	[sflag:s20] =	ssyncadd.s32 @p0 $0xFFFFE000  }
0x8c: {  	_ =	swait.ge @p0 [sflag:s20], $0x2000  }
0x8d: {  	s21 =	simm.s32 @p0 $0x80;
	[sflag:s20] =	ssyncset.done @p0 $0x0  }
0x8e: {  	s23 =	simm.s32 @p0 $0x300;
	[sflag:s20] =	ssyncadd.s32 @p0 $0xFFFFE000;
	s20 =	simm.s32 @p0 $0x40  }
0x8f: {  	[tilespmem:s23], [sflag:$0x1] =	stream.indirect.gather @p0 [hbm4b:s1+s20], $0x80, s21, s20, $0xb8;
	[tilespmem:$0x18300] =	vst v63  }
0x90: {  	s24 =	simm.s32 @p0 $0x2300;
	s23 =	simm.s32 @p0 $0x180  }
0x91: {  	[tilespmem:s24], [sflag:$0x1] =	stream.indirect.gather @p0 [hbm4b:s2+s20], $0x80, s23, s20, $0xb8;
	[tilespmem:$0x18300] =	vst v63  }
0x92: {  	s25 =	simm.s32 @p0 $0x4300;
	s24 =	simm.s32 @p0 $0x280  }
0x93: {  	[tilespmem:s25], [sflag:$0x1] =	stream.indirect.gather @p0 [hbm4b:s1+s20], $0x80, s24, s20, $0xb8;
	[tilespmem:$0x18300] =	vst v63  }
0x94: {  	s25 =	simm.s32 @p0 $0x6300  }
0x95: {  	[tilespmem:s25], [sflag:$0x1] =	stream.indirect.gather @p0 [hbm4b:s4+s20], $0x80, s21, s20, $0xb8;
	[tilespmem:$0x18300] =	vst v63  }
0x96: {  	s19 =	sor.u32 s7, s19;
	s21 =	simm.s32 @p0 $0x8300  }
0x97: {  	[tilespmem:s21], [sflag:$0x1] =	stream.indirect.gather @p0 [hbm4b:s5+s20], $0x80, s23, s20, $0xb8;
	[tilespmem:$0x18300] =	vst v63  }
0x98: {  	s19 =	sshll.u32 s19, $0x4;
	s21 =	simm.s32 @p0 $0xA300  }
0x99: {  	[tilespmem:s21], [sflag:$0x1] =	stream.indirect.gather @p0 [hbm4b:s4+s20], $0x80, s24, s20, $0xb8;
	[tilespmem:$0x18300] =	vst v63  }
0x9a: {  	s23 =	sadd.s32 s8, s19  }
0x9b: {  	[hbm4b:s23+s6] =	stream.linear.scatter [tilespmem:s31], [sflag:$0x4], $0x2000, $0x38;
	[tilespmem:$0x18300] =	vst v63  }
0x9c: {  	s21 =	sadd.s32 s9, s19  }
0x9d: {  	[hbm4b:s21+s6] =	stream.linear.scatter [tilespmem:s3], [sflag:$0x4], $0x2000, $0x38;
	[tilespmem:$0x18300] =	vst v63  }
0x9e: {  	s23 =	sadd.s32 s10, s19  }
0x9f: {  	[hbm4b:s23+s6] =	stream.linear.scatter [tilespmem:s0], [sflag:$0x4], $0x2000, $0x38;
	[tilespmem:$0x18300] =	vst v63  }
0xa0: {  	p1 =	por p0, p0;
	s21 =	sadd.s32 s11, s19  }
0xa1: {  	[hbm4b:s21+s6] =	stream.linear.scatter [tilespmem:s14], [sflag:$0x4], $0x2000, $0x38;
	[tilespmem:$0x18300] =	vst v63  }
.Ltmp0:
0xa2: {  	p2 =	por $0x1, $0x1;
	(pc) =	sbr.rel @p1 .LBB2_2-.Ltmp0, $4  }
0xa3: {  	s25 =	simm.s32 $0x2300;
	s24 =	simm.s32 $0x300;
	s23 =	sadd.s32 s12, s19  }
0xa4: {  	[hbm4b:s23+s6] =	stream.linear.scatter [tilespmem:s15], [sflag:$0x4], $0x2000, $0x38;
	[tilespmem:$0x18300] =	vst v63  }
0xa5: {  	s20 =	simm.s32 $0x1;
	p0 =	por $0x0, $0x0;
	s19 =	sadd.s32 s13, s19  }
0xa6: {  	[hbm4b:s19+s6] =	stream.linear.scatter [tilespmem:s16], [sflag:$0x4], $0x2000, $0x38;
	[tilespmem:$0x18300] =	vst v63  }
0xa7: {  	s19 =	simm.s32 $0x3  }
0xa8: {  	_ =	swait.ge [sflag:s19], $0x2000  }
0xa9: {  	[sflag:s19] =	ssyncset.done $0x0  }
0xaa: {  	[sflag:s19] =	ssyncadd.s32 $0xFFFFE000  }
0xab: {  	_ =	swait.ge [sflag:s19], $0x2000  }
0xac: {  	[sflag:s19] =	ssyncset.done $0x0  }
0xad: {  	[sflag:s19] =	ssyncadd.s32 $0xFFFFE000  }
0xae: {  	_ =	swait.ge [sflag:s19], $0x2000  }
0xaf: {  	[sflag:s19] =	ssyncset.done $0x0  }
0xb0: {  	[sflag:s19] =	ssyncadd.s32 $0xFFFFE000  }
0xb1: {  	_ =	swait.ge [sflag:s19], $0x2000  }
0xb2: {  	[sflag:s19] =	ssyncset.done $0x0  }
0xb3: {  	[sflag:s19] =	ssyncadd.s32 $0xFFFFE000  }
0xb4: {  	_ =	swait.ge [sflag:s19], $0x2000  }
0xb5: {  	[sflag:s19] =	ssyncset.done $0x0  }
0xb6: {  	[sflag:s19] =	ssyncadd.s32 $0xFFFFE000  }
0xb7: {  	_ =	swait.ge [sflag:s19], $0x2000  }
0xb8: {  	[sflag:s19] =	ssyncset.done $0x0  }
0xb9: {  	s20 =	simm.s32 $0x4;
	[sflag:s19] =	ssyncadd.s32 $0xFFFFE000  }
0xba: {  	_ =	swait.ge [sflag:s20], $0x2000  }
0xbb: {  	[sflag:s20] =	ssyncset.done $0x0  }
0xbc: {  	[sflag:s20] =	ssyncadd.s32 $0xFFFFE000  }
0xbd: {  	_ =	swait.ge [sflag:s20], $0x2000  }
0xbe: {  	[sflag:s20] =	ssyncset.done $0x0  }
0xbf: {  	[sflag:s20] =	ssyncadd.s32 $0xFFFFE000  }
0xc0: {  	_ =	swait.ge [sflag:s20], $0x2000  }
0xc1: {  	[sflag:s20] =	ssyncset.done $0x0  }
0xc2: {  	[sflag:s20] =	ssyncadd.s32 $0xFFFFE000  }
0xc3: {  	_ =	swait.ge [sflag:s20], $0x2000  }
0xc4: {  	[sflag:s20] =	ssyncset.done $0x0  }
0xc5: {  	[sflag:s20] =	ssyncadd.s32 $0xFFFFE000  }
0xc6: {  	_ =	swait.ge [sflag:s20], $0x2000  }
0xc7: {  	[sflag:s20] =	ssyncset.done $0x0  }
0xc8: {  	[sflag:s20] =	ssyncadd.s32 $0xFFFFE000  }
0xc9: {  	_ =	swait.ge [sflag:s20], $0x2000  }
0xca: {  	s21 =	rddreg [dreg:$0xb]  }
0xcb: {  	s23 =	rddreg [dreg:$0xa];
	s21 =	sadd.s32 $0x1, s21  }
0xcc: {  	p0 =	sne.s32 s21, s23  }
.Ltmp1:
0xcd: {  	_ = 	snop;
	(pc) =	sbr.rel @p0 .LBB2_1-.Ltmp1, $3  }
0xce: {  	_ =	sdelay $0x1  }
0xcf: {  	[sflag:s20] =	ssyncset.done $0x0  }
0xd0: {  	[sflag:s20] =	ssyncadd.s32 $0xFFFFE000  }
0xd1: {  	_ =	sfence.sel $0x180000  }
0xd2: {  	[bflag:$0x0] =	sbarrier.arrive $0xFFFF  }
0xd3: {  	_ =	strace $0x90000047  }
0xd4: {  	s0 =	stileid.u32;
	[bflag:$0x2] =	sbarrier.arrive $0xFFFF  }
0xd5: {  	p0 =	sne.s32 s0, $0x0;
	s0 =	rddreg [dreg:$0x6]  }
0xd6: {  	s0 =	sadd.s32 @!p0 $0x100000, s0  }
0xd7: {  	[sflag:s0] =	ssyncadd.tile.s32 @!p0 $0x1;
	_ =	shalt  }
.Lfunc_end2:
_tile_overlayer_lowered:
.L_overlay_start_2:
0xd8: {  	(tag) =	ssettag $0x2  }
0xd9: {  	s0 =	rddreg [dreg:$0x0];
	s2 =	stileid.u32  }
0xda: {  	s1 =	rddreg [dreg:$0x1];
	p0 =	sne.s32 s2, $0x0  }
0xdb: {  	s3 =	rddreg [dreg:$0x2];
	[bflag:$0x3] =	sbarrier.arrive $0xFFFF;
	s2 =	simm.s32 @!p0 $0x1C05  }
0xdc: {  	[timem:s3], [sflag:s2] =	dma.local @!p0 [hbm:s0], s1  }
0xdd: {  	s0 =	simm.s32 @!p0 $0x5  }
0xde: {  	_ =	swait.ge @!p0 [sflag:s0], s1  }
0xdf: {  	s1 =	ssub.s32 @!p0 $0x0, s1;
	[sflag:s0] =	ssyncset.done @!p0 $0x0  }
0xe0: {  	[sflag:s0] =	ssyncadd.s32 @!p0 s1  }
0xe1: {  	[bflag:$0x3] =	sbarrier.arrive $0xFFFF  }
0xe2: {  	_ =	shalt  }

</sc_bundles>
